<compile_context>
chip_gen: v7x
topology: tpu7x:2x2x1
jax: 0.10.2.dev20260603
libtpu: 0.0.44.dev20260713+nightly
codegen_flags: <defaults>
</compile_context>

<pallas_src>
import functools

import jax
import jax.numpy as jnp
from jax import lax
from jax.experimental import pallas as pl
from jax.experimental.pallas import tpu as pltpu
from jax.experimental.pallas import tpu_sc as plsc

N = 8192
K = 16
ROWS = 256
NODE_BLK = 512



G = N // 128
INF = 3e38


def _knn_body(pos_blk_ref, pt_ref, idx_ref, d2_ref):
    pb = pos_blk_ref[:]
    sq_b = jnp.sum(pb * pb, axis=1, keepdims=True)
    lane = lax.broadcasted_iota(jnp.int32, (ROWS, 128), 1)
    lane_k = lax.broadcasted_iota(jnp.int32, (ROWS, K), 1)
    acc0 = jnp.full((ROWS, 128), INF, jnp.float32)
    accg0 = jnp.zeros((ROWS, 128), jnp.int32)
    bigi = jnp.int32(1 << 30)

    def extract(acc, accg):
        v = jnp.min(acc, axis=1, keepdims=True)
        col = accg * 128 + lane
        return jnp.min(jnp.where(acc <= v, col, bigi), axis=1)

    U = 8

    def g0(gu, carry):
        acc, accg = carry
        for u in range(U):
            g = gu * U + u
            pt = pt_ref[g]
            sqg = jnp.sum(pt * pt, axis=0, keepdims=True)
            dv = sq_b + sqg - 2.0 * jnp.dot(
                pb, pt, preferred_element_type=jnp.float32)
            d2_ref[g] = dv
            c = dv < acc
            acc = jnp.where(c, dv, acc)
            accg = jnp.where(c, g, accg)
        return acc, accg

    acc, accg = lax.fori_loop(0, G // U, g0, (acc0, accg0))
    am = extract(acc, accg)
    idx_acc = jnp.where(lane_k == 0, am[:, None], 0)

    def round_k(k, carry):
        am_prev, idx_acc = carry

        def gb(gu, c2):
            acc, accg, tgt = c2
            for u in range(U):
                g = gu * U + u
                dv = d2_ref[g]
                dv = jnp.where(lane == tgt, INF, dv)
                d2_ref[g] = dv
                c = dv < acc
                acc = jnp.where(c, dv, acc)
                accg = jnp.where(c, g, accg)
                tgt = tgt - 128
            return acc, accg, tgt

        acc, accg, _ = lax.fori_loop(
            0, G // U, gb, (acc0, accg0, am_prev[:, None]))
        am = extract(acc, accg)
        return am, jnp.where(lane_k == k, am[:, None], idx_acc)

    _, idx_acc = lax.fori_loop(1, K, round_k, (am, idx_acc))
    idx_ref[:] = idx_acc


def _knn(pos_pad):
    pt = jnp.transpose(pos_pad.reshape(G, 128, 8), (0, 2, 1))
    return pl.pallas_call(
        _knn_body,
        grid=(N // ROWS,),
        in_specs=[
            pl.BlockSpec((ROWS, 8), lambda i: (i, 0)),
            pl.BlockSpec((G, 8, 128), lambda i: (0, 0, 0)),
        ],
        out_specs=pl.BlockSpec((ROWS, K), lambda i: (i, 0)),
        out_shape=jax.ShapeDtypeStruct((N, K), jnp.int32),
        scratch_shapes=[pltpu.VMEM((G, ROWS, 128), jnp.float32)],
    )(pos_pad, pt)



def _pre_body(x_ref, pos_ref, wx_ref, wr_ref, ba_ref, a_ref, c_ref):
    p = jnp.dot(pos_ref[:], wr_ref[:], preferred_element_type=jnp.float32)
    a_ref[:] = jnp.dot(x_ref[:], wx_ref[:], preferred_element_type=jnp.float32) + p
    c_ref[:] = ba_ref[:] - p


def _pre(x, pos_pad, wx, wr, ba):
    do = wx.shape[1]
    return pl.pallas_call(
        _pre_body,
        out_shape=(
            jax.ShapeDtypeStruct((N, do), jnp.float32),
            jax.ShapeDtypeStruct((N, do), jnp.float32),
        ),
    )(x, pos_pad, wx, wr, ba)



NW = 32
NBUF = 4


def _sc_gather(table, idx2d):
    do = table.shape[1]
    nchunks = idx2d.shape[0]
    cpw = nchunks // NW

    mesh = plsc.VectorSubcoreMesh(core_axis_name="c", subcore_axis_name="s")

    @functools.partial(
        pl.kernel,
        mesh=mesh,
        out_type=jax.ShapeDtypeStruct((N * K, do), jnp.float32),
        scratch_types=[
            pltpu.VMEM((cpw, 128), jnp.int32),
            pltpu.VMEM((NBUF, 128, do), jnp.float32),
        ] + [pltpu.SemaphoreType.DMA] * NBUF,
    )
    def k(table_hbm, idx_hbm, out_hbm, idx_v, rows_v, *sems):
        wid = lax.axis_index("s") * 2 + lax.axis_index("c")
        base = wid * cpw
        pltpu.sync_copy(idx_hbm.at[pl.ds(base, cpw)], idx_v)

        def outer(g, carry):
            handles = []
            for b in range(NBUF):
                ch = g * NBUF + b
                handles.append(pltpu.async_copy(
                    table_hbm.at[idx_v.at[ch]], rows_v.at[b], sems[b]))
            for b in range(NBUF):
                handles[b].wait()
                row0 = (base + g * NBUF + b) * 128
                pltpu.sync_copy(rows_v.at[b], out_hbm.at[pl.ds(row0, 128)])
            return carry

        lax.fori_loop(0, cpw // NBUF, outer, 0)

    return k(table, idx2d)



def _post_body(g_ref, c_ref, wb_ref, bb_ref, out_ref):
    do = g_ref.shape[1]
    do2 = wb_ref.shape[1]
    g = g_ref[:]
    c = c_ref[:]
    m = jnp.maximum(g.reshape(NODE_BLK, K, do) + c[:, None, :], 0.0)
    h = jnp.dot(m.reshape(NODE_BLK * K, do), wb_ref[:],
                preferred_element_type=jnp.float32) + bb_ref[:]
    out_ref[:] = jnp.maximum(jnp.max(h.reshape(NODE_BLK, K, do2), axis=1), 0.0)


def _post(gathered, c, wb, bb):
    do = gathered.shape[1]
    do2 = wb.shape[1]
    nblk = N // NODE_BLK
    return pl.pallas_call(
        _post_body,
        grid=(nblk,),
        in_specs=[
            pl.BlockSpec((NODE_BLK * K, do), lambda i: (i, 0)),
            pl.BlockSpec((NODE_BLK, do), lambda i: (i, 0)),
            pl.BlockSpec((do, do2), lambda i: (0, 0)),
            pl.BlockSpec((1, do2), lambda i: (0, 0)),
        ],
        out_specs=pl.BlockSpec((NODE_BLK, do2), lambda i: (i, 0)),
        out_shape=jax.ShapeDtypeStruct((N, do2), jnp.float32),
    )(gathered, c, wb, bb)



def _pad_to(m, rows=None, cols=None):
    r = m.shape[0] if rows is None else rows
    c = m.shape[1] if cols is None else cols
    out = jnp.zeros((r, c), m.dtype)
    return out.at[: m.shape[0], : m.shape[1]].set(m)


def _layer(x, pos_pad, wa, ba, wb, bb):
    dx = wa.shape[0] - 3
    dxp = 8 if dx < 8 else dx
    wx = _pad_to(wa[:dx], rows=dxp, cols=128)
    if x.shape[1] != dxp:
        x = _pad_to(x, cols=dxp)
    wr = _pad_to(wa[dx:], rows=8, cols=128)
    ba_p = _pad_to(ba.reshape(1, -1), cols=128)
    a, c = _pre(x, pos_pad, wx, wr, ba_p)
    return a, c


def kernel(pos, normal, batch, W1a, b1a, W1b, b1b, W2a, b2a, W2b, b2b,
           W3a, b3a, W3b, b3b):
    pos_pad = jnp.concatenate([pos, jnp.zeros((N, 5), pos.dtype)], axis=1)

    idx = _knn(pos_pad)
    idx2d = idx.reshape(N * K // 128, 128)

    x1 = jnp.concatenate([pos, normal], axis=1)

    outs = []
    x = x1
    for wa, ba, wb, bb in ((W1a, b1a, W1b, b1b),
                           (W2a, b2a, W2b, b2b),
                           (W3a, b3a, W3b, b3b)):
        a, c = _layer(x, pos_pad, wa, ba, wb, bb)
        g = _sc_gather(a, idx2d)
        wb_p = _pad_to(wb, rows=128)
        x = _post(g, c, wb_p, bb.reshape(1, -1))
        outs.append(x)
    return tuple(outs)

# --- scband reference (transcript-rebuilt; emitter-appended) ---
"""Pipeline reference for scband-point-net-simple-4303557231214 (READ-ONLY COPY).

The authoritative reference and input builder live on the scoring server;
editing this copy changes nothing except your own understanding.
"""

import jax, jax.numpy as jnp
import numpy as np

N = 8192
K = 16

def setup_inputs(seed: int = 0):
    key = jax.random.key(seed)
    ks = jax.random.split(key, 10)
    pos = jax.random.uniform(ks[0], (N, 3), dtype=jnp.float32)
    normal = jax.random.normal(ks[1], (N, 3), dtype=jnp.float32)
    batch = jnp.zeros((N,), dtype=jnp.int32)
    def mk(k_, fi, fo):
        return jax.random.normal(k_, (fi, fo), dtype=jnp.float32) / np.sqrt(fi)
    params = {
        'W1a': mk(ks[2], 9, 64),   'b1a': jnp.zeros((64,), jnp.float32),
        'W1b': mk(ks[3], 64, 64),  'b1b': jnp.zeros((64,), jnp.float32),
        'W2a': mk(ks[4], 67, 64),  'b2a': jnp.zeros((64,), jnp.float32),
        'W2b': mk(ks[5], 64, 64),  'b2b': jnp.zeros((64,), jnp.float32),
        'W3a': mk(ks[6], 67, 128), 'b3a': jnp.zeros((128,), jnp.float32),
        'W3b': mk(ks[7], 128, 128),'b3b': jnp.zeros((128,), jnp.float32),
    }
    return {'pos': pos, 'normal': normal, 'batch': batch, **params}

def _knn_idx(pos, batch, k):
    # knn_graph(k, loop=True) within each batch element; batch offset trick keeps
    # neighbors inside the same cloud. Self-loop included since d(i,i)=0 is minimal.
    p = pos + batch.astype(pos.dtype)[:, None] * 1e6
    sq = jnp.sum(p * p, axis=-1)
    d2 = sq[:, None] + sq[None, :] - 2.0 * (p @ p.T)
    _, idx = jax.lax.top_k(-d2, k)
    return idx  # [N, K] neighbor (source) indices per center node

def _pointnet_conv(x, pos, idx, Wa, ba, Wb, bb):
    # PointNetConv: message = local_nn(cat[x_j, pos_j - pos_i]); aggr = max
    xj = x[idx]                          # [N, K, dx] gather
    rel = pos[idx] - pos[:, None, :]     # [N, K, 3]
    m = jnp.concatenate([xj, rel], axis=-1)
    h = jnp.maximum(m @ Wa + ba, 0.0) @ Wb + bb
    return jnp.max(h, axis=1)

def reference(pos, normal, batch, W1a, b1a, W1b, b1b, W2a, b2a, W2b, b2b, W3a, b3a, W3b, b3b):
    h = jnp.concatenate([pos, normal], axis=-1)
    idx = _knn_idx(pos, batch, K)
    h1 = jax.nn.relu(_pointnet_conv(h,  pos, idx, W1a, b1a, W1b, b1b))
    h2 = jax.nn.relu(_pointnet_conv(h1, pos, idx, W2a, b2a, W2b, b2b))
    h3 = jax.nn.relu(_pointnet_conv(h2, pos, idx, W3a, b3a, W3b, b3b))
    return (h1, h2, h3)

if __name__ == "__main__":
    import jax
    _d = setup_inputs()
    print(jax.jit(kernel)(*tuple(_d.values())))

</pallas_src>

<mosaic_0001>
#map = affine_map<(d0, d1) -> (0, 0)>
module attributes {stable_mosaic.version = 14 : i64} {
  func.func @k(%arg0: i32, %arg1: i32, %arg2: memref<8192x128xf32, #tpu.memory_space<hbm>>, %arg3: memref<1024x128xi32, #tpu.memory_space<hbm>>, %arg4: memref<131072x128xf32, #tpu.memory_space<hbm>>, %arg5: memref<32x128xi32, #tpu.memory_space<vmem>>, %arg6: memref<4x128x128xf32, #tpu.memory_space<vmem>>, %arg7: memref<!tpu.dma_semaphore, #tpu.memory_space<semaphore_mem>>, %arg8: memref<!tpu.dma_semaphore, #tpu.memory_space<semaphore_mem>>, %arg9: memref<!tpu.dma_semaphore, #tpu.memory_space<semaphore_mem>>, %arg10: memref<!tpu.dma_semaphore, #tpu.memory_space<semaphore_mem>>) attributes {dimension_semantics = [#tpu.dimension_semantics<core_parallel>, #tpu.dimension_semantics<subcore_parallel>], iteration_bounds = array<i64: 2, 16>, scalar_prefetch = 0 : i64, scratch_operands = 6 : i64, tpu.core_type = #tpu.core_type<sc_vector_subcore>, window_params = [{transform_indices = #map}, {transform_indices = #map}, {transform_indices = #map}]} {
    %mul3A = arith.constant 2 : i32
    %mul3A_0 = arith.muli %arg1, %mul3A : i32
    %add3A = arith.addi %mul3A_0, %arg0 : i32
    %mul3A_1 = arith.constant 32 : i32
    %mul3A_2 = arith.muli %add3A, %mul3A_1 : i32
    "tpu.region"() ({
      %run_scoped3A = tpu.sem_alloc : memref<!tpu.dma_semaphore, #tpu.memory_space<semaphore_mem>>
      %dma_start3A = arith.constant 0 : i32
      %dma_start3A_8 = tpu.memref_slice %arg3[%mul3A_2, %dma_start3A] : memref<1024x128xi32, #tpu.memory_space<hbm>> -> memref<32x128xi32, #tpu.memory_space<hbm>>
      %dma_start3A_9 = arith.constant 0 : i32
      %dma_start3A_10 = tpu.memref_slice %arg3[%mul3A_2, %dma_start3A_9] : memref<1024x128xi32, #tpu.memory_space<hbm>> -> memref<32x128xi32, #tpu.memory_space<hbm>>
      tpu.enqueue_dma source(%dma_start3A_10 : memref<32x128xi32, #tpu.memory_space<hbm>>) target(%arg5 : memref<32x128xi32, #tpu.memory_space<vmem>>) target_semaphore(%run_scoped3A : memref<!tpu.dma_semaphore, #tpu.memory_space<semaphore_mem>>)
      %dma_wait3A = arith.constant 0 : i32
      %dma_wait3A_11 = tpu.memref_slice %arg3[%mul3A_2, %dma_wait3A] : memref<1024x128xi32, #tpu.memory_space<hbm>> -> memref<32x128xi32, #tpu.memory_space<hbm>>
      %dma_wait3A_12 = arith.constant 0 : i32
      %dma_wait3A_13 = tpu.memref_slice %arg3[%mul3A_2, %dma_wait3A_12] : memref<1024x128xi32, #tpu.memory_space<hbm>> -> memref<32x128xi32, #tpu.memory_space<hbm>>
      tpu.wait_dma2 semaphore(%run_scoped3A : memref<!tpu.dma_semaphore, #tpu.memory_space<semaphore_mem>>) src(%dma_wait3A_13 : memref<32x128xi32, #tpu.memory_space<hbm>>) dst(%arg5 : memref<32x128xi32, #tpu.memory_space<vmem>>)
      tpu.yield
    }) : () -> ()
    %scan3A = arith.constant 0 : i32
    %scan3A_3 = arith.constant 0 : i32
    %scan3A_4 = arith.constant 8 : i32
    %scan3A_5 = arith.addi %scan3A_3, %scan3A_4 : i32
    %scan3A_6 = arith.constant 1 : i32
    scf.for %scan3A_8 = %scan3A_3 to %scan3A_5 step %scan3A_6  : i32 {
      %mul3A_9 = arith.constant 4 : i32
      %mul3A_10 = arith.muli %scan3A_8, %mul3A_9 : i32
      %add3A_11 = arith.constant 0 : i32
      %add3A_12 = arith.addi %mul3A_10, %add3A_11 : i32
      %dma_start3A = arith.constant 0 : i32
      %dma_start3A_13 = arith.constant 0 : i32
      %dma_start3A_14 = arith.constant 0 : i32
      %dma_start3A_15 = tpu.memref_slice %arg6[%dma_start3A, %dma_start3A_13, %dma_start3A_14] : memref<4x128x128xf32, #tpu.memory_space<vmem>> -> memref<1x128x128xf32, #tpu.memory_space<vmem>>
      %dma_start3A_16 = tpu.memref_squeeze %dma_start3A_15 : memref<1x128x128xf32, #tpu.memory_space<vmem>> -> memref<128x128xf32, #tpu.memory_space<vmem>>
      %dma_start3A_17 = arith.constant 0 : i32
      %dma_start3A_18 = tpu.memref_slice %arg5[%add3A_12, %dma_start3A_17] : memref<32x128xi32, #tpu.memory_space<vmem>> -> memref<1x128xi32, #tpu.memory_space<vmem>>
      %dma_start3A_19 = tpu.memref_squeeze %dma_start3A_18 : memref<1x128xi32, #tpu.memory_space<vmem>> -> memref<128xi32, #tpu.memory_space<vmem>>
      %dma_start3A_20 = arith.constant 0 : i32
      %dma_start3A_21 = arith.constant 0 : i32
      %dma_start3A_22 = tpu.memref_slice %arg2[%dma_start3A_20, %dma_start3A_21] : memref<8192x128xf32, #tpu.memory_space<hbm>> -> memref<8192x128xf32, #tpu.memory_space<hbm>>
      tpu.enqueue_indirect_dma source(%dma_start3A_22 : memref<8192x128xf32, #tpu.memory_space<hbm>>) target(%dma_start3A_16 : memref<128x128xf32, #tpu.memory_space<vmem>>) offsets(%dma_start3A_19 : memref<128xi32, #tpu.memory_space<vmem>>) semaphore(%arg7 : memref<!tpu.dma_semaphore, #tpu.memory_space<semaphore_mem>>)
      %mul3A_23 = arith.constant 4 : i32
      %mul3A_24 = arith.muli %scan3A_8, %mul3A_23 : i32
      %add3A_25 = arith.constant 1 : i32
      %add3A_26 = arith.addi %mul3A_24, %add3A_25 : i32
      %dma_start3A_27 = arith.constant 1 : i32
      %dma_start3A_28 = arith.constant 0 : i32
      %dma_start3A_29 = arith.constant 0 : i32
      %dma_start3A_30 = tpu.memref_slice %arg6[%dma_start3A_27, %dma_start3A_28, %dma_start3A_29] : memref<4x128x128xf32, #tpu.memory_space<vmem>> -> memref<1x128x128xf32, #tpu.memory_space<vmem>>
      %dma_start3A_31 = tpu.memref_squeeze %dma_start3A_30 : memref<1x128x128xf32, #tpu.memory_space<vmem>> -> memref<128x128xf32, #tpu.memory_space<vmem>>
      %dma_start3A_32 = arith.constant 0 : i32
      %dma_start3A_33 = tpu.memref_slice %arg5[%add3A_26, %dma_start3A_32] : memref<32x128xi32, #tpu.memory_space<vmem>> -> memref<1x128xi32, #tpu.memory_space<vmem>>
      %dma_start3A_34 = tpu.memref_squeeze %dma_start3A_33 : memref<1x128xi32, #tpu.memory_space<vmem>> -> memref<128xi32, #tpu.memory_space<vmem>>
      %dma_start3A_35 = arith.constant 0 : i32
      %dma_start3A_36 = arith.constant 0 : i32
      %dma_start3A_37 = tpu.memref_slice %arg2[%dma_start3A_35, %dma_start3A_36] : memref<8192x128xf32, #tpu.memory_space<hbm>> -> memref<8192x128xf32, #tpu.memory_space<hbm>>
      tpu.enqueue_indirect_dma source(%dma_start3A_37 : memref<8192x128xf32, #tpu.memory_space<hbm>>) target(%dma_start3A_31 : memref<128x128xf32, #tpu.memory_space<vmem>>) offsets(%dma_start3A_34 : memref<128xi32, #tpu.memory_space<vmem>>) semaphore(%arg8 : memref<!tpu.dma_semaphore, #tpu.memory_space<semaphore_mem>>)
      %mul3A_38 = arith.constant 4 : i32
      %mul3A_39 = arith.muli %scan3A_8, %mul3A_38 : i32
      %add3A_40 = arith.constant 2 : i32
      %add3A_41 = arith.addi %mul3A_39, %add3A_40 : i32
      %dma_start3A_42 = arith.constant 2 : i32
      %dma_start3A_43 = arith.constant 0 : i32
      %dma_start3A_44 = arith.constant 0 : i32
      %dma_start3A_45 = tpu.memref_slice %arg6[%dma_start3A_42, %dma_start3A_43, %dma_start3A_44] : memref<4x128x128xf32, #tpu.memory_space<vmem>> -> memref<1x128x128xf32, #tpu.memory_space<vmem>>
      %dma_start3A_46 = tpu.memref_squeeze %dma_start3A_45 : memref<1x128x128xf32, #tpu.memory_space<vmem>> -> memref<128x128xf32, #tpu.memory_space<vmem>>
      %dma_start3A_47 = arith.constant 0 : i32
      %dma_start3A_48 = tpu.memref_slice %arg5[%add3A_41, %dma_start3A_47] : memref<32x128xi32, #tpu.memory_space<vmem>> -> memref<1x128xi32, #tpu.memory_space<vmem>>
      %dma_start3A_49 = tpu.memref_squeeze %dma_start3A_48 : memref<1x128xi32, #tpu.memory_space<vmem>> -> memref<128xi32, #tpu.memory_space<vmem>>
      %dma_start3A_50 = arith.constant 0 : i32
      %dma_start3A_51 = arith.constant 0 : i32
      %dma_start3A_52 = tpu.memref_slice %arg2[%dma_start3A_50, %dma_start3A_51] : memref<8192x128xf32, #tpu.memory_space<hbm>> -> memref<8192x128xf32, #tpu.memory_space<hbm>>
      tpu.enqueue_indirect_dma source(%dma_start3A_52 : memref<8192x128xf32, #tpu.memory_space<hbm>>) target(%dma_start3A_46 : memref<128x128xf32, #tpu.memory_space<vmem>>) offsets(%dma_start3A_49 : memref<128xi32, #tpu.memory_space<vmem>>) semaphore(%arg9 : memref<!tpu.dma_semaphore, #tpu.memory_space<semaphore_mem>>)
      %mul3A_53 = arith.constant 4 : i32
      %mul3A_54 = arith.muli %scan3A_8, %mul3A_53 : i32
      %add3A_55 = arith.constant 3 : i32
      %add3A_56 = arith.addi %mul3A_54, %add3A_55 : i32
      %dma_start3A_57 = arith.constant 3 : i32
      %dma_start3A_58 = arith.constant 0 : i32
      %dma_start3A_59 = arith.constant 0 : i32
      %dma_start3A_60 = tpu.memref_slice %arg6[%dma_start3A_57, %dma_start3A_58, %dma_start3A_59] : memref<4x128x128xf32, #tpu.memory_space<vmem>> -> memref<1x128x128xf32, #tpu.memory_space<vmem>>
      %dma_start3A_61 = tpu.memref_squeeze %dma_start3A_60 : memref<1x128x128xf32, #tpu.memory_space<vmem>> -> memref<128x128xf32, #tpu.memory_space<vmem>>
      %dma_start3A_62 = arith.constant 0 : i32
      %dma_start3A_63 = tpu.memref_slice %arg5[%add3A_56, %dma_start3A_62] : memref<32x128xi32, #tpu.memory_space<vmem>> -> memref<1x128xi32, #tpu.memory_space<vmem>>
      %dma_start3A_64 = tpu.memref_squeeze %dma_start3A_63 : memref<1x128xi32, #tpu.memory_space<vmem>> -> memref<128xi32, #tpu.memory_space<vmem>>
      %dma_start3A_65 = arith.constant 0 : i32
      %dma_start3A_66 = arith.constant 0 : i32
      %dma_start3A_67 = tpu.memref_slice %arg2[%dma_start3A_65, %dma_start3A_66] : memref<8192x128xf32, #tpu.memory_space<hbm>> -> memref<8192x128xf32, #tpu.memory_space<hbm>>
      tpu.enqueue_indirect_dma source(%dma_start3A_67 : memref<8192x128xf32, #tpu.memory_space<hbm>>) target(%dma_start3A_61 : memref<128x128xf32, #tpu.memory_space<vmem>>) offsets(%dma_start3A_64 : memref<128xi32, #tpu.memory_space<vmem>>) semaphore(%arg10 : memref<!tpu.dma_semaphore, #tpu.memory_space<semaphore_mem>>)
      %dma_wait3A = arith.constant 0 : i32
      %dma_wait3A_68 = arith.constant 0 : i32
      %dma_wait3A_69 = arith.constant 0 : i32
      %dma_wait3A_70 = tpu.memref_slice %arg6[%dma_wait3A, %dma_wait3A_68, %dma_wait3A_69] : memref<4x128x128xf32, #tpu.memory_space<vmem>> -> memref<1x128x128xf32, #tpu.memory_space<vmem>>
      %dma_wait3A_71 = tpu.memref_squeeze %dma_wait3A_70 : memref<1x128x128xf32, #tpu.memory_space<vmem>> -> memref<128x128xf32, #tpu.memory_space<vmem>>
      %dma_wait3A_72 = arith.constant 0 : i32
      %dma_wait3A_73 = tpu.memref_slice %arg5[%add3A_12, %dma_wait3A_72] : memref<32x128xi32, #tpu.memory_space<vmem>> -> memref<1x128xi32, #tpu.memory_space<vmem>>
      %dma_wait3A_74 = tpu.memref_squeeze %dma_wait3A_73 : memref<1x128xi32, #tpu.memory_space<vmem>> -> memref<128xi32, #tpu.memory_space<vmem>>
      %dma_wait3A_75 = arith.constant 0 : i32
      %dma_wait3A_76 = arith.constant 0 : i32
      %dma_wait3A_77 = tpu.memref_slice %arg2[%dma_wait3A_75, %dma_wait3A_76] : memref<8192x128xf32, #tpu.memory_space<hbm>> -> memref<8192x128xf32, #tpu.memory_space<hbm>>
      tpu.wait_indirect_dma semaphore(%arg7 : memref<!tpu.dma_semaphore, #tpu.memory_space<semaphore_mem>>) src(%dma_wait3A_77 : memref<8192x128xf32, #tpu.memory_space<hbm>>) dst(%dma_wait3A_71 : memref<128x128xf32, #tpu.memory_space<vmem>>)
      %mul3A_78 = arith.constant 4 : i32
      %mul3A_79 = arith.muli %scan3A_8, %mul3A_78 : i32
      %add3A_80 = arith.addi %mul3A_2, %mul3A_79 : i32
      %add3A_81 = arith.constant 0 : i32
      %add3A_82 = arith.addi %add3A_80, %add3A_81 : i32
      %mul3A_83 = arith.constant 128 : i32
      %mul3A_84 = arith.muli %add3A_82, %mul3A_83 : i32
      %run_scoped3A = arith.constant 0 : i32
      "tpu.region"() ({
        %run_scoped3A_142 = tpu.sem_alloc : memref<!tpu.dma_semaphore, #tpu.memory_space<semaphore_mem>>
        %dma_start3A_143 = arith.constant 0 : i32
        %dma_start3A_144 = arith.constant 0 : i32
        %dma_start3A_145 = tpu.memref_slice %arg6[%run_scoped3A, %dma_start3A_143, %dma_start3A_144] : memref<4x128x128xf32, #tpu.memory_space<vmem>> -> memref<1x128x128xf32, #tpu.memory_space<vmem>>
        %dma_start3A_146 = tpu.memref_squeeze %dma_start3A_145 : memref<1x128x128xf32, #tpu.memory_space<vmem>> -> memref<128x128xf32, #tpu.memory_space<vmem>>
        %dma_start3A_147 = arith.constant 0 : i32
        %dma_start3A_148 = tpu.memref_slice %arg4[%mul3A_84, %dma_start3A_147] : memref<131072x128xf32, #tpu.memory_space<hbm>> -> memref<128x128xf32, #tpu.memory_space<hbm>>
        %dma_start3A_149 = arith.constant 0 : i32
        %dma_start3A_150 = tpu.memref_slice %arg4[%mul3A_84, %dma_start3A_149] : memref<131072x128xf32, #tpu.memory_space<hbm>> -> memref<128x128xf32, #tpu.memory_space<hbm>>
        %dma_start3A_151 = arith.constant 0 : i32
        %dma_start3A_152 = arith.constant 0 : i32
        %dma_start3A_153 = tpu.memref_slice %arg6[%run_scoped3A, %dma_start3A_151, %dma_start3A_152] : memref<4x128x128xf32, #tpu.memory_space<vmem>> -> memref<1x128x128xf32, #tpu.memory_space<vmem>>
        %dma_start3A_154 = tpu.memref_squeeze %dma_start3A_153 : memref<1x128x128xf32, #tpu.memory_space<vmem>> -> memref<128x128xf32, #tpu.memory_space<vmem>>
        tpu.enqueue_dma source(%dma_start3A_154 : memref<128x128xf32, #tpu.memory_space<vmem>>) target(%dma_start3A_150 : memref<128x128xf32, #tpu.memory_space<hbm>>) target_semaphore(%run_scoped3A_142 : memref<!tpu.dma_semaphore, #tpu.memory_space<semaphore_mem>>)
        %dma_wait3A_155 = arith.constant 0 : i32
        %dma_wait3A_156 = arith.constant 0 : i32
        %dma_wait3A_157 = tpu.memref_slice %arg6[%run_scoped3A, %dma_wait3A_155, %dma_wait3A_156] : memref<4x128x128xf32, #tpu.memory_space<vmem>> -> memref<1x128x128xf32, #tpu.memory_space<vmem>>
        %dma_wait3A_158 = tpu.memref_squeeze %dma_wait3A_157 : memref<1x128x128xf32, #tpu.memory_space<vmem>> -> memref<128x128xf32, #tpu.memory_space<vmem>>
        %dma_wait3A_159 = arith.constant 0 : i32
        %dma_wait3A_160 = tpu.memref_slice %arg4[%mul3A_84, %dma_wait3A_159] : memref<131072x128xf32, #tpu.memory_space<hbm>> -> memref<128x128xf32, #tpu.memory_space<hbm>>
        %dma_wait3A_161 = arith.constant 0 : i32
        %dma_wait3A_162 = tpu.memref_slice %arg4[%mul3A_84, %dma_wait3A_161] : memref<131072x128xf32, #tpu.memory_space<hbm>> -> memref<128x128xf32, #tpu.memory_space<hbm>>
        %dma_wait3A_163 = arith.constant 0 : i32
        %dma_wait3A_164 = arith.constant 0 : i32
        %dma_wait3A_165 = tpu.memref_slice %arg6[%run_scoped3A, %dma_wait3A_163, %dma_wait3A_164] : memref<4x128x128xf32, #tpu.memory_space<vmem>> -> memref<1x128x128xf32, #tpu.memory_space<vmem>>
        %dma_wait3A_166 = tpu.memref_squeeze %dma_wait3A_165 : memref<1x128x128xf32, #tpu.memory_space<vmem>> -> memref<128x128xf32, #tpu.memory_space<vmem>>
        tpu.wait_dma2 semaphore(%run_scoped3A_142 : memref<!tpu.dma_semaphore, #tpu.memory_space<semaphore_mem>>) src(%dma_wait3A_166 : memref<128x128xf32, #tpu.memory_space<vmem>>) dst(%dma_wait3A_162 : memref<128x128xf32, #tpu.memory_space<hbm>>)
        tpu.yield
      }) : () -> ()
      %dma_wait3A_85 = arith.constant 1 : i32
      %dma_wait3A_86 = arith.constant 0 : i32
      %dma_wait3A_87 = arith.constant 0 : i32
      %dma_wait3A_88 = tpu.memref_slice %arg6[%dma_wait3A_85, %dma_wait3A_86, %dma_wait3A_87] : memref<4x128x128xf32, #tpu.memory_space<vmem>> -> memref<1x128x128xf32, #tpu.memory_space<vmem>>
      %dma_wait3A_89 = tpu.memref_squeeze %dma_wait3A_88 : memref<1x128x128xf32, #tpu.memory_space<vmem>> -> memref<128x128xf32, #tpu.memory_space<vmem>>
      %dma_wait3A_90 = arith.constant 0 : i32
      %dma_wait3A_91 = tpu.memref_slice %arg5[%add3A_26, %dma_wait3A_90] : memref<32x128xi32, #tpu.memory_space<vmem>> -> memref<1x128xi32, #tpu.memory_space<vmem>>
      %dma_wait3A_92 = tpu.memref_squeeze %dma_wait3A_91 : memref<1x128xi32, #tpu.memory_space<vmem>> -> memref<128xi32, #tpu.memory_space<vmem>>
      %dma_wait3A_93 = arith.constant 0 : i32
      %dma_wait3A_94 = arith.constant 0 : i32
      %dma_wait3A_95 = tpu.memref_slice %arg2[%dma_wait3A_93, %dma_wait3A_94] : memref<8192x128xf32, #tpu.memory_space<hbm>> -> memref<8192x128xf32, #tpu.memory_space<hbm>>
      tpu.wait_indirect_dma semaphore(%arg8 : memref<!tpu.dma_semaphore, #tpu.memory_space<semaphore_mem>>) src(%dma_wait3A_95 : memref<8192x128xf32, #tpu.memory_space<hbm>>) dst(%dma_wait3A_89 : memref<128x128xf32, #tpu.memory_space<vmem>>)
      %mul3A_96 = arith.constant 4 : i32
      %mul3A_97 = arith.muli %scan3A_8, %mul3A_96 : i32
      %add3A_98 = arith.addi %mul3A_2, %mul3A_97 : i32
      %add3A_99 = arith.constant 1 : i32
      %add3A_100 = arith.addi %add3A_98, %add3A_99 : i32
      %mul3A_101 = arith.constant 128 : i32
      %mul3A_102 = arith.muli %add3A_100, %mul3A_101 : i32
      %run_scoped3A_103 = arith.constant 1 : i32
      "tpu.region"() ({
        %run_scoped3A_142 = tpu.sem_alloc : memref<!tpu.dma_semaphore, #tpu.memory_space<semaphore_mem>>
        %dma_start3A_143 = arith.constant 0 : i32
        %dma_start3A_144 = arith.constant 0 : i32
        %dma_start3A_145 = tpu.memref_slice %arg6[%run_scoped3A_103, %dma_start3A_143, %dma_start3A_144] : memref<4x128x128xf32, #tpu.memory_space<vmem>> -> memref<1x128x128xf32, #tpu.memory_space<vmem>>
        %dma_start3A_146 = tpu.memref_squeeze %dma_start3A_145 : memref<1x128x128xf32, #tpu.memory_space<vmem>> -> memref<128x128xf32, #tpu.memory_space<vmem>>
        %dma_start3A_147 = arith.constant 0 : i32
        %dma_start3A_148 = tpu.memref_slice %arg4[%mul3A_102, %dma_start3A_147] : memref<131072x128xf32, #tpu.memory_space<hbm>> -> memref<128x128xf32, #tpu.memory_space<hbm>>
        %dma_start3A_149 = arith.constant 0 : i32
        %dma_start3A_150 = tpu.memref_slice %arg4[%mul3A_102, %dma_start3A_149] : memref<131072x128xf32, #tpu.memory_space<hbm>> -> memref<128x128xf32, #tpu.memory_space<hbm>>
        %dma_start3A_151 = arith.constant 0 : i32
        %dma_start3A_152 = arith.constant 0 : i32
        %dma_start3A_153 = tpu.memref_slice %arg6[%run_scoped3A_103, %dma_start3A_151, %dma_start3A_152] : memref<4x128x128xf32, #tpu.memory_space<vmem>> -> memref<1x128x128xf32, #tpu.memory_space<vmem>>
        %dma_start3A_154 = tpu.memref_squeeze %dma_start3A_153 : memref<1x128x128xf32, #tpu.memory_space<vmem>> -> memref<128x128xf32, #tpu.memory_space<vmem>>
        tpu.enqueue_dma source(%dma_start3A_154 : memref<128x128xf32, #tpu.memory_space<vmem>>) target(%dma_start3A_150 : memref<128x128xf32, #tpu.memory_space<hbm>>) target_semaphore(%run_scoped3A_142 : memref<!tpu.dma_semaphore, #tpu.memory_space<semaphore_mem>>)
        %dma_wait3A_155 = arith.constant 0 : i32
        %dma_wait3A_156 = arith.constant 0 : i32
        %dma_wait3A_157 = tpu.memref_slice %arg6[%run_scoped3A_103, %dma_wait3A_155, %dma_wait3A_156] : memref<4x128x128xf32, #tpu.memory_space<vmem>> -> memref<1x128x128xf32, #tpu.memory_space<vmem>>
        %dma_wait3A_158 = tpu.memref_squeeze %dma_wait3A_157 : memref<1x128x128xf32, #tpu.memory_space<vmem>> -> memref<128x128xf32, #tpu.memory_space<vmem>>
        %dma_wait3A_159 = arith.constant 0 : i32
        %dma_wait3A_160 = tpu.memref_slice %arg4[%mul3A_102, %dma_wait3A_159] : memref<131072x128xf32, #tpu.memory_space<hbm>> -> memref<128x128xf32, #tpu.memory_space<hbm>>
        %dma_wait3A_161 = arith.constant 0 : i32
        %dma_wait3A_162 = tpu.memref_slice %arg4[%mul3A_102, %dma_wait3A_161] : memref<131072x128xf32, #tpu.memory_space<hbm>> -> memref<128x128xf32, #tpu.memory_space<hbm>>
        %dma_wait3A_163 = arith.constant 0 : i32
        %dma_wait3A_164 = arith.constant 0 : i32
        %dma_wait3A_165 = tpu.memref_slice %arg6[%run_scoped3A_103, %dma_wait3A_163, %dma_wait3A_164] : memref<4x128x128xf32, #tpu.memory_space<vmem>> -> memref<1x128x128xf32, #tpu.memory_space<vmem>>
        %dma_wait3A_166 = tpu.memref_squeeze %dma_wait3A_165 : memref<1x128x128xf32, #tpu.memory_space<vmem>> -> memref<128x128xf32, #tpu.memory_space<vmem>>
        tpu.wait_dma2 semaphore(%run_scoped3A_142 : memref<!tpu.dma_semaphore, #tpu.memory_space<semaphore_mem>>) src(%dma_wait3A_166 : memref<128x128xf32, #tpu.memory_space<vmem>>) dst(%dma_wait3A_162 : memref<128x128xf32, #tpu.memory_space<hbm>>)
        tpu.yield
      }) : () -> ()
      %dma_wait3A_104 = arith.constant 2 : i32
      %dma_wait3A_105 = arith.constant 0 : i32
      %dma_wait3A_106 = arith.constant 0 : i32
      %dma_wait3A_107 = tpu.memref_slice %arg6[%dma_wait3A_104, %dma_wait3A_105, %dma_wait3A_106] : memref<4x128x128xf32, #tpu.memory_space<vmem>> -> memref<1x128x128xf32, #tpu.memory_space<vmem>>
      %dma_wait3A_108 = tpu.memref_squeeze %dma_wait3A_107 : memref<1x128x128xf32, #tpu.memory_space<vmem>> -> memref<128x128xf32, #tpu.memory_space<vmem>>
      %dma_wait3A_109 = arith.constant 0 : i32
      %dma_wait3A_110 = tpu.memref_slice %arg5[%add3A_41, %dma_wait3A_109] : memref<32x128xi32, #tpu.memory_space<vmem>> -> memref<1x128xi32, #tpu.memory_space<vmem>>
      %dma_wait3A_111 = tpu.memref_squeeze %dma_wait3A_110 : memref<1x128xi32, #tpu.memory_space<vmem>> -> memref<128xi32, #tpu.memory_space<vmem>>
      %dma_wait3A_112 = arith.constant 0 : i32
      %dma_wait3A_113 = arith.constant 0 : i32
      %dma_wait3A_114 = tpu.memref_slice %arg2[%dma_wait3A_112, %dma_wait3A_113] : memref<8192x128xf32, #tpu.memory_space<hbm>> -> memref<8192x128xf32, #tpu.memory_space<hbm>>
      tpu.wait_indirect_dma semaphore(%arg9 : memref<!tpu.dma_semaphore, #tpu.memory_space<semaphore_mem>>) src(%dma_wait3A_114 : memref<8192x128xf32, #tpu.memory_space<hbm>>) dst(%dma_wait3A_108 : memref<128x128xf32, #tpu.memory_space<vmem>>)
      %mul3A_115 = arith.constant 4 : i32
      %mul3A_116 = arith.muli %scan3A_8, %mul3A_115 : i32
      %add3A_117 = arith.addi %mul3A_2, %mul3A_116 : i32
      %add3A_118 = arith.constant 2 : i32
      %add3A_119 = arith.addi %add3A_117, %add3A_118 : i32
      %mul3A_120 = arith.constant 128 : i32
      %mul3A_121 = arith.muli %add3A_119, %mul3A_120 : i32
      %run_scoped3A_122 = arith.constant 2 : i32
      "tpu.region"() ({
        %run_scoped3A_142 = tpu.sem_alloc : memref<!tpu.dma_semaphore, #tpu.memory_space<semaphore_mem>>
        %dma_start3A_143 = arith.constant 0 : i32
        %dma_start3A_144 = arith.constant 0 : i32
        %dma_start3A_145 = tpu.memref_slice %arg6[%run_scoped3A_122, %dma_start3A_143, %dma_start3A_144] : memref<4x128x128xf32, #tpu.memory_space<vmem>> -> memref<1x128x128xf32, #tpu.memory_space<vmem>>
        %dma_start3A_146 = tpu.memref_squeeze %dma_start3A_145 : memref<1x128x128xf32, #tpu.memory_space<vmem>> -> memref<128x128xf32, #tpu.memory_space<vmem>>
        %dma_start3A_147 = arith.constant 0 : i32
        %dma_start3A_148 = tpu.memref_slice %arg4[%mul3A_121, %dma_start3A_147] : memref<131072x128xf32, #tpu.memory_space<hbm>> -> memref<128x128xf32, #tpu.memory_space<hbm>>
        %dma_start3A_149 = arith.constant 0 : i32
        %dma_start3A_150 = tpu.memref_slice %arg4[%mul3A_121, %dma_start3A_149] : memref<131072x128xf32, #tpu.memory_space<hbm>> -> memref<128x128xf32, #tpu.memory_space<hbm>>
        %dma_start3A_151 = arith.constant 0 : i32
        %dma_start3A_152 = arith.constant 0 : i32
        %dma_start3A_153 = tpu.memref_slice %arg6[%run_scoped3A_122, %dma_start3A_151, %dma_start3A_152] : memref<4x128x128xf32, #tpu.memory_space<vmem>> -> memref<1x128x128xf32, #tpu.memory_space<vmem>>
        %dma_start3A_154 = tpu.memref_squeeze %dma_start3A_153 : memref<1x128x128xf32, #tpu.memory_space<vmem>> -> memref<128x128xf32, #tpu.memory_space<vmem>>
        tpu.enqueue_dma source(%dma_start3A_154 : memref<128x128xf32, #tpu.memory_space<vmem>>) target(%dma_start3A_150 : memref<128x128xf32, #tpu.memory_space<hbm>>) target_semaphore(%run_scoped3A_142 : memref<!tpu.dma_semaphore, #tpu.memory_space<semaphore_mem>>)
        %dma_wait3A_155 = arith.constant 0 : i32
        %dma_wait3A_156 = arith.constant 0 : i32
        %dma_wait3A_157 = tpu.memref_slice %arg6[%run_scoped3A_122, %dma_wait3A_155, %dma_wait3A_156] : memref<4x128x128xf32, #tpu.memory_space<vmem>> -> memref<1x128x128xf32, #tpu.memory_space<vmem>>
        %dma_wait3A_158 = tpu.memref_squeeze %dma_wait3A_157 : memref<1x128x128xf32, #tpu.memory_space<vmem>> -> memref<128x128xf32, #tpu.memory_space<vmem>>
        %dma_wait3A_159 = arith.constant 0 : i32
        %dma_wait3A_160 = tpu.memref_slice %arg4[%mul3A_121, %dma_wait3A_159] : memref<131072x128xf32, #tpu.memory_space<hbm>> -> memref<128x128xf32, #tpu.memory_space<hbm>>
        %dma_wait3A_161 = arith.constant 0 : i32
        %dma_wait3A_162 = tpu.memref_slice %arg4[%mul3A_121, %dma_wait3A_161] : memref<131072x128xf32, #tpu.memory_space<hbm>> -> memref<128x128xf32, #tpu.memory_space<hbm>>
        %dma_wait3A_163 = arith.constant 0 : i32
        %dma_wait3A_164 = arith.constant 0 : i32
        %dma_wait3A_165 = tpu.memref_slice %arg6[%run_scoped3A_122, %dma_wait3A_163, %dma_wait3A_164] : memref<4x128x128xf32, #tpu.memory_space<vmem>> -> memref<1x128x128xf32, #tpu.memory_space<vmem>>
        %dma_wait3A_166 = tpu.memref_squeeze %dma_wait3A_165 : memref<1x128x128xf32, #tpu.memory_space<vmem>> -> memref<128x128xf32, #tpu.memory_space<vmem>>
        tpu.wait_dma2 semaphore(%run_scoped3A_142 : memref<!tpu.dma_semaphore, #tpu.memory_space<semaphore_mem>>) src(%dma_wait3A_166 : memref<128x128xf32, #tpu.memory_space<vmem>>) dst(%dma_wait3A_162 : memref<128x128xf32, #tpu.memory_space<hbm>>)
        tpu.yield
      }) : () -> ()
      %dma_wait3A_123 = arith.constant 3 : i32
      %dma_wait3A_124 = arith.constant 0 : i32
      %dma_wait3A_125 = arith.constant 0 : i32
      %dma_wait3A_126 = tpu.memref_slice %arg6[%dma_wait3A_123, %dma_wait3A_124, %dma_wait3A_125] : memref<4x128x128xf32, #tpu.memory_space<vmem>> -> memref<1x128x128xf32, #tpu.memory_space<vmem>>
      %dma_wait3A_127 = tpu.memref_squeeze %dma_wait3A_126 : memref<1x128x128xf32, #tpu.memory_space<vmem>> -> memref<128x128xf32, #tpu.memory_space<vmem>>
      %dma_wait3A_128 = arith.constant 0 : i32
      %dma_wait3A_129 = tpu.memref_slice %arg5[%add3A_56, %dma_wait3A_128] : memref<32x128xi32, #tpu.memory_space<vmem>> -> memref<1x128xi32, #tpu.memory_space<vmem>>
      %dma_wait3A_130 = tpu.memref_squeeze %dma_wait3A_129 : memref<1x128xi32, #tpu.memory_space<vmem>> -> memref<128xi32, #tpu.memory_space<vmem>>
      %dma_wait3A_131 = arith.constant 0 : i32
      %dma_wait3A_132 = arith.constant 0 : i32
      %dma_wait3A_133 = tpu.memref_slice %arg2[%dma_wait3A_131, %dma_wait3A_132] : memref<8192x128xf32, #tpu.memory_space<hbm>> -> memref<8192x128xf32, #tpu.memory_space<hbm>>
      tpu.wait_indirect_dma semaphore(%arg10 : memref<!tpu.dma_semaphore, #tpu.memory_space<semaphore_mem>>) src(%dma_wait3A_133 : memref<8192x128xf32, #tpu.memory_space<hbm>>) dst(%dma_wait3A_127 : memref<128x128xf32, #tpu.memory_space<vmem>>)
      %mul3A_134 = arith.constant 4 : i32
      %mul3A_135 = arith.muli %scan3A_8, %mul3A_134 : i32
      %add3A_136 = arith.addi %mul3A_2, %mul3A_135 : i32
      %add3A_137 = arith.constant 3 : i32
      %add3A_138 = arith.addi %add3A_136, %add3A_137 : i32
      %mul3A_139 = arith.constant 128 : i32
      %mul3A_140 = arith.muli %add3A_138, %mul3A_139 : i32
      %run_scoped3A_141 = arith.constant 3 : i32
      "tpu.region"() ({
        %run_scoped3A_142 = tpu.sem_alloc : memref<!tpu.dma_semaphore, #tpu.memory_space<semaphore_mem>>
        %dma_start3A_143 = arith.constant 0 : i32
        %dma_start3A_144 = arith.constant 0 : i32
        %dma_start3A_145 = tpu.memref_slice %arg6[%run_scoped3A_141, %dma_start3A_143, %dma_start3A_144] : memref<4x128x128xf32, #tpu.memory_space<vmem>> -> memref<1x128x128xf32, #tpu.memory_space<vmem>>
        %dma_start3A_146 = tpu.memref_squeeze %dma_start3A_145 : memref<1x128x128xf32, #tpu.memory_space<vmem>> -> memref<128x128xf32, #tpu.memory_space<vmem>>
        %dma_start3A_147 = arith.constant 0 : i32
        %dma_start3A_148 = tpu.memref_slice %arg4[%mul3A_140, %dma_start3A_147] : memref<131072x128xf32, #tpu.memory_space<hbm>> -> memref<128x128xf32, #tpu.memory_space<hbm>>
        %dma_start3A_149 = arith.constant 0 : i32
        %dma_start3A_150 = tpu.memref_slice %arg4[%mul3A_140, %dma_start3A_149] : memref<131072x128xf32, #tpu.memory_space<hbm>> -> memref<128x128xf32, #tpu.memory_space<hbm>>
        %dma_start3A_151 = arith.constant 0 : i32
        %dma_start3A_152 = arith.constant 0 : i32
        %dma_start3A_153 = tpu.memref_slice %arg6[%run_scoped3A_141, %dma_start3A_151, %dma_start3A_152] : memref<4x128x128xf32, #tpu.memory_space<vmem>> -> memref<1x128x128xf32, #tpu.memory_space<vmem>>
        %dma_start3A_154 = tpu.memref_squeeze %dma_start3A_153 : memref<1x128x128xf32, #tpu.memory_space<vmem>> -> memref<128x128xf32, #tpu.memory_space<vmem>>
        tpu.enqueue_dma source(%dma_start3A_154 : memref<128x128xf32, #tpu.memory_space<vmem>>) target(%dma_start3A_150 : memref<128x128xf32, #tpu.memory_space<hbm>>) target_semaphore(%run_scoped3A_142 : memref<!tpu.dma_semaphore, #tpu.memory_space<semaphore_mem>>)
        %dma_wait3A_155 = arith.constant 0 : i32
        %dma_wait3A_156 = arith.constant 0 : i32
        %dma_wait3A_157 = tpu.memref_slice %arg6[%run_scoped3A_141, %dma_wait3A_155, %dma_wait3A_156] : memref<4x128x128xf32, #tpu.memory_space<vmem>> -> memref<1x128x128xf32, #tpu.memory_space<vmem>>
        %dma_wait3A_158 = tpu.memref_squeeze %dma_wait3A_157 : memref<1x128x128xf32, #tpu.memory_space<vmem>> -> memref<128x128xf32, #tpu.memory_space<vmem>>
        %dma_wait3A_159 = arith.constant 0 : i32
        %dma_wait3A_160 = tpu.memref_slice %arg4[%mul3A_140, %dma_wait3A_159] : memref<131072x128xf32, #tpu.memory_space<hbm>> -> memref<128x128xf32, #tpu.memory_space<hbm>>
        %dma_wait3A_161 = arith.constant 0 : i32
        %dma_wait3A_162 = tpu.memref_slice %arg4[%mul3A_140, %dma_wait3A_161] : memref<131072x128xf32, #tpu.memory_space<hbm>> -> memref<128x128xf32, #tpu.memory_space<hbm>>
        %dma_wait3A_163 = arith.constant 0 : i32
        %dma_wait3A_164 = arith.constant 0 : i32
        %dma_wait3A_165 = tpu.memref_slice %arg6[%run_scoped3A_141, %dma_wait3A_163, %dma_wait3A_164] : memref<4x128x128xf32, #tpu.memory_space<vmem>> -> memref<1x128x128xf32, #tpu.memory_space<vmem>>
        %dma_wait3A_166 = tpu.memref_squeeze %dma_wait3A_165 : memref<1x128x128xf32, #tpu.memory_space<vmem>> -> memref<128x128xf32, #tpu.memory_space<vmem>>
        tpu.wait_dma2 semaphore(%run_scoped3A_142 : memref<!tpu.dma_semaphore, #tpu.memory_space<semaphore_mem>>) src(%dma_wait3A_166 : memref<128x128xf32, #tpu.memory_space<vmem>>) dst(%dma_wait3A_162 : memref<128x128xf32, #tpu.memory_space<hbm>>)
        tpu.yield
      }) : () -> ()
    }
    %scan3A_7 = arith.constant 8 : i32
    return
  }
}

#map = affine_map<(d0, d1) -> (0, 0)>
module attributes {stable_mosaic.version = 14 : i64} {
  func.func @k(%arg0: i32, %arg1: i32, %arg2: memref<8192x128xf32, #tpu.memory_space<hbm>>, %arg3: memref<1024x128xi32, #tpu.memory_space<hbm>>, %arg4: memref<131072x128xf32, #tpu.memory_space<hbm>>, %arg5: memref<32x128xi32, #tpu.memory_space<vmem>>, %arg6: memref<4x128x128xf32, #tpu.memory_space<vmem>>, %arg7: memref<!tpu.dma_semaphore, #tpu.memory_space<semaphore_mem>>, %arg8: memref<!tpu.dma_semaphore, #tpu.memory_space<semaphore_mem>>, %arg9: memref<!tpu.dma_semaphore, #tpu.memory_space<semaphore_mem>>, %arg10: memref<!tpu.dma_semaphore, #tpu.memory_space<semaphore_mem>>) attributes {dimension_semantics = [#tpu.dimension_semantics<core_parallel>, #tpu.dimension_semantics<subcore_parallel>], iteration_bounds = array<i64: 2, 16>, scalar_prefetch = 0 : i64, scratch_operands = 6 : i64, tpu.core_type = #tpu.core_type<sc_vector_subcore>, window_params = [{transform_indices = #map}, {transform_indices = #map}, {transform_indices = #map}]} {
    %mul3A = arith.constant 2 : i32
    %mul3A_0 = arith.muli %arg1, %mul3A : i32
    %add3A = arith.addi %mul3A_0, %arg0 : i32
    %mul3A_1 = arith.constant 32 : i32
    %mul3A_2 = arith.muli %add3A, %mul3A_1 : i32
    "tpu.region"() ({
      %run_scoped3A = tpu.sem_alloc : memref<!tpu.dma_semaphore, #tpu.memory_space<semaphore_mem>>
      %dma_start3A = arith.constant 0 : i32
      %dma_start3A_8 = tpu.memref_slice %arg3[%mul3A_2, %dma_start3A] : memref<1024x128xi32, #tpu.memory_space<hbm>> -> memref<32x128xi32, #tpu.memory_space<hbm>>
      %dma_start3A_9 = arith.constant 0 : i32
      %dma_start3A_10 = tpu.memref_slice %arg3[%mul3A_2, %dma_start3A_9] : memref<1024x128xi32, #tpu.memory_space<hbm>> -> memref<32x128xi32, #tpu.memory_space<hbm>>
      tpu.enqueue_dma source(%dma_start3A_10 : memref<32x128xi32, #tpu.memory_space<hbm>>) target(%arg5 : memref<32x128xi32, #tpu.memory_space<vmem>>) target_semaphore(%run_scoped3A : memref<!tpu.dma_semaphore, #tpu.memory_space<semaphore_mem>>)
      %dma_wait3A = arith.constant 0 : i32
      %dma_wait3A_11 = tpu.memref_slice %arg3[%mul3A_2, %dma_wait3A] : memref<1024x128xi32, #tpu.memory_space<hbm>> -> memref<32x128xi32, #tpu.memory_space<hbm>>
      %dma_wait3A_12 = arith.constant 0 : i32
      %dma_wait3A_13 = tpu.memref_slice %arg3[%mul3A_2, %dma_wait3A_12] : memref<1024x128xi32, #tpu.memory_space<hbm>> -> memref<32x128xi32, #tpu.memory_space<hbm>>
      tpu.wait_dma2 semaphore(%run_scoped3A : memref<!tpu.dma_semaphore, #tpu.memory_space<semaphore_mem>>) src(%dma_wait3A_13 : memref<32x128xi32, #tpu.memory_space<hbm>>) dst(%arg5 : memref<32x128xi32, #tpu.memory_space<vmem>>)
      tpu.yield
    }) : () -> ()
    %scan3A = arith.constant 0 : i32
    %scan3A_3 = arith.constant 0 : i32
    %scan3A_4 = arith.constant 8 : i32
    %scan3A_5 = arith.addi %scan3A_3, %scan3A_4 : i32
    %scan3A_6 = arith.constant 1 : i32
    scf.for %scan3A_8 = %scan3A_3 to %scan3A_5 step %scan3A_6  : i32 {
      %mul3A_9 = arith.constant 4 : i32
      %mul3A_10 = arith.muli %scan3A_8, %mul3A_9 : i32
      %add3A_11 = arith.constant 0 : i32
      %add3A_12 = arith.addi %mul3A_10, %add3A_11 : i32
      %dma_start3A = arith.constant 0 : i32
      %dma_start3A_13 = arith.constant 0 : i32
      %dma_start3A_14 = arith.constant 0 : i32
      %dma_start3A_15 = tpu.memref_slice %arg6[%dma_start3A, %dma_start3A_13, %dma_start3A_14] : memref<4x128x128xf32, #tpu.memory_space<vmem>> -> memref<1x128x128xf32, #tpu.memory_space<vmem>>
      %dma_start3A_16 = tpu.memref_squeeze %dma_start3A_15 : memref<1x128x128xf32, #tpu.memory_space<vmem>> -> memref<128x128xf32, #tpu.memory_space<vmem>>
      %dma_start3A_17 = arith.constant 0 : i32
      %dma_start3A_18 = tpu.memref_slice %arg5[%add3A_12, %dma_start3A_17] : memref<32x128xi32, #tpu.memory_space<vmem>> -> memref<1x128xi32, #tpu.memory_space<vmem>>
      %dma_start3A_19 = tpu.memref_squeeze %dma_start3A_18 : memref<1x128xi32, #tpu.memory_space<vmem>> -> memref<128xi32, #tpu.memory_space<vmem>>
      %dma_start3A_20 = arith.constant 0 : i32
      %dma_start3A_21 = arith.constant 0 : i32
      %dma_start3A_22 = tpu.memref_slice %arg2[%dma_start3A_20, %dma_start3A_21] : memref<8192x128xf32, #tpu.memory_space<hbm>> -> memref<8192x128xf32, #tpu.memory_space<hbm>>
      tpu.enqueue_indirect_dma source(%dma_start3A_22 : memref<8192x128xf32, #tpu.memory_space<hbm>>) target(%dma_start3A_16 : memref<128x128xf32, #tpu.memory_space<vmem>>) offsets(%dma_start3A_19 : memref<128xi32, #tpu.memory_space<vmem>>) semaphore(%arg7 : memref<!tpu.dma_semaphore, #tpu.memory_space<semaphore_mem>>)
      %mul3A_23 = arith.constant 4 : i32
      %mul3A_24 = arith.muli %scan3A_8, %mul3A_23 : i32
      %add3A_25 = arith.constant 1 : i32
      %add3A_26 = arith.addi %mul3A_24, %add3A_25 : i32
      %dma_start3A_27 = arith.constant 1 : i32
      %dma_start3A_28 = arith.constant 0 : i32
      %dma_start3A_29 = arith.constant 0 : i32
      %dma_start3A_30 = tpu.memref_slice %arg6[%dma_start3A_27, %dma_start3A_28, %dma_start3A_29] : memref<4x128x128xf32, #tpu.memory_space<vmem>> -> memref<1x128x128xf32, #tpu.memory_space<vmem>>
      %dma_start3A_31 = tpu.memref_squeeze %dma_start3A_30 : memref<1x128x128xf32, #tpu.memory_space<vmem>> -> memref<128x128xf32, #tpu.memory_space<vmem>>
      %dma_start3A_32 = arith.constant 0 : i32
      %dma_start3A_33 = tpu.memref_slice %arg5[%add3A_26, %dma_start3A_32] : memref<32x128xi32, #tpu.memory_space<vmem>> -> memref<1x128xi32, #tpu.memory_space<vmem>>
      %dma_start3A_34 = tpu.memref_squeeze %dma_start3A_33 : memref<1x128xi32, #tpu.memory_space<vmem>> -> memref<128xi32, #tpu.memory_space<vmem>>
      %dma_start3A_35 = arith.constant 0 : i32
      %dma_start3A_36 = arith.constant 0 : i32
      %dma_start3A_37 = tpu.memref_slice %arg2[%dma_start3A_35, %dma_start3A_36] : memref<8192x128xf32, #tpu.memory_space<hbm>> -> memref<8192x128xf32, #tpu.memory_space<hbm>>
      tpu.enqueue_indirect_dma source(%dma_start3A_37 : memref<8192x128xf32, #tpu.memory_space<hbm>>) target(%dma_start3A_31 : memref<128x128xf32, #tpu.memory_space<vmem>>) offsets(%dma_start3A_34 : memref<128xi32, #tpu.memory_space<vmem>>) semaphore(%arg8 : memref<!tpu.dma_semaphore, #tpu.memory_space<semaphore_mem>>)
      %mul3A_38 = arith.constant 4 : i32
      %mul3A_39 = arith.muli %scan3A_8, %mul3A_38 : i32
      %add3A_40 = arith.constant 2 : i32
      %add3A_41 = arith.addi %mul3A_39, %add3A_40 : i32
      %dma_start3A_42 = arith.constant 2 : i32
      %dma_start3A_43 = arith.constant 0 : i32
      %dma_start3A_44 = arith.constant 0 : i32
      %dma_start3A_45 = tpu.memref_slice %arg6[%dma_start3A_42, %dma_start3A_43, %dma_start3A_44] : memref<4x128x128xf32, #tpu.memory_space<vmem>> -> memref<1x128x128xf32, #tpu.memory_space<vmem>>
      %dma_start3A_46 = tpu.memref_squeeze %dma_start3A_45 : memref<1x128x128xf32, #tpu.memory_space<vmem>> -> memref<128x128xf32, #tpu.memory_space<vmem>>
      %dma_start3A_47 = arith.constant 0 : i32
      %dma_start3A_48 = tpu.memref_slice %arg5[%add3A_41, %dma_start3A_47] : memref<32x128xi32, #tpu.memory_space<vmem>> -> memref<1x128xi32, #tpu.memory_space<vmem>>
      %dma_start3A_49 = tpu.memref_squeeze %dma_start3A_48 : memref<1x128xi32, #tpu.memory_space<vmem>> -> memref<128xi32, #tpu.memory_space<vmem>>
      %dma_start3A_50 = arith.constant 0 : i32
      %dma_start3A_51 = arith.constant 0 : i32
      %dma_start3A_52 = tpu.memref_slice %arg2[%dma_start3A_50, %dma_start3A_51] : memref<8192x128xf32, #tpu.memory_space<hbm>> -> memref<8192x128xf32, #tpu.memory_space<hbm>>
      tpu.enqueue_indirect_dma source(%dma_start3A_52 : memref<8192x128xf32, #tpu.memory_space<hbm>>) target(%dma_start3A_46 : memref<128x128xf32, #tpu.memory_space<vmem>>) offsets(%dma_start3A_49 : memref<128xi32, #tpu.memory_space<vmem>>) semaphore(%arg9 : memref<!tpu.dma_semaphore, #tpu.memory_space<semaphore_mem>>)
      %mul3A_53 = arith.constant 4 : i32
      %mul3A_54 = arith.muli %scan3A_8, %mul3A_53 : i32
      %add3A_55 = arith.constant 3 : i32
      %add3A_56 = arith.addi %mul3A_54, %add3A_55 : i32
      %dma_start3A_57 = arith.constant 3 : i32
      %dma_start3A_58 = arith.constant 0 : i32
      %dma_start3A_59 = arith.constant 0 : i32
      %dma_start3A_60 = tpu.memref_slice %arg6[%dma_start3A_57, %dma_start3A_58, %dma_start3A_59] : memref<4x128x128xf32, #tpu.memory_space<vmem>> -> memref<1x128x128xf32, #tpu.memory_space<vmem>>
      %dma_start3A_61 = tpu.memref_squeeze %dma_start3A_60 : memref<1x128x128xf32, #tpu.memory_space<vmem>> -> memref<128x128xf32, #tpu.memory_space<vmem>>
      %dma_start3A_62 = arith.constant 0 : i32
      %dma_start3A_63 = tpu.memref_slice %arg5[%add3A_56, %dma_start3A_62] : memref<32x128xi32, #tpu.memory_space<vmem>> -> memref<1x128xi32, #tpu.memory_space<vmem>>
      %dma_start3A_64 = tpu.memref_squeeze %dma_start3A_63 : memref<1x128xi32, #tpu.memory_space<vmem>> -> memref<128xi32, #tpu.memory_space<vmem>>
      %dma_start3A_65 = arith.constant 0 : i32
      %dma_start3A_66 = arith.constant 0 : i32
      %dma_start3A_67 = tpu.memref_slice %arg2[%dma_start3A_65, %dma_start3A_66] : memref<8192x128xf32, #tpu.memory_space<hbm>> -> memref<8192x128xf32, #tpu.memory_space<hbm>>
      tpu.enqueue_indirect_dma source(%dma_start3A_67 : memref<8192x128xf32, #tpu.memory_space<hbm>>) target(%dma_start3A_61 : memref<128x128xf32, #tpu.memory_space<vmem>>) offsets(%dma_start3A_64 : memref<128xi32, #tpu.memory_space<vmem>>) semaphore(%arg10 : memref<!tpu.dma_semaphore, #tpu.memory_space<semaphore_mem>>)
      %dma_wait3A = arith.constant 0 : i32
      %dma_wait3A_68 = arith.constant 0 : i32
      %dma_wait3A_69 = arith.constant 0 : i32
      %dma_wait3A_70 = tpu.memref_slice %arg6[%dma_wait3A, %dma_wait3A_68, %dma_wait3A_69] : memref<4x128x128xf32, #tpu.memory_space<vmem>> -> memref<1x128x128xf32, #tpu.memory_space<vmem>>
      %dma_wait3A_71 = tpu.memref_squeeze %dma_wait3A_70 : memref<1x128x128xf32, #tpu.memory_space<vmem>> -> memref<128x128xf32, #tpu.memory_space<vmem>>
      %dma_wait3A_72 = arith.constant 0 : i32
      %dma_wait3A_73 = tpu.memref_slice %arg5[%add3A_12, %dma_wait3A_72] : memref<32x128xi32, #tpu.memory_space<vmem>> -> memref<1x128xi32, #tpu.memory_space<vmem>>
      %dma_wait3A_74 = tpu.memref_squeeze %dma_wait3A_73 : memref<1x128xi32, #tpu.memory_space<vmem>> -> memref<128xi32, #tpu.memory_space<vmem>>
      %dma_wait3A_75 = arith.constant 0 : i32
      %dma_wait3A_76 = arith.constant 0 : i32
      %dma_wait3A_77 = tpu.memref_slice %arg2[%dma_wait3A_75, %dma_wait3A_76] : memref<8192x128xf32, #tpu.memory_space<hbm>> -> memref<8192x128xf32, #tpu.memory_space<hbm>>
      tpu.wait_indirect_dma semaphore(%arg7 : memref<!tpu.dma_semaphore, #tpu.memory_space<semaphore_mem>>) src(%dma_wait3A_77 : memref<8192x128xf32, #tpu.memory_space<hbm>>) dst(%dma_wait3A_71 : memref<128x128xf32, #tpu.memory_space<vmem>>)
      %mul3A_78 = arith.constant 4 : i32
      %mul3A_79 = arith.muli %scan3A_8, %mul3A_78 : i32
      %add3A_80 = arith.addi %mul3A_2, %mul3A_79 : i32
      %add3A_81 = arith.constant 0 : i32
      %add3A_82 = arith.addi %add3A_80, %add3A_81 : i32
      %mul3A_83 = arith.constant 128 : i32
      %mul3A_84 = arith.muli %add3A_82, %mul3A_83 : i32
      %run_scoped3A = arith.constant 0 : i32
      "tpu.region"() ({
        %run_scoped3A_142 = tpu.sem_alloc : memref<!tpu.dma_semaphore, #tpu.memory_space<semaphore_mem>>
        %dma_start3A_143 = arith.constant 0 : i32
        %dma_start3A_144 = arith.constant 0 : i32
        %dma_start3A_145 = tpu.memref_slice %arg6[%run_scoped3A, %dma_start3A_143, %dma_start3A_144] : memref<4x128x128xf32, #tpu.memory_space<vmem>> -> memref<1x128x128xf32, #tpu.memory_space<vmem>>
        %dma_start3A_146 = tpu.memref_squeeze %dma_start3A_145 : memref<1x128x128xf32, #tpu.memory_space<vmem>> -> memref<128x128xf32, #tpu.memory_space<vmem>>
        %dma_start3A_147 = arith.constant 0 : i32
        %dma_start3A_148 = tpu.memref_slice %arg4[%mul3A_84, %dma_start3A_147] : memref<131072x128xf32, #tpu.memory_space<hbm>> -> memref<128x128xf32, #tpu.memory_space<hbm>>
        %dma_start3A_149 = arith.constant 0 : i32
        %dma_start3A_150 = tpu.memref_slice %arg4[%mul3A_84, %dma_start3A_149] : memref<131072x128xf32, #tpu.memory_space<hbm>> -> memref<128x128xf32, #tpu.memory_space<hbm>>
        %dma_start3A_151 = arith.constant 0 : i32
        %dma_start3A_152 = arith.constant 0 : i32
        %dma_start3A_153 = tpu.memref_slice %arg6[%run_scoped3A, %dma_start3A_151, %dma_start3A_152] : memref<4x128x128xf32, #tpu.memory_space<vmem>> -> memref<1x128x128xf32, #tpu.memory_space<vmem>>
        %dma_start3A_154 = tpu.memref_squeeze %dma_start3A_153 : memref<1x128x128xf32, #tpu.memory_space<vmem>> -> memref<128x128xf32, #tpu.memory_space<vmem>>
        tpu.enqueue_dma source(%dma_start3A_154 : memref<128x128xf32, #tpu.memory_space<vmem>>) target(%dma_start3A_150 : memref<128x128xf32, #tpu.memory_space<hbm>>) target_semaphore(%run_scoped3A_142 : memref<!tpu.dma_semaphore, #tpu.memory_space<semaphore_mem>>)
        %dma_wait3A_155 = arith.constant 0 : i32
        %dma_wait3A_156 = arith.constant 0 : i32
        %dma_wait3A_157 = tpu.memref_slice %arg6[%run_scoped3A, %dma_wait3A_155, %dma_wait3A_156] : memref<4x128x128xf32, #tpu.memory_space<vmem>> -> memref<1x128x128xf32, #tpu.memory_space<vmem>>
        %dma_wait3A_158 = tpu.memref_squeeze %dma_wait3A_157 : memref<1x128x128xf32, #tpu.memory_space<vmem>> -> memref<128x128xf32, #tpu.memory_space<vmem>>
        %dma_wait3A_159 = arith.constant 0 : i32
        %dma_wait3A_160 = tpu.memref_slice %arg4[%mul3A_84, %dma_wait3A_159] : memref<131072x128xf32, #tpu.memory_space<hbm>> -> memref<128x128xf32, #tpu.memory_space<hbm>>
        %dma_wait3A_161 = arith.constant 0 : i32
        %dma_wait3A_162 = tpu.memref_slice %arg4[%mul3A_84, %dma_wait3A_161] : memref<131072x128xf32, #tpu.memory_space<hbm>> -> memref<128x128xf32, #tpu.memory_space<hbm>>
        %dma_wait3A_163 = arith.constant 0 : i32
        %dma_wait3A_164 = arith.constant 0 : i32
        %dma_wait3A_165 = tpu.memref_slice %arg6[%run_scoped3A, %dma_wait3A_163, %dma_wait3A_164] : memref<4x128x128xf32, #tpu.memory_space<vmem>> -> memref<1x128x128xf32, #tpu.memory_space<vmem>>
        %dma_wait3A_166 = tpu.memref_squeeze %dma_wait3A_165 : memref<1x128x128xf32, #tpu.memory_space<vmem>> -> memref<128x128xf32, #tpu.memory_space<vmem>>
        tpu.wait_dma2 semaphore(%run_scoped3A_142 : memref<!tpu.dma_semaphore, #tpu.memory_space<semaphore_mem>>) src(%dma_wait3A_166 : memref<128x128xf32, #tpu.memory_space<vmem>>) dst(%dma_wait3A_162 : memref<128x128xf32, #tpu.memory_space<hbm>>)
        tpu.yield
      }) : () -> ()
      %dma_wait3A_85 = arith.constant 1 : i32
      %dma_wait3A_86 = arith.constant 0 : i32
      %dma_wait3A_87 = arith.constant 0 : i32
      %dma_wait3A_88 = tpu.memref_slice %arg6[%dma_wait3A_85, %dma_wait3A_86, %dma_wait3A_87] : memref<4x128x128xf32, #tpu.memory_space<vmem>> -> memref<1x128x128xf32, #tpu.memory_space<vmem>>
      %dma_wait3A_89 = tpu.memref_squeeze %dma_wait3A_88 : memref<1x128x128xf32, #tpu.memory_space<vmem>> -> memref<128x128xf32, #tpu.memory_space<vmem>>
      %dma_wait3A_90 = arith.constant 0 : i32
      %dma_wait3A_91 = tpu.memref_slice %arg5[%add3A_26, %dma_wait3A_90] : memref<32x128xi32, #tpu.memory_space<vmem>> -> memref<1x128xi32, #tpu.memory_space<vmem>>
      %dma_wait3A_92 = tpu.memref_squeeze %dma_wait3A_91 : memref<1x128xi32, #tpu.memory_space<vmem>> -> memref<128xi32, #tpu.memory_space<vmem>>
      %dma_wait3A_93 = arith.constant 0 : i32
      %dma_wait3A_94 = arith.constant 0 : i32
      %dma_wait3A_95 = tpu.memref_slice %arg2[%dma_wait3A_93, %dma_wait3A_94] : memref<8192x128xf32, #tpu.memory_space<hbm>> -> memref<8192x128xf32, #tpu.memory_space<hbm>>
      tpu.wait_indirect_dma semaphore(%arg8 : memref<!tpu.dma_semaphore, #tpu.memory_space<semaphore_mem>>) src(%dma_wait3A_95 : memref<8192x128xf32, #tpu.memory_space<hbm>>) dst(%dma_wait3A_89 : memref<128x128xf32, #tpu.memory_space<vmem>>)
      %mul3A_96 = arith.constant 4 : i32
      %mul3A_97 = arith.muli %scan3A_8, %mul3A_96 : i32
      %add3A_98 = arith.addi %mul3A_2, %mul3A_97 : i32
      %add3A_99 = arith.constant 1 : i32
      %add3A_100 = arith.addi %add3A_98, %add3A_99 : i32
      %mul3A_101 = arith.constant 128 : i32
      %mul3A_102 = arith.muli %add3A_100, %mul3A_101 : i32
      %run_scoped3A_103 = arith.constant 1 : i32
      "tpu.region"() ({
        %run_scoped3A_142 = tpu.sem_alloc : memref<!tpu.dma_semaphore, #tpu.memory_space<semaphore_mem>>
        %dma_start3A_143 = arith.constant 0 : i32
        %dma_start3A_144 = arith.constant 0 : i32
        %dma_start3A_145 = tpu.memref_slice %arg6[%run_scoped3A_103, %dma_start3A_143, %dma_start3A_144] : memref<4x128x128xf32, #tpu.memory_space<vmem>> -> memref<1x128x128xf32, #tpu.memory_space<vmem>>
        %dma_start3A_146 = tpu.memref_squeeze %dma_start3A_145 : memref<1x128x128xf32, #tpu.memory_space<vmem>> -> memref<128x128xf32, #tpu.memory_space<vmem>>
        %dma_start3A_147 = arith.constant 0 : i32
        %dma_start3A_148 = tpu.memref_slice %arg4[%mul3A_102, %dma_start3A_147] : memref<131072x128xf32, #tpu.memory_space<hbm>> -> memref<128x128xf32, #tpu.memory_space<hbm>>
        %dma_start3A_149 = arith.constant 0 : i32
        %dma_start3A_150 = tpu.memref_slice %arg4[%mul3A_102, %dma_start3A_149] : memref<131072x128xf32, #tpu.memory_space<hbm>> -> memref<128x128xf32, #tpu.memory_space<hbm>>
        %dma_start3A_151 = arith.constant 0 : i32
        %dma_start3A_152 = arith.constant 0 : i32
        %dma_start3A_153 = tpu.memref_slice %arg6[%run_scoped3A_103, %dma_start3A_151, %dma_start3A_152] : memref<4x128x128xf32, #tpu.memory_space<vmem>> -> memref<1x128x128xf32, #tpu.memory_space<vmem>>
        %dma_start3A_154 = tpu.memref_squeeze %dma_start3A_153 : memref<1x128x128xf32, #tpu.memory_space<vmem>> -> memref<128x128xf32, #tpu.memory_space<vmem>>
        tpu.enqueue_dma source(%dma_start3A_154 : memref<128x128xf32, #tpu.memory_space<vmem>>) target(%dma_start3A_150 : memref<128x128xf32, #tpu.memory_space<hbm>>) target_semaphore(%run_scoped3A_142 : memref<!tpu.dma_semaphore, #tpu.memory_space<semaphore_mem>>)
        %dma_wait3A_155 = arith.constant 0 : i32
        %dma_wait3A_156 = arith.constant 0 : i32
        %dma_wait3A_157 = tpu.memref_slice %arg6[%run_scoped3A_103, %dma_wait3A_155, %dma_wait3A_156] : memref<4x128x128xf32, #tpu.memory_space<vmem>> -> memref<1x128x128xf32, #tpu.memory_space<vmem>>
        %dma_wait3A_158 = tpu.memref_squeeze %dma_wait3A_157 : memref<1x128x128xf32, #tpu.memory_space<vmem>> -> memref<128x128xf32, #tpu.memory_space<vmem>>
        %dma_wait3A_159 = arith.constant 0 : i32
        %dma_wait3A_160 = tpu.memref_slice %arg4[%mul3A_102, %dma_wait3A_159] : memref<131072x128xf32, #tpu.memory_space<hbm>> -> memref<128x128xf32, #tpu.memory_space<hbm>>
        %dma_wait3A_161 = arith.constant 0 : i32
        %dma_wait3A_162 = tpu.memref_slice %arg4[%mul3A_102, %dma_wait3A_161] : memref<131072x128xf32, #tpu.memory_space<hbm>> -> memref<128x128xf32, #tpu.memory_space<hbm>>
        %dma_wait3A_163 = arith.constant 0 : i32
        %dma_wait3A_164 = arith.constant 0 : i32
        %dma_wait3A_165 = tpu.memref_slice %arg6[%run_scoped3A_103, %dma_wait3A_163, %dma_wait3A_164] : memref<4x128x128xf32, #tpu.memory_space<vmem>> -> memref<1x128x128xf32, #tpu.memory_space<vmem>>
        %dma_wait3A_166 = tpu.memref_squeeze %dma_wait3A_165 : memref<1x128x128xf32, #tpu.memory_space<vmem>> -> memref<128x128xf32, #tpu.memory_space<vmem>>
        tpu.wait_dma2 semaphore(%run_scoped3A_142 : memref<!tpu.dma_semaphore, #tpu.memory_space<semaphore_mem>>) src(%dma_wait3A_166 : memref<128x128xf32, #tpu.memory_space<vmem>>) dst(%dma_wait3A_162 : memref<128x128xf32, #tpu.memory_space<hbm>>)
        tpu.yield
      }) : () -> ()
      %dma_wait3A_104 = arith.constant 2 : i32
      %dma_wait3A_105 = arith.constant 0 : i32
      %dma_wait3A_106 = arith.constant 0 : i32
      %dma_wait3A_107 = tpu.memref_slice %arg6[%dma_wait3A_104, %dma_wait3A_105, %dma_wait3A_106] : memref<4x128x128xf32, #tpu.memory_space<vmem>> -> memref<1x128x128xf32, #tpu.memory_space<vmem>>
      %dma_wait3A_108 = tpu.memref_squeeze %dma_wait3A_107 : memref<1x128x128xf32, #tpu.memory_space<vmem>> -> memref<128x128xf32, #tpu.memory_space<vmem>>
      %dma_wait3A_109 = arith.constant 0 : i32
      %dma_wait3A_110 = tpu.memref_slice %arg5[%add3A_41, %dma_wait3A_109] : memref<32x128xi32, #tpu.memory_space<vmem>> -> memref<1x128xi32, #tpu.memory_space<vmem>>
      %dma_wait3A_111 = tpu.memref_squeeze %dma_wait3A_110 : memref<1x128xi32, #tpu.memory_space<vmem>> -> memref<128xi32, #tpu.memory_space<vmem>>
      %dma_wait3A_112 = arith.constant 0 : i32
      %dma_wait3A_113 = arith.constant 0 : i32
      %dma_wait3A_114 = tpu.memref_slice %arg2[%dma_wait3A_112, %dma_wait3A_113] : memref<8192x128xf32, #tpu.memory_space<hbm>> -> memref<8192x128xf32, #tpu.memory_space<hbm>>
      tpu.wait_indirect_dma semaphore(%arg9 : memref<!tpu.dma_semaphore, #tpu.memory_space<semaphore_mem>>) src(%dma_wait3A_114 : memref<8192x128xf32, #tpu.memory_space<hbm>>) dst(%dma_wait3A_108 : memref<128x128xf32, #tpu.memory_space<vmem>>)
      %mul3A_115 = arith.constant 4 : i32
      %mul3A_116 = arith.muli %scan3A_8, %mul3A_115 : i32
      %add3A_117 = arith.addi %mul3A_2, %mul3A_116 : i32
      %add3A_118 = arith.constant 2 : i32
      %add3A_119 = arith.addi %add3A_117, %add3A_118 : i32
      %mul3A_120 = arith.constant 128 : i32
      %mul3A_121 = arith.muli %add3A_119, %mul3A_120 : i32
      %run_scoped3A_122 = arith.constant 2 : i32
      "tpu.region"() ({
        %run_scoped3A_142 = tpu.sem_alloc : memref<!tpu.dma_semaphore, #tpu.memory_space<semaphore_mem>>
        %dma_start3A_143 = arith.constant 0 : i32
        %dma_start3A_144 = arith.constant 0 : i32
        %dma_start3A_145 = tpu.memref_slice %arg6[%run_scoped3A_122, %dma_start3A_143, %dma_start3A_144] : memref<4x128x128xf32, #tpu.memory_space<vmem>> -> memref<1x128x128xf32, #tpu.memory_space<vmem>>
        %dma_start3A_146 = tpu.memref_squeeze %dma_start3A_145 : memref<1x128x128xf32, #tpu.memory_space<vmem>> -> memref<128x128xf32, #tpu.memory_space<vmem>>
        %dma_start3A_147 = arith.constant 0 : i32
        %dma_start3A_148 = tpu.memref_slice %arg4[%mul3A_121, %dma_start3A_147] : memref<131072x128xf32, #tpu.memory_space<hbm>> -> memref<128x128xf32, #tpu.memory_space<hbm>>
        %dma_start3A_149 = arith.constant 0 : i32
        %dma_start3A_150 = tpu.memref_slice %arg4[%mul3A_121, %dma_start3A_149] : memref<131072x128xf32, #tpu.memory_space<hbm>> -> memref<128x128xf32, #tpu.memory_space<hbm>>
        %dma_start3A_151 = arith.constant 0 : i32
        %dma_start3A_152 = arith.constant 0 : i32
        %dma_start3A_153 = tpu.memref_slice %arg6[%run_scoped3A_122, %dma_start3A_151, %dma_start3A_152] : memref<4x128x128xf32, #tpu.memory_space<vmem>> -> memref<1x128x128xf32, #tpu.memory_space<vmem>>
        %dma_start3A_154 = tpu.memref_squeeze %dma_start3A_153 : memref<1x128x128xf32, #tpu.memory_space<vmem>> -> memref<128x128xf32, #tpu.memory_space<vmem>>
        tpu.enqueue_dma source(%dma_start3A_154 : memref<128x128xf32, #tpu.memory_space<vmem>>) target(%dma_start3A_150 : memref<128x128xf32, #tpu.memory_space<hbm>>) target_semaphore(%run_scoped3A_142 : memref<!tpu.dma_semaphore, #tpu.memory_space<semaphore_mem>>)
        %dma_wait3A_155 = arith.constant 0 : i32
        %dma_wait3A_156 = arith.constant 0 : i32
        %dma_wait3A_157 = tpu.memref_slice %arg6[%run_scoped3A_122, %dma_wait3A_155, %dma_wait3A_156] : memref<4x128x128xf32, #tpu.memory_space<vmem>> -> memref<1x128x128xf32, #tpu.memory_space<vmem>>
        %dma_wait3A_158 = tpu.memref_squeeze %dma_wait3A_157 : memref<1x128x128xf32, #tpu.memory_space<vmem>> -> memref<128x128xf32, #tpu.memory_space<vmem>>
        %dma_wait3A_159 = arith.constant 0 : i32
        %dma_wait3A_160 = tpu.memref_slice %arg4[%mul3A_121, %dma_wait3A_159] : memref<131072x128xf32, #tpu.memory_space<hbm>> -> memref<128x128xf32, #tpu.memory_space<hbm>>
        %dma_wait3A_161 = arith.constant 0 : i32
        %dma_wait3A_162 = tpu.memref_slice %arg4[%mul3A_121, %dma_wait3A_161] : memref<131072x128xf32, #tpu.memory_space<hbm>> -> memref<128x128xf32, #tpu.memory_space<hbm>>
        %dma_wait3A_163 = arith.constant 0 : i32
        %dma_wait3A_164 = arith.constant 0 : i32
        %dma_wait3A_165 = tpu.memref_slice %arg6[%run_scoped3A_122, %dma_wait3A_163, %dma_wait3A_164] : memref<4x128x128xf32, #tpu.memory_space<vmem>> -> memref<1x128x128xf32, #tpu.memory_space<vmem>>
        %dma_wait3A_166 = tpu.memref_squeeze %dma_wait3A_165 : memref<1x128x128xf32, #tpu.memory_space<vmem>> -> memref<128x128xf32, #tpu.memory_space<vmem>>
        tpu.wait_dma2 semaphore(%run_scoped3A_142 : memref<!tpu.dma_semaphore, #tpu.memory_space<semaphore_mem>>) src(%dma_wait3A_166 : memref<128x128xf32, #tpu.memory_space<vmem>>) dst(%dma_wait3A_162 : memref<128x128xf32, #tpu.memory_space<hbm>>)
        tpu.yield
      }) : () -> ()
      %dma_wait3A_123 = arith.constant 3 : i32
      %dma_wait3A_124 = arith.constant 0 : i32
      %dma_wait3A_125 = arith.constant 0 : i32
      %dma_wait3A_126 = tpu.memref_slice %arg6[%dma_wait3A_123, %dma_wait3A_124, %dma_wait3A_125] : memref<4x128x128xf32, #tpu.memory_space<vmem>> -> memref<1x128x128xf32, #tpu.memory_space<vmem>>
      %dma_wait3A_127 = tpu.memref_squeeze %dma_wait3A_126 : memref<1x128x128xf32, #tpu.memory_space<vmem>> -> memref<128x128xf32, #tpu.memory_space<vmem>>
      %dma_wait3A_128 = arith.constant 0 : i32
      %dma_wait3A_129 = tpu.memref_slice %arg5[%add3A_56, %dma_wait3A_128] : memref<32x128xi32, #tpu.memory_space<vmem>> -> memref<1x128xi32, #tpu.memory_space<vmem>>
      %dma_wait3A_130 = tpu.memref_squeeze %dma_wait3A_129 : memref<1x128xi32, #tpu.memory_space<vmem>> -> memref<128xi32, #tpu.memory_space<vmem>>
      %dma_wait3A_131 = arith.constant 0 : i32
      %dma_wait3A_132 = arith.constant 0 : i32
      %dma_wait3A_133 = tpu.memref_slice %arg2[%dma_wait3A_131, %dma_wait3A_132] : memref<8192x128xf32, #tpu.memory_space<hbm>> -> memref<8192x128xf32, #tpu.memory_space<hbm>>
      tpu.wait_indirect_dma semaphore(%arg10 : memref<!tpu.dma_semaphore, #tpu.memory_space<semaphore_mem>>) src(%dma_wait3A_133 : memref<8192x128xf32, #tpu.memory_space<hbm>>) dst(%dma_wait3A_127 : memref<128x128xf32, #tpu.memory_space<vmem>>)
      %mul3A_134 = arith.constant 4 : i32
      %mul3A_135 = arith.muli %scan3A_8, %mul3A_134 : i32
      %add3A_136 = arith.addi %mul3A_2, %mul3A_135 : i32
      %add3A_137 = arith.constant 3 : i32
      %add3A_138 = arith.addi %add3A_136, %add3A_137 : i32
      %mul3A_139 = arith.constant 128 : i32
      %mul3A_140 = arith.muli %add3A_138, %mul3A_139 : i32
      %run_scoped3A_141 = arith.constant 3 : i32
      "tpu.region"() ({
        %run_scoped3A_142 = tpu.sem_alloc : memref<!tpu.dma_semaphore, #tpu.memory_space<semaphore_mem>>
        %dma_start3A_143 = arith.constant 0 : i32
        %dma_start3A_144 = arith.constant 0 : i32
        %dma_start3A_145 = tpu.memref_slice %arg6[%run_scoped3A_141, %dma_start3A_143, %dma_start3A_144] : memref<4x128x128xf32, #tpu.memory_space<vmem>> -> memref<1x128x128xf32, #tpu.memory_space<vmem>>
        %dma_start3A_146 = tpu.memref_squeeze %dma_start3A_145 : memref<1x128x128xf32, #tpu.memory_space<vmem>> -> memref<128x128xf32, #tpu.memory_space<vmem>>
        %dma_start3A_147 = arith.constant 0 : i32
        %dma_start3A_148 = tpu.memref_slice %arg4[%mul3A_140, %dma_start3A_147] : memref<131072x128xf32, #tpu.memory_space<hbm>> -> memref<128x128xf32, #tpu.memory_space<hbm>>
        %dma_start3A_149 = arith.constant 0 : i32
        %dma_start3A_150 = tpu.memref_slice %arg4[%mul3A_140, %dma_start3A_149] : memref<131072x128xf32, #tpu.memory_space<hbm>> -> memref<128x128xf32, #tpu.memory_space<hbm>>
        %dma_start3A_151 = arith.constant 0 : i32
        %dma_start3A_152 = arith.constant 0 : i32
        %dma_start3A_153 = tpu.memref_slice %arg6[%run_scoped3A_141, %dma_start3A_151, %dma_start3A_152] : memref<4x128x128xf32, #tpu.memory_space<vmem>> -> memref<1x128x128xf32, #tpu.memory_space<vmem>>
        %dma_start3A_154 = tpu.memref_squeeze %dma_start3A_153 : memref<1x128x128xf32, #tpu.memory_space<vmem>> -> memref<128x128xf32, #tpu.memory_space<vmem>>
        tpu.enqueue_dma source(%dma_start3A_154 : memref<128x128xf32, #tpu.memory_space<vmem>>) target(%dma_start3A_150 : memref<128x128xf32, #tpu.memory_space<hbm>>) target_semaphore(%run_scoped3A_142 : memref<!tpu.dma_semaphore, #tpu.memory_space<semaphore_mem>>)
        %dma_wait3A_155 = arith.constant 0 : i32
        %dma_wait3A_156 = arith.constant 0 : i32
        %dma_wait3A_157 = tpu.memref_slice %arg6[%run_scoped3A_141, %dma_wait3A_155, %dma_wait3A_156] : memref<4x128x128xf32, #tpu.memory_space<vmem>> -> memref<1x128x128xf32, #tpu.memory_space<vmem>>
        %dma_wait3A_158 = tpu.memref_squeeze %dma_wait3A_157 : memref<1x128x128xf32, #tpu.memory_space<vmem>> -> memref<128x128xf32, #tpu.memory_space<vmem>>
        %dma_wait3A_159 = arith.constant 0 : i32
        %dma_wait3A_160 = tpu.memref_slice %arg4[%mul3A_140, %dma_wait3A_159] : memref<131072x128xf32, #tpu.memory_space<hbm>> -> memref<128x128xf32, #tpu.memory_space<hbm>>
        %dma_wait3A_161 = arith.constant 0 : i32
        %dma_wait3A_162 = tpu.memref_slice %arg4[%mul3A_140, %dma_wait3A_161] : memref<131072x128xf32, #tpu.memory_space<hbm>> -> memref<128x128xf32, #tpu.memory_space<hbm>>
        %dma_wait3A_163 = arith.constant 0 : i32
        %dma_wait3A_164 = arith.constant 0 : i32
        %dma_wait3A_165 = tpu.memref_slice %arg6[%run_scoped3A_141, %dma_wait3A_163, %dma_wait3A_164] : memref<4x128x128xf32, #tpu.memory_space<vmem>> -> memref<1x128x128xf32, #tpu.memory_space<vmem>>
        %dma_wait3A_166 = tpu.memref_squeeze %dma_wait3A_165 : memref<1x128x128xf32, #tpu.memory_space<vmem>> -> memref<128x128xf32, #tpu.memory_space<vmem>>
        tpu.wait_dma2 semaphore(%run_scoped3A_142 : memref<!tpu.dma_semaphore, #tpu.memory_space<semaphore_mem>>) src(%dma_wait3A_166 : memref<128x128xf32, #tpu.memory_space<vmem>>) dst(%dma_wait3A_162 : memref<128x128xf32, #tpu.memory_space<hbm>>)
        tpu.yield
      }) : () -> ()
    }
    %scan3A_7 = arith.constant 8 : i32
    return
  }
}

#map = affine_map<(d0, d1) -> (0, 0)>
module attributes {stable_mosaic.version = 14 : i64} {
  func.func @k(%arg0: i32, %arg1: i32, %arg2: memref<8192x128xf32, #tpu.memory_space<hbm>>, %arg3: memref<1024x128xi32, #tpu.memory_space<hbm>>, %arg4: memref<131072x128xf32, #tpu.memory_space<hbm>>, %arg5: memref<32x128xi32, #tpu.memory_space<vmem>>, %arg6: memref<4x128x128xf32, #tpu.memory_space<vmem>>, %arg7: memref<!tpu.dma_semaphore, #tpu.memory_space<semaphore_mem>>, %arg8: memref<!tpu.dma_semaphore, #tpu.memory_space<semaphore_mem>>, %arg9: memref<!tpu.dma_semaphore, #tpu.memory_space<semaphore_mem>>, %arg10: memref<!tpu.dma_semaphore, #tpu.memory_space<semaphore_mem>>) attributes {dimension_semantics = [#tpu.dimension_semantics<core_parallel>, #tpu.dimension_semantics<subcore_parallel>], iteration_bounds = array<i64: 2, 16>, scalar_prefetch = 0 : i64, scratch_operands = 6 : i64, tpu.core_type = #tpu.core_type<sc_vector_subcore>, window_params = [{transform_indices = #map}, {transform_indices = #map}, {transform_indices = #map}]} {
    %mul3A = arith.constant 2 : i32
    %mul3A_0 = arith.muli %arg1, %mul3A : i32
    %add3A = arith.addi %mul3A_0, %arg0 : i32
    %mul3A_1 = arith.constant 32 : i32
    %mul3A_2 = arith.muli %add3A, %mul3A_1 : i32
    "tpu.region"() ({
      %run_scoped3A = tpu.sem_alloc : memref<!tpu.dma_semaphore, #tpu.memory_space<semaphore_mem>>
      %dma_start3A = arith.constant 0 : i32
      %dma_start3A_8 = tpu.memref_slice %arg3[%mul3A_2, %dma_start3A] : memref<1024x128xi32, #tpu.memory_space<hbm>> -> memref<32x128xi32, #tpu.memory_space<hbm>>
      %dma_start3A_9 = arith.constant 0 : i32
      %dma_start3A_10 = tpu.memref_slice %arg3[%mul3A_2, %dma_start3A_9] : memref<1024x128xi32, #tpu.memory_space<hbm>> -> memref<32x128xi32, #tpu.memory_space<hbm>>
      tpu.enqueue_dma source(%dma_start3A_10 : memref<32x128xi32, #tpu.memory_space<hbm>>) target(%arg5 : memref<32x128xi32, #tpu.memory_space<vmem>>) target_semaphore(%run_scoped3A : memref<!tpu.dma_semaphore, #tpu.memory_space<semaphore_mem>>)
      %dma_wait3A = arith.constant 0 : i32
      %dma_wait3A_11 = tpu.memref_slice %arg3[%mul3A_2, %dma_wait3A] : memref<1024x128xi32, #tpu.memory_space<hbm>> -> memref<32x128xi32, #tpu.memory_space<hbm>>
      %dma_wait3A_12 = arith.constant 0 : i32
      %dma_wait3A_13 = tpu.memref_slice %arg3[%mul3A_2, %dma_wait3A_12] : memref<1024x128xi32, #tpu.memory_space<hbm>> -> memref<32x128xi32, #tpu.memory_space<hbm>>
      tpu.wait_dma2 semaphore(%run_scoped3A : memref<!tpu.dma_semaphore, #tpu.memory_space<semaphore_mem>>) src(%dma_wait3A_13 : memref<32x128xi32, #tpu.memory_space<hbm>>) dst(%arg5 : memref<32x128xi32, #tpu.memory_space<vmem>>)
      tpu.yield
    }) : () -> ()
    %scan3A = arith.constant 0 : i32
    %scan3A_3 = arith.constant 0 : i32
    %scan3A_4 = arith.constant 8 : i32
    %scan3A_5 = arith.addi %scan3A_3, %scan3A_4 : i32
    %scan3A_6 = arith.constant 1 : i32
    scf.for %scan3A_8 = %scan3A_3 to %scan3A_5 step %scan3A_6  : i32 {
      %mul3A_9 = arith.constant 4 : i32
      %mul3A_10 = arith.muli %scan3A_8, %mul3A_9 : i32
      %add3A_11 = arith.constant 0 : i32
      %add3A_12 = arith.addi %mul3A_10, %add3A_11 : i32
      %dma_start3A = arith.constant 0 : i32
      %dma_start3A_13 = arith.constant 0 : i32
      %dma_start3A_14 = arith.constant 0 : i32
      %dma_start3A_15 = tpu.memref_slice %arg6[%dma_start3A, %dma_start3A_13, %dma_start3A_14] : memref<4x128x128xf32, #tpu.memory_space<vmem>> -> memref<1x128x128xf32, #tpu.memory_space<vmem>>
      %dma_start3A_16 = tpu.memref_squeeze %dma_start3A_15 : memref<1x128x128xf32, #tpu.memory_space<vmem>> -> memref<128x128xf32, #tpu.memory_space<vmem>>
      %dma_start3A_17 = arith.constant 0 : i32
      %dma_start3A_18 = tpu.memref_slice %arg5[%add3A_12, %dma_start3A_17] : memref<32x128xi32, #tpu.memory_space<vmem>> -> memref<1x128xi32, #tpu.memory_space<vmem>>
      %dma_start3A_19 = tpu.memref_squeeze %dma_start3A_18 : memref<1x128xi32, #tpu.memory_space<vmem>> -> memref<128xi32, #tpu.memory_space<vmem>>
      %dma_start3A_20 = arith.constant 0 : i32
      %dma_start3A_21 = arith.constant 0 : i32
      %dma_start3A_22 = tpu.memref_slice %arg2[%dma_start3A_20, %dma_start3A_21] : memref<8192x128xf32, #tpu.memory_space<hbm>> -> memref<8192x128xf32, #tpu.memory_space<hbm>>
      tpu.enqueue_indirect_dma source(%dma_start3A_22 : memref<8192x128xf32, #tpu.memory_space<hbm>>) target(%dma_start3A_16 : memref<128x128xf32, #tpu.memory_space<vmem>>) offsets(%dma_start3A_19 : memref<128xi32, #tpu.memory_space<vmem>>) semaphore(%arg7 : memref<!tpu.dma_semaphore, #tpu.memory_space<semaphore_mem>>)
      %mul3A_23 = arith.constant 4 : i32
      %mul3A_24 = arith.muli %scan3A_8, %mul3A_23 : i32
      %add3A_25 = arith.constant 1 : i32
      %add3A_26 = arith.addi %mul3A_24, %add3A_25 : i32
      %dma_start3A_27 = arith.constant 1 : i32
      %dma_start3A_28 = arith.constant 0 : i32
      %dma_start3A_29 = arith.constant 0 : i32
      %dma_start3A_30 = tpu.memref_slice %arg6[%dma_start3A_27, %dma_start3A_28, %dma_start3A_29] : memref<4x128x128xf32, #tpu.memory_space<vmem>> -> memref<1x128x128xf32, #tpu.memory_space<vmem>>
      %dma_start3A_31 = tpu.memref_squeeze %dma_start3A_30 : memref<1x128x128xf32, #tpu.memory_space<vmem>> -> memref<128x128xf32, #tpu.memory_space<vmem>>
      %dma_start3A_32 = arith.constant 0 : i32
      %dma_start3A_33 = tpu.memref_slice %arg5[%add3A_26, %dma_start3A_32] : memref<32x128xi32, #tpu.memory_space<vmem>> -> memref<1x128xi32, #tpu.memory_space<vmem>>
      %dma_start3A_34 = tpu.memref_squeeze %dma_start3A_33 : memref<1x128xi32, #tpu.memory_space<vmem>> -> memref<128xi32, #tpu.memory_space<vmem>>
      %dma_start3A_35 = arith.constant 0 : i32
      %dma_start3A_36 = arith.constant 0 : i32
      %dma_start3A_37 = tpu.memref_slice %arg2[%dma_start3A_35, %dma_start3A_36] : memref<8192x128xf32, #tpu.memory_space<hbm>> -> memref<8192x128xf32, #tpu.memory_space<hbm>>
      tpu.enqueue_indirect_dma source(%dma_start3A_37 : memref<8192x128xf32, #tpu.memory_space<hbm>>) target(%dma_start3A_31 : memref<128x128xf32, #tpu.memory_space<vmem>>) offsets(%dma_start3A_34 : memref<128xi32, #tpu.memory_space<vmem>>) semaphore(%arg8 : memref<!tpu.dma_semaphore, #tpu.memory_space<semaphore_mem>>)
      %mul3A_38 = arith.constant 4 : i32
      %mul3A_39 = arith.muli %scan3A_8, %mul3A_38 : i32
      %add3A_40 = arith.constant 2 : i32
      %add3A_41 = arith.addi %mul3A_39, %add3A_40 : i32
      %dma_start3A_42 = arith.constant 2 : i32
      %dma_start3A_43 = arith.constant 0 : i32
      %dma_start3A_44 = arith.constant 0 : i32
      %dma_start3A_45 = tpu.memref_slice %arg6[%dma_start3A_42, %dma_start3A_43, %dma_start3A_44] : memref<4x128x128xf32, #tpu.memory_space<vmem>> -> memref<1x128x128xf32, #tpu.memory_space<vmem>>
      %dma_start3A_46 = tpu.memref_squeeze %dma_start3A_45 : memref<1x128x128xf32, #tpu.memory_space<vmem>> -> memref<128x128xf32, #tpu.memory_space<vmem>>
      %dma_start3A_47 = arith.constant 0 : i32
      %dma_start3A_48 = tpu.memref_slice %arg5[%add3A_41, %dma_start3A_47] : memref<32x128xi32, #tpu.memory_space<vmem>> -> memref<1x128xi32, #tpu.memory_space<vmem>>
      %dma_start3A_49 = tpu.memref_squeeze %dma_start3A_48 : memref<1x128xi32, #tpu.memory_space<vmem>> -> memref<128xi32, #tpu.memory_space<vmem>>
      %dma_start3A_50 = arith.constant 0 : i32
      %dma_start3A_51 = arith.constant 0 : i32
      %dma_start3A_52 = tpu.memref_slice %arg2[%dma_start3A_50, %dma_start3A_51] : memref<8192x128xf32, #tpu.memory_space<hbm>> -> memref<8192x128xf32, #tpu.memory_space<hbm>>
      tpu.enqueue_indirect_dma source(%dma_start3A_52 : memref<8192x128xf32, #tpu.memory_space<hbm>>) target(%dma_start3A_46 : memref<128x128xf32, #tpu.memory_space<vmem>>) offsets(%dma_start3A_49 : memref<128xi32, #tpu.memory_space<vmem>>) semaphore(%arg9 : memref<!tpu.dma_semaphore, #tpu.memory_space<semaphore_mem>>)
      %mul3A_53 = arith.constant 4 : i32
      %mul3A_54 = arith.muli %scan3A_8, %mul3A_53 : i32
      %add3A_55 = arith.constant 3 : i32
      %add3A_56 = arith.addi %mul3A_54, %add3A_55 : i32
      %dma_start3A_57 = arith.constant 3 : i32
      %dma_start3A_58 = arith.constant 0 : i32
      %dma_start3A_59 = arith.constant 0 : i32
      %dma_start3A_60 = tpu.memref_slice %arg6[%dma_start3A_57, %dma_start3A_58, %dma_start3A_59] : memref<4x128x128xf32, #tpu.memory_space<vmem>> -> memref<1x128x128xf32, #tpu.memory_space<vmem>>
      %dma_start3A_61 = tpu.memref_squeeze %dma_start3A_60 : memref<1x128x128xf32, #tpu.memory_space<vmem>> -> memref<128x128xf32, #tpu.memory_space<vmem>>
      %dma_start3A_62 = arith.constant 0 : i32
      %dma_start3A_63 = tpu.memref_slice %arg5[%add3A_56, %dma_start3A_62] : memref<32x128xi32, #tpu.memory_space<vmem>> -> memref<1x128xi32, #tpu.memory_space<vmem>>
      %dma_start3A_64 = tpu.memref_squeeze %dma_start3A_63 : memref<1x128xi32, #tpu.memory_space<vmem>> -> memref<128xi32, #tpu.memory_space<vmem>>
      %dma_start3A_65 = arith.constant 0 : i32
      %dma_start3A_66 = arith.constant 0 : i32
      %dma_start3A_67 = tpu.memref_slice %arg2[%dma_start3A_65, %dma_start3A_66] : memref<8192x128xf32, #tpu.memory_space<hbm>> -> memref<8192x128xf32, #tpu.memory_space<hbm>>
      tpu.enqueue_indirect_dma source(%dma_start3A_67 : memref<8192x128xf32, #tpu.memory_space<hbm>>) target(%dma_start3A_61 : memref<128x128xf32, #tpu.memory_space<vmem>>) offsets(%dma_start3A_64 : memref<128xi32, #tpu.memory_space<vmem>>) semaphore(%arg10 : memref<!tpu.dma_semaphore, #tpu.memory_space<semaphore_mem>>)
      %dma_wait3A = arith.constant 0 : i32
      %dma_wait3A_68 = arith.constant 0 : i32
      %dma_wait3A_69 = arith.constant 0 : i32
      %dma_wait3A_70 = tpu.memref_slice %arg6[%dma_wait3A, %dma_wait3A_68, %dma_wait3A_69] : memref<4x128x128xf32, #tpu.memory_space<vmem>> -> memref<1x128x128xf32, #tpu.memory_space<vmem>>
      %dma_wait3A_71 = tpu.memref_squeeze %dma_wait3A_70 : memref<1x128x128xf32, #tpu.memory_space<vmem>> -> memref<128x128xf32, #tpu.memory_space<vmem>>
      %dma_wait3A_72 = arith.constant 0 : i32
      %dma_wait3A_73 = tpu.memref_slice %arg5[%add3A_12, %dma_wait3A_72] : memref<32x128xi32, #tpu.memory_space<vmem>> -> memref<1x128xi32, #tpu.memory_space<vmem>>
      %dma_wait3A_74 = tpu.memref_squeeze %dma_wait3A_73 : memref<1x128xi32, #tpu.memory_space<vmem>> -> memref<128xi32, #tpu.memory_space<vmem>>
      %dma_wait3A_75 = arith.constant 0 : i32
      %dma_wait3A_76 = arith.constant 0 : i32
      %dma_wait3A_77 = tpu.memref_slice %arg2[%dma_wait3A_75, %dma_wait3A_76] : memref<8192x128xf32, #tpu.memory_space<hbm>> -> memref<8192x128xf32, #tpu.memory_space<hbm>>
      tpu.wait_indirect_dma semaphore(%arg7 : memref<!tpu.dma_semaphore, #tpu.memory_space<semaphore_mem>>) src(%dma_wait3A_77 : memref<8192x128xf32, #tpu.memory_space<hbm>>) dst(%dma_wait3A_71 : memref<128x128xf32, #tpu.memory_space<vmem>>)
      %mul3A_78 = arith.constant 4 : i32
      %mul3A_79 = arith.muli %scan3A_8, %mul3A_78 : i32
      %add3A_80 = arith.addi %mul3A_2, %mul3A_79 : i32
      %add3A_81 = arith.constant 0 : i32
      %add3A_82 = arith.addi %add3A_80, %add3A_81 : i32
      %mul3A_83 = arith.constant 128 : i32
      %mul3A_84 = arith.muli %add3A_82, %mul3A_83 : i32
      %run_scoped3A = arith.constant 0 : i32
      "tpu.region"() ({
        %run_scoped3A_142 = tpu.sem_alloc : memref<!tpu.dma_semaphore, #tpu.memory_space<semaphore_mem>>
        %dma_start3A_143 = arith.constant 0 : i32
        %dma_start3A_144 = arith.constant 0 : i32
        %dma_start3A_145 = tpu.memref_slice %arg6[%run_scoped3A, %dma_start3A_143, %dma_start3A_144] : memref<4x128x128xf32, #tpu.memory_space<vmem>> -> memref<1x128x128xf32, #tpu.memory_space<vmem>>
        %dma_start3A_146 = tpu.memref_squeeze %dma_start3A_145 : memref<1x128x128xf32, #tpu.memory_space<vmem>> -> memref<128x128xf32, #tpu.memory_space<vmem>>
        %dma_start3A_147 = arith.constant 0 : i32
        %dma_start3A_148 = tpu.memref_slice %arg4[%mul3A_84, %dma_start3A_147] : memref<131072x128xf32, #tpu.memory_space<hbm>> -> memref<128x128xf32, #tpu.memory_space<hbm>>
        %dma_start3A_149 = arith.constant 0 : i32
        %dma_start3A_150 = tpu.memref_slice %arg4[%mul3A_84, %dma_start3A_149] : memref<131072x128xf32, #tpu.memory_space<hbm>> -> memref<128x128xf32, #tpu.memory_space<hbm>>
        %dma_start3A_151 = arith.constant 0 : i32
        %dma_start3A_152 = arith.constant 0 : i32
        %dma_start3A_153 = tpu.memref_slice %arg6[%run_scoped3A, %dma_start3A_151, %dma_start3A_152] : memref<4x128x128xf32, #tpu.memory_space<vmem>> -> memref<1x128x128xf32, #tpu.memory_space<vmem>>
        %dma_start3A_154 = tpu.memref_squeeze %dma_start3A_153 : memref<1x128x128xf32, #tpu.memory_space<vmem>> -> memref<128x128xf32, #tpu.memory_space<vmem>>
        tpu.enqueue_dma source(%dma_start3A_154 : memref<128x128xf32, #tpu.memory_space<vmem>>) target(%dma_start3A_150 : memref<128x128xf32, #tpu.memory_space<hbm>>) target_semaphore(%run_scoped3A_142 : memref<!tpu.dma_semaphore, #tpu.memory_space<semaphore_mem>>)
        %dma_wait3A_155 = arith.constant 0 : i32
        %dma_wait3A_156 = arith.constant 0 : i32
        %dma_wait3A_157 = tpu.memref_slice %arg6[%run_scoped3A, %dma_wait3A_155, %dma_wait3A_156] : memref<4x128x128xf32, #tpu.memory_space<vmem>> -> memref<1x128x128xf32, #tpu.memory_space<vmem>>
        %dma_wait3A_158 = tpu.memref_squeeze %dma_wait3A_157 : memref<1x128x128xf32, #tpu.memory_space<vmem>> -> memref<128x128xf32, #tpu.memory_space<vmem>>
        %dma_wait3A_159 = arith.constant 0 : i32
        %dma_wait3A_160 = tpu.memref_slice %arg4[%mul3A_84, %dma_wait3A_159] : memref<131072x128xf32, #tpu.memory_space<hbm>> -> memref<128x128xf32, #tpu.memory_space<hbm>>
        %dma_wait3A_161 = arith.constant 0 : i32
        %dma_wait3A_162 = tpu.memref_slice %arg4[%mul3A_84, %dma_wait3A_161] : memref<131072x128xf32, #tpu.memory_space<hbm>> -> memref<128x128xf32, #tpu.memory_space<hbm>>
        %dma_wait3A_163 = arith.constant 0 : i32
        %dma_wait3A_164 = arith.constant 0 : i32
        %dma_wait3A_165 = tpu.memref_slice %arg6[%run_scoped3A, %dma_wait3A_163, %dma_wait3A_164] : memref<4x128x128xf32, #tpu.memory_space<vmem>> -> memref<1x128x128xf32, #tpu.memory_space<vmem>>
        %dma_wait3A_166 = tpu.memref_squeeze %dma_wait3A_165 : memref<1x128x128xf32, #tpu.memory_space<vmem>> -> memref<128x128xf32, #tpu.memory_space<vmem>>
        tpu.wait_dma2 semaphore(%run_scoped3A_142 : memref<!tpu.dma_semaphore, #tpu.memory_space<semaphore_mem>>) src(%dma_wait3A_166 : memref<128x128xf32, #tpu.memory_space<vmem>>) dst(%dma_wait3A_162 : memref<128x128xf32, #tpu.memory_space<hbm>>)
        tpu.yield
      }) : () -> ()
      %dma_wait3A_85 = arith.constant 1 : i32
      %dma_wait3A_86 = arith.constant 0 : i32
      %dma_wait3A_87 = arith.constant 0 : i32
      %dma_wait3A_88 = tpu.memref_slice %arg6[%dma_wait3A_85, %dma_wait3A_86, %dma_wait3A_87] : memref<4x128x128xf32, #tpu.memory_space<vmem>> -> memref<1x128x128xf32, #tpu.memory_space<vmem>>
      %dma_wait3A_89 = tpu.memref_squeeze %dma_wait3A_88 : memref<1x128x128xf32, #tpu.memory_space<vmem>> -> memref<128x128xf32, #tpu.memory_space<vmem>>
      %dma_wait3A_90 = arith.constant 0 : i32
      %dma_wait3A_91 = tpu.memref_slice %arg5[%add3A_26, %dma_wait3A_90] : memref<32x128xi32, #tpu.memory_space<vmem>> -> memref<1x128xi32, #tpu.memory_space<vmem>>
      %dma_wait3A_92 = tpu.memref_squeeze %dma_wait3A_91 : memref<1x128xi32, #tpu.memory_space<vmem>> -> memref<128xi32, #tpu.memory_space<vmem>>
      %dma_wait3A_93 = arith.constant 0 : i32
      %dma_wait3A_94 = arith.constant 0 : i32
      %dma_wait3A_95 = tpu.memref_slice %arg2[%dma_wait3A_93, %dma_wait3A_94] : memref<8192x128xf32, #tpu.memory_space<hbm>> -> memref<8192x128xf32, #tpu.memory_space<hbm>>
      tpu.wait_indirect_dma semaphore(%arg8 : memref<!tpu.dma_semaphore, #tpu.memory_space<semaphore_mem>>) src(%dma_wait3A_95 : memref<8192x128xf32, #tpu.memory_space<hbm>>) dst(%dma_wait3A_89 : memref<128x128xf32, #tpu.memory_space<vmem>>)
      %mul3A_96 = arith.constant 4 : i32
      %mul3A_97 = arith.muli %scan3A_8, %mul3A_96 : i32
      %add3A_98 = arith.addi %mul3A_2, %mul3A_97 : i32
      %add3A_99 = arith.constant 1 : i32
      %add3A_100 = arith.addi %add3A_98, %add3A_99 : i32
      %mul3A_101 = arith.constant 128 : i32
      %mul3A_102 = arith.muli %add3A_100, %mul3A_101 : i32
      %run_scoped3A_103 = arith.constant 1 : i32
      "tpu.region"() ({
        %run_scoped3A_142 = tpu.sem_alloc : memref<!tpu.dma_semaphore, #tpu.memory_space<semaphore_mem>>
        %dma_start3A_143 = arith.constant 0 : i32
        %dma_start3A_144 = arith.constant 0 : i32
        %dma_start3A_145 = tpu.memref_slice %arg6[%run_scoped3A_103, %dma_start3A_143, %dma_start3A_144] : memref<4x128x128xf32, #tpu.memory_space<vmem>> -> memref<1x128x128xf32, #tpu.memory_space<vmem>>
        %dma_start3A_146 = tpu.memref_squeeze %dma_start3A_145 : memref<1x128x128xf32, #tpu.memory_space<vmem>> -> memref<128x128xf32, #tpu.memory_space<vmem>>
        %dma_start3A_147 = arith.constant 0 : i32
        %dma_start3A_148 = tpu.memref_slice %arg4[%mul3A_102, %dma_start3A_147] : memref<131072x128xf32, #tpu.memory_space<hbm>> -> memref<128x128xf32, #tpu.memory_space<hbm>>
        %dma_start3A_149 = arith.constant 0 : i32
        %dma_start3A_150 = tpu.memref_slice %arg4[%mul3A_102, %dma_start3A_149] : memref<131072x128xf32, #tpu.memory_space<hbm>> -> memref<128x128xf32, #tpu.memory_space<hbm>>
        %dma_start3A_151 = arith.constant 0 : i32
        %dma_start3A_152 = arith.constant 0 : i32
        %dma_start3A_153 = tpu.memref_slice %arg6[%run_scoped3A_103, %dma_start3A_151, %dma_start3A_152] : memref<4x128x128xf32, #tpu.memory_space<vmem>> -> memref<1x128x128xf32, #tpu.memory_space<vmem>>
        %dma_start3A_154 = tpu.memref_squeeze %dma_start3A_153 : memref<1x128x128xf32, #tpu.memory_space<vmem>> -> memref<128x128xf32, #tpu.memory_space<vmem>>
        tpu.enqueue_dma source(%dma_start3A_154 : memref<128x128xf32, #tpu.memory_space<vmem>>) target(%dma_start3A_150 : memref<128x128xf32, #tpu.memory_space<hbm>>) target_semaphore(%run_scoped3A_142 : memref<!tpu.dma_semaphore, #tpu.memory_space<semaphore_mem>>)
        %dma_wait3A_155 = arith.constant 0 : i32
        %dma_wait3A_156 = arith.constant 0 : i32
        %dma_wait3A_157 = tpu.memref_slice %arg6[%run_scoped3A_103, %dma_wait3A_155, %dma_wait3A_156] : memref<4x128x128xf32, #tpu.memory_space<vmem>> -> memref<1x128x128xf32, #tpu.memory_space<vmem>>
        %dma_wait3A_158 = tpu.memref_squeeze %dma_wait3A_157 : memref<1x128x128xf32, #tpu.memory_space<vmem>> -> memref<128x128xf32, #tpu.memory_space<vmem>>
        %dma_wait3A_159 = arith.constant 0 : i32
        %dma_wait3A_160 = tpu.memref_slice %arg4[%mul3A_102, %dma_wait3A_159] : memref<131072x128xf32, #tpu.memory_space<hbm>> -> memref<128x128xf32, #tpu.memory_space<hbm>>
        %dma_wait3A_161 = arith.constant 0 : i32
        %dma_wait3A_162 = tpu.memref_slice %arg4[%mul3A_102, %dma_wait3A_161] : memref<131072x128xf32, #tpu.memory_space<hbm>> -> memref<128x128xf32, #tpu.memory_space<hbm>>
        %dma_wait3A_163 = arith.constant 0 : i32
        %dma_wait3A_164 = arith.constant 0 : i32
        %dma_wait3A_165 = tpu.memref_slice %arg6[%run_scoped3A_103, %dma_wait3A_163, %dma_wait3A_164] : memref<4x128x128xf32, #tpu.memory_space<vmem>> -> memref<1x128x128xf32, #tpu.memory_space<vmem>>
        %dma_wait3A_166 = tpu.memref_squeeze %dma_wait3A_165 : memref<1x128x128xf32, #tpu.memory_space<vmem>> -> memref<128x128xf32, #tpu.memory_space<vmem>>
        tpu.wait_dma2 semaphore(%run_scoped3A_142 : memref<!tpu.dma_semaphore, #tpu.memory_space<semaphore_mem>>) src(%dma_wait3A_166 : memref<128x128xf32, #tpu.memory_space<vmem>>) dst(%dma_wait3A_162 : memref<128x128xf32, #tpu.memory_space<hbm>>)
        tpu.yield
      }) : () -> ()
      %dma_wait3A_104 = arith.constant 2 : i32
      %dma_wait3A_105 = arith.constant 0 : i32
      %dma_wait3A_106 = arith.constant 0 : i32
      %dma_wait3A_107 = tpu.memref_slice %arg6[%dma_wait3A_104, %dma_wait3A_105, %dma_wait3A_106] : memref<4x128x128xf32, #tpu.memory_space<vmem>> -> memref<1x128x128xf32, #tpu.memory_space<vmem>>
      %dma_wait3A_108 = tpu.memref_squeeze %dma_wait3A_107 : memref<1x128x128xf32, #tpu.memory_space<vmem>> -> memref<128x128xf32, #tpu.memory_space<vmem>>
      %dma_wait3A_109 = arith.constant 0 : i32
      %dma_wait3A_110 = tpu.memref_slice %arg5[%add3A_41, %dma_wait3A_109] : memref<32x128xi32, #tpu.memory_space<vmem>> -> memref<1x128xi32, #tpu.memory_space<vmem>>
      %dma_wait3A_111 = tpu.memref_squeeze %dma_wait3A_110 : memref<1x128xi32, #tpu.memory_space<vmem>> -> memref<128xi32, #tpu.memory_space<vmem>>
      %dma_wait3A_112 = arith.constant 0 : i32
      %dma_wait3A_113 = arith.constant 0 : i32
      %dma_wait3A_114 = tpu.memref_slice %arg2[%dma_wait3A_112, %dma_wait3A_113] : memref<8192x128xf32, #tpu.memory_space<hbm>> -> memref<8192x128xf32, #tpu.memory_space<hbm>>
      tpu.wait_indirect_dma semaphore(%arg9 : memref<!tpu.dma_semaphore, #tpu.memory_space<semaphore_mem>>) src(%dma_wait3A_114 : memref<8192x128xf32, #tpu.memory_space<hbm>>) dst(%dma_wait3A_108 : memref<128x128xf32, #tpu.memory_space<vmem>>)
      %mul3A_115 = arith.constant 4 : i32
      %mul3A_116 = arith.muli %scan3A_8, %mul3A_115 : i32
      %add3A_117 = arith.addi %mul3A_2, %mul3A_116 : i32
      %add3A_118 = arith.constant 2 : i32
      %add3A_119 = arith.addi %add3A_117, %add3A_118 : i32
      %mul3A_120 = arith.constant 128 : i32
      %mul3A_121 = arith.muli %add3A_119, %mul3A_120 : i32
      %run_scoped3A_122 = arith.constant 2 : i32
      "tpu.region"() ({
        %run_scoped3A_142 = tpu.sem_alloc : memref<!tpu.dma_semaphore, #tpu.memory_space<semaphore_mem>>
        %dma_start3A_143 = arith.constant 0 : i32
        %dma_start3A_144 = arith.constant 0 : i32
        %dma_start3A_145 = tpu.memref_slice %arg6[%run_scoped3A_122, %dma_start3A_143, %dma_start3A_144] : memref<4x128x128xf32, #tpu.memory_space<vmem>> -> memref<1x128x128xf32, #tpu.memory_space<vmem>>
        %dma_start3A_146 = tpu.memref_squeeze %dma_start3A_145 : memref<1x128x128xf32, #tpu.memory_space<vmem>> -> memref<128x128xf32, #tpu.memory_space<vmem>>
        %dma_start3A_147 = arith.constant 0 : i32
        %dma_start3A_148 = tpu.memref_slice %arg4[%mul3A_121, %dma_start3A_147] : memref<131072x128xf32, #tpu.memory_space<hbm>> -> memref<128x128xf32, #tpu.memory_space<hbm>>
        %dma_start3A_149 = arith.constant 0 : i32
        %dma_start3A_150 = tpu.memref_slice %arg4[%mul3A_121, %dma_start3A_149] : memref<131072x128xf32, #tpu.memory_space<hbm>> -> memref<128x128xf32, #tpu.memory_space<hbm>>
        %dma_start3A_151 = arith.constant 0 : i32
        %dma_start3A_152 = arith.constant 0 : i32
        %dma_start3A_153 = tpu.memref_slice %arg6[%run_scoped3A_122, %dma_start3A_151, %dma_start3A_152] : memref<4x128x128xf32, #tpu.memory_space<vmem>> -> memref<1x128x128xf32, #tpu.memory_space<vmem>>
        %dma_start3A_154 = tpu.memref_squeeze %dma_start3A_153 : memref<1x128x128xf32, #tpu.memory_space<vmem>> -> memref<128x128xf32, #tpu.memory_space<vmem>>
        tpu.enqueue_dma source(%dma_start3A_154 : memref<128x128xf32, #tpu.memory_space<vmem>>) target(%dma_start3A_150 : memref<128x128xf32, #tpu.memory_space<hbm>>) target_semaphore(%run_scoped3A_142 : memref<!tpu.dma_semaphore, #tpu.memory_space<semaphore_mem>>)
        %dma_wait3A_155 = arith.constant 0 : i32
        %dma_wait3A_156 = arith.constant 0 : i32
        %dma_wait3A_157 = tpu.memref_slice %arg6[%run_scoped3A_122, %dma_wait3A_155, %dma_wait3A_156] : memref<4x128x128xf32, #tpu.memory_space<vmem>> -> memref<1x128x128xf32, #tpu.memory_space<vmem>>
        %dma_wait3A_158 = tpu.memref_squeeze %dma_wait3A_157 : memref<1x128x128xf32, #tpu.memory_space<vmem>> -> memref<128x128xf32, #tpu.memory_space<vmem>>
        %dma_wait3A_159 = arith.constant 0 : i32
        %dma_wait3A_160 = tpu.memref_slice %arg4[%mul3A_121, %dma_wait3A_159] : memref<131072x128xf32, #tpu.memory_space<hbm>> -> memref<128x128xf32, #tpu.memory_space<hbm>>
        %dma_wait3A_161 = arith.constant 0 : i32
        %dma_wait3A_162 = tpu.memref_slice %arg4[%mul3A_121, %dma_wait3A_161] : memref<131072x128xf32, #tpu.memory_space<hbm>> -> memref<128x128xf32, #tpu.memory_space<hbm>>
        %dma_wait3A_163 = arith.constant 0 : i32
        %dma_wait3A_164 = arith.constant 0 : i32
        %dma_wait3A_165 = tpu.memref_slice %arg6[%run_scoped3A_122, %dma_wait3A_163, %dma_wait3A_164] : memref<4x128x128xf32, #tpu.memory_space<vmem>> -> memref<1x128x128xf32, #tpu.memory_space<vmem>>
        %dma_wait3A_166 = tpu.memref_squeeze %dma_wait3A_165 : memref<1x128x128xf32, #tpu.memory_space<vmem>> -> memref<128x128xf32, #tpu.memory_space<vmem>>
        tpu.wait_dma2 semaphore(%run_scoped3A_142 : memref<!tpu.dma_semaphore, #tpu.memory_space<semaphore_mem>>) src(%dma_wait3A_166 : memref<128x128xf32, #tpu.memory_space<vmem>>) dst(%dma_wait3A_162 : memref<128x128xf32, #tpu.memory_space<hbm>>)
        tpu.yield
      }) : () -> ()
      %dma_wait3A_123 = arith.constant 3 : i32
      %dma_wait3A_124 = arith.constant 0 : i32
      %dma_wait3A_125 = arith.constant 0 : i32
      %dma_wait3A_126 = tpu.memref_slice %arg6[%dma_wait3A_123, %dma_wait3A_124, %dma_wait3A_125] : memref<4x128x128xf32, #tpu.memory_space<vmem>> -> memref<1x128x128xf32, #tpu.memory_space<vmem>>
      %dma_wait3A_127 = tpu.memref_squeeze %dma_wait3A_126 : memref<1x128x128xf32, #tpu.memory_space<vmem>> -> memref<128x128xf32, #tpu.memory_space<vmem>>
      %dma_wait3A_128 = arith.constant 0 : i32
      %dma_wait3A_129 = tpu.memref_slice %arg5[%add3A_56, %dma_wait3A_128] : memref<32x128xi32, #tpu.memory_space<vmem>> -> memref<1x128xi32, #tpu.memory_space<vmem>>
      %dma_wait3A_130 = tpu.memref_squeeze %dma_wait3A_129 : memref<1x128xi32, #tpu.memory_space<vmem>> -> memref<128xi32, #tpu.memory_space<vmem>>
      %dma_wait3A_131 = arith.constant 0 : i32
      %dma_wait3A_132 = arith.constant 0 : i32
      %dma_wait3A_133 = tpu.memref_slice %arg2[%dma_wait3A_131, %dma_wait3A_132] : memref<8192x128xf32, #tpu.memory_space<hbm>> -> memref<8192x128xf32, #tpu.memory_space<hbm>>
      tpu.wait_indirect_dma semaphore(%arg10 : memref<!tpu.dma_semaphore, #tpu.memory_space<semaphore_mem>>) src(%dma_wait3A_133 : memref<8192x128xf32, #tpu.memory_space<hbm>>) dst(%dma_wait3A_127 : memref<128x128xf32, #tpu.memory_space<vmem>>)
      %mul3A_134 = arith.constant 4 : i32
      %mul3A_135 = arith.muli %scan3A_8, %mul3A_134 : i32
      %add3A_136 = arith.addi %mul3A_2, %mul3A_135 : i32
      %add3A_137 = arith.constant 3 : i32
      %add3A_138 = arith.addi %add3A_136, %add3A_137 : i32
      %mul3A_139 = arith.constant 128 : i32
      %mul3A_140 = arith.muli %add3A_138, %mul3A_139 : i32
      %run_scoped3A_141 = arith.constant 3 : i32
      "tpu.region"() ({
        %run_scoped3A_142 = tpu.sem_alloc : memref<!tpu.dma_semaphore, #tpu.memory_space<semaphore_mem>>
        %dma_start3A_143 = arith.constant 0 : i32
        %dma_start3A_144 = arith.constant 0 : i32
        %dma_start3A_145 = tpu.memref_slice %arg6[%run_scoped3A_141, %dma_start3A_143, %dma_start3A_144] : memref<4x128x128xf32, #tpu.memory_space<vmem>> -> memref<1x128x128xf32, #tpu.memory_space<vmem>>
        %dma_start3A_146 = tpu.memref_squeeze %dma_start3A_145 : memref<1x128x128xf32, #tpu.memory_space<vmem>> -> memref<128x128xf32, #tpu.memory_space<vmem>>
        %dma_start3A_147 = arith.constant 0 : i32
        %dma_start3A_148 = tpu.memref_slice %arg4[%mul3A_140, %dma_start3A_147] : memref<131072x128xf32, #tpu.memory_space<hbm>> -> memref<128x128xf32, #tpu.memory_space<hbm>>
        %dma_start3A_149 = arith.constant 0 : i32
        %dma_start3A_150 = tpu.memref_slice %arg4[%mul3A_140, %dma_start3A_149] : memref<131072x128xf32, #tpu.memory_space<hbm>> -> memref<128x128xf32, #tpu.memory_space<hbm>>
        %dma_start3A_151 = arith.constant 0 : i32
        %dma_start3A_152 = arith.constant 0 : i32
        %dma_start3A_153 = tpu.memref_slice %arg6[%run_scoped3A_141, %dma_start3A_151, %dma_start3A_152] : memref<4x128x128xf32, #tpu.memory_space<vmem>> -> memref<1x128x128xf32, #tpu.memory_space<vmem>>
        %dma_start3A_154 = tpu.memref_squeeze %dma_start3A_153 : memref<1x128x128xf32, #tpu.memory_space<vmem>> -> memref<128x128xf32, #tpu.memory_space<vmem>>
        tpu.enqueue_dma source(%dma_start3A_154 : memref<128x128xf32, #tpu.memory_space<vmem>>) target(%dma_start3A_150 : memref<128x128xf32, #tpu.memory_space<hbm>>) target_semaphore(%run_scoped3A_142 : memref<!tpu.dma_semaphore, #tpu.memory_space<semaphore_mem>>)
        %dma_wait3A_155 = arith.constant 0 : i32
        %dma_wait3A_156 = arith.constant 0 : i32
        %dma_wait3A_157 = tpu.memref_slice %arg6[%run_scoped3A_141, %dma_wait3A_155, %dma_wait3A_156] : memref<4x128x128xf32, #tpu.memory_space<vmem>> -> memref<1x128x128xf32, #tpu.memory_space<vmem>>
        %dma_wait3A_158 = tpu.memref_squeeze %dma_wait3A_157 : memref<1x128x128xf32, #tpu.memory_space<vmem>> -> memref<128x128xf32, #tpu.memory_space<vmem>>
        %dma_wait3A_159 = arith.constant 0 : i32
        %dma_wait3A_160 = tpu.memref_slice %arg4[%mul3A_140, %dma_wait3A_159] : memref<131072x128xf32, #tpu.memory_space<hbm>> -> memref<128x128xf32, #tpu.memory_space<hbm>>
        %dma_wait3A_161 = arith.constant 0 : i32
        %dma_wait3A_162 = tpu.memref_slice %arg4[%mul3A_140, %dma_wait3A_161] : memref<131072x128xf32, #tpu.memory_space<hbm>> -> memref<128x128xf32, #tpu.memory_space<hbm>>
        %dma_wait3A_163 = arith.constant 0 : i32
        %dma_wait3A_164 = arith.constant 0 : i32
        %dma_wait3A_165 = tpu.memref_slice %arg6[%run_scoped3A_141, %dma_wait3A_163, %dma_wait3A_164] : memref<4x128x128xf32, #tpu.memory_space<vmem>> -> memref<1x128x128xf32, #tpu.memory_space<vmem>>
        %dma_wait3A_166 = tpu.memref_squeeze %dma_wait3A_165 : memref<1x128x128xf32, #tpu.memory_space<vmem>> -> memref<128x128xf32, #tpu.memory_space<vmem>>
        tpu.wait_dma2 semaphore(%run_scoped3A_142 : memref<!tpu.dma_semaphore, #tpu.memory_space<semaphore_mem>>) src(%dma_wait3A_166 : memref<128x128xf32, #tpu.memory_space<vmem>>) dst(%dma_wait3A_162 : memref<128x128xf32, #tpu.memory_space<hbm>>)
        tpu.yield
      }) : () -> ()
    }
    %scan3A_7 = arith.constant 8 : i32
    return
  }
}

module attributes {stable_mosaic.version = 14 : i64} {
  func.func @_knn_body(%arg0: i32, %arg1: memref<256x8xf32, #tpu.memory_space<vmem>>, %arg2: memref<64x8x128xf32, #tpu.memory_space<vmem>>, %arg3: memref<256x16xi32, #tpu.memory_space<vmem>>, %arg4: memref<64x256x128xf32, #tpu.memory_space<vmem>>) attributes {dimension_semantics = [#tpu.dimension_semantics<arbitrary>], iteration_bounds = array<i64: 32>, scalar_prefetch = 0 : i64, scratch_operands = 1 : i64, tpu.core_type = #tpu.core_type<tc>, window_params = [{transform_indices = @transform_0, window_bounds = array<i64: 256, 8>}, {pipeline_mode = #tpu.pipeline_mode<synchronous>, transform_indices = @transform_1, window_bounds = array<i64: 64, 8, 128>}, {transform_indices = @transform_2, window_bounds = array<i64: 256, 16>}]} {
    %get3A = arith.constant 0 : index
    %get3A_0 = arith.constant 0 : index
    %get3A_1 = vector.load %arg1[%get3A, %get3A_0] : memref<256x8xf32, #tpu.memory_space<vmem>>, vector<256x8xf32>
    %mul3A = arith.mulf %get3A_1, %get3A_1 : vector<256x8xf32>
    %reduce_sum3A = arith.constant dense<0.000000e+00> : vector<256xf32>
    %reduce_sum3A_2 = vector.multi_reduction <add>, %mul3A, %reduce_sum3A [1] : vector<256x8xf32> to vector<256xf32>
    %broadcast_in_dim3A = vector.shape_cast %reduce_sum3A_2 : vector<256xf32> to vector<256x1xf32>
    %iota3A = tpu.iota {dimensions = array<i32: 1>} : vector<256x128xi32>
    %iota3A_3 = tpu.iota {dimensions = array<i32: 1>} : vector<256x16xi32>
    %broadcast_in_dim3A_4 = arith.constant 3.000000e+38 : f32
    %broadcast_in_dim3A_5 = vector.broadcast %broadcast_in_dim3A_4 : f32 to vector<256x128xf32>
    %broadcast_in_dim3A_6 = arith.constant 0 : i32
    %broadcast_in_dim3A_7 = vector.broadcast %broadcast_in_dim3A_6 : i32 to vector<256x128xi32>
    %scan3A = arith.constant 0 : i32
    %scan3A_8 = arith.constant 8 : i32
    %scan3A_9 = arith.addi %scan3A, %scan3A_8 : i32
    %scan3A_10 = arith.constant 1 : i32
    %scan3A_11:2 = scf.for %scan3A_39 = %scan3A to %scan3A_9 step %scan3A_10 iter_args(%scan3A_40 = %broadcast_in_dim3A_5, %scan3A_41 = %broadcast_in_dim3A_7) -> (vector<256x128xf32>, vector<256x128xi32>)  : i32 {
      %mul3A_42 = arith.constant 8 : i32
      %mul3A_43 = arith.muli %scan3A_39, %mul3A_42 : i32
      %add3A_44 = arith.constant 0 : i32
      %add3A_45 = arith.addi %mul3A_43, %add3A_44 : i32
      %get3A_46 = arith.index_cast %add3A_45 : i32 to index
      %get3A_47 = arith.constant 0 : index
      %get3A_48 = arith.constant 0 : index
      %get3A_49 = vector.load %arg2[%get3A_46, %get3A_47, %get3A_48] : memref<64x8x128xf32, #tpu.memory_space<vmem>>, vector<1x8x128xf32>
      %get3A_50 = vector.shape_cast %get3A_49 : vector<1x8x128xf32> to vector<8x128xf32>
      %mul3A_51 = arith.mulf %get3A_50, %get3A_50 : vector<8x128xf32>
      %reduce_sum3A_52 = arith.constant dense<0.000000e+00> : vector<128xf32>
      %reduce_sum3A_53 = vector.multi_reduction <add>, %mul3A_51, %reduce_sum3A_52 [0] : vector<8x128xf32> to vector<128xf32>
      %broadcast_in_dim3A_54 = vector.shape_cast %reduce_sum3A_53 : vector<128xf32> to vector<1x128xf32>
      %add3A_55 = vector.broadcast %broadcast_in_dim3A : vector<256x1xf32> to vector<256x128xf32>
      %add3A_56 = vector.broadcast %broadcast_in_dim3A_54 : vector<1x128xf32> to vector<256x128xf32>
      %add3A_57 = arith.addf %add3A_55, %add3A_56 : vector<256x128xf32>
      %dot_general3A = arith.constant dense<0.000000e+00> : vector<256x128xf32>
      %dot_general3A_58 = tpu.matmul %get3A_1, %get3A_50, %dot_general3A {dimension_numbers = #tpu.dot_dimension_numbers<[1], [0], [0], [1], [0, 0, 1, 1], [], []>, transpose_lhs_hint = false} : vector<256x8xf32>, vector<8x128xf32>, vector<256x128xf32> -> vector<256x128xf32>
      %mul3A_59 = arith.constant 2.000000e+00 : f32
      %mul3A_60 = vector.broadcast %mul3A_59 : f32 to vector<256x128xf32>
      %mul3A_61 = arith.mulf %mul3A_60, %dot_general3A_58 : vector<256x128xf32>
      %sub3A = arith.subf %add3A_57, %mul3A_61 : vector<256x128xf32>
      %swap3A_62 = arith.index_cast %add3A_45 : i32 to index
      %swap3A_63 = arith.constant 0 : index
      %swap3A_64 = arith.constant 0 : index
      %swap3A_65 = vector.load %arg4[%swap3A_62, %swap3A_63, %swap3A_64] : memref<64x256x128xf32, #tpu.memory_space<vmem>>, vector<1x256x128xf32>
      %swap3A_66 = vector.shape_cast %swap3A_65 : vector<1x256x128xf32> to vector<256x128xf32>
      %swap3A_67 = vector.shape_cast %sub3A : vector<256x128xf32> to vector<1x256x128xf32>
      tpu.vector_store %arg4[%swap3A_62, %swap3A_63, %swap3A_64], %swap3A_67 {strides = array<i32>} : memref<64x256x128xf32, #tpu.memory_space<vmem>>, vector<1x256x128xf32>,
      %lt3A = arith.cmpf olt, %sub3A, %scan3A_40 : vector<256x128xf32>
      %select_n3A_68 = arith.select %lt3A, %sub3A, %scan3A_40 : vector<256x128xi1>, vector<256x128xf32>
      %broadcast_in_dim3A_69 = vector.broadcast %add3A_45 : i32 to vector<256x128xi32>
      %select_n3A_70 = arith.select %lt3A, %broadcast_in_dim3A_69, %scan3A_41 : vector<256x128xi1>, vector<256x128xi32>
      %mul3A_71 = arith.constant 8 : i32
      %mul3A_72 = arith.muli %scan3A_39, %mul3A_71 : i32
      %add3A_73 = arith.constant 1 : i32
      %add3A_74 = arith.addi %mul3A_72, %add3A_73 : i32
      %get3A_75 = arith.index_cast %add3A_74 : i32 to index
      %get3A_76 = arith.constant 0 : index
      %get3A_77 = arith.constant 0 : index
      %get3A_78 = vector.load %arg2[%get3A_75, %get3A_76, %get3A_77] : memref<64x8x128xf32, #tpu.memory_space<vmem>>, vector<1x8x128xf32>
      %get3A_79 = vector.shape_cast %get3A_78 : vector<1x8x128xf32> to vector<8x128xf32>
      %mul3A_80 = arith.mulf %get3A_79, %get3A_79 : vector<8x128xf32>
      %reduce_sum3A_81 = arith.constant dense<0.000000e+00> : vector<128xf32>
      %reduce_sum3A_82 = vector.multi_reduction <add>, %mul3A_80, %reduce_sum3A_81 [0] : vector<8x128xf32> to vector<128xf32>
      %broadcast_in_dim3A_83 = vector.shape_cast %reduce_sum3A_82 : vector<128xf32> to vector<1x128xf32>
      %add3A_84 = vector.broadcast %broadcast_in_dim3A : vector<256x1xf32> to vector<256x128xf32>
      %add3A_85 = vector.broadcast %broadcast_in_dim3A_83 : vector<1x128xf32> to vector<256x128xf32>
      %add3A_86 = arith.addf %add3A_84, %add3A_85 : vector<256x128xf32>
      %dot_general3A_87 = arith.constant dense<0.000000e+00> : vector<256x128xf32>
      %dot_general3A_88 = tpu.matmul %get3A_1, %get3A_79, %dot_general3A_87 {dimension_numbers = #tpu.dot_dimension_numbers<[1], [0], [0], [1], [0, 0, 1, 1], [], []>, transpose_lhs_hint = false} : vector<256x8xf32>, vector<8x128xf32>, vector<256x128xf32> -> vector<256x128xf32>
      %mul3A_89 = arith.constant 2.000000e+00 : f32
      %mul3A_90 = vector.broadcast %mul3A_89 : f32 to vector<256x128xf32>
      %mul3A_91 = arith.mulf %mul3A_90, %dot_general3A_88 : vector<256x128xf32>
      %sub3A_92 = arith.subf %add3A_86, %mul3A_91 : vector<256x128xf32>
      %swap3A_93 = arith.index_cast %add3A_74 : i32 to index
      %swap3A_94 = arith.constant 0 : index
      %swap3A_95 = arith.constant 0 : index
      %swap3A_96 = vector.load %arg4[%swap3A_93, %swap3A_94, %swap3A_95] : memref<64x256x128xf32, #tpu.memory_space<vmem>>, vector<1x256x128xf32>
      %swap3A_97 = vector.shape_cast %swap3A_96 : vector<1x256x128xf32> to vector<256x128xf32>
      %swap3A_98 = vector.shape_cast %sub3A_92 : vector<256x128xf32> to vector<1x256x128xf32>
      tpu.vector_store %arg4[%swap3A_93, %swap3A_94, %swap3A_95], %swap3A_98 {strides = array<i32>} : memref<64x256x128xf32, #tpu.memory_space<vmem>>, vector<1x256x128xf32>,
      %lt3A_99 = arith.cmpf olt, %sub3A_92, %select_n3A_68 : vector<256x128xf32>
      %select_n3A_100 = arith.select %lt3A_99, %sub3A_92, %select_n3A_68 : vector<256x128xi1>, vector<256x128xf32>
      %broadcast_in_dim3A_101 = vector.broadcast %add3A_74 : i32 to vector<256x128xi32>
      %select_n3A_102 = arith.select %lt3A_99, %broadcast_in_dim3A_101, %select_n3A_70 : vector<256x128xi1>, vector<256x128xi32>
      %mul3A_103 = arith.constant 8 : i32
      %mul3A_104 = arith.muli %scan3A_39, %mul3A_103 : i32
      %add3A_105 = arith.constant 2 : i32
      %add3A_106 = arith.addi %mul3A_104, %add3A_105 : i32
      %get3A_107 = arith.index_cast %add3A_106 : i32 to index
      %get3A_108 = arith.constant 0 : index
      %get3A_109 = arith.constant 0 : index
      %get3A_110 = vector.load %arg2[%get3A_107, %get3A_108, %get3A_109] : memref<64x8x128xf32, #tpu.memory_space<vmem>>, vector<1x8x128xf32>
      %get3A_111 = vector.shape_cast %get3A_110 : vector<1x8x128xf32> to vector<8x128xf32>
      %mul3A_112 = arith.mulf %get3A_111, %get3A_111 : vector<8x128xf32>
      %reduce_sum3A_113 = arith.constant dense<0.000000e+00> : vector<128xf32>
      %reduce_sum3A_114 = vector.multi_reduction <add>, %mul3A_112, %reduce_sum3A_113 [0] : vector<8x128xf32> to vector<128xf32>
      %broadcast_in_dim3A_115 = vector.shape_cast %reduce_sum3A_114 : vector<128xf32> to vector<1x128xf32>
      %add3A_116 = vector.broadcast %broadcast_in_dim3A : vector<256x1xf32> to vector<256x128xf32>
      %add3A_117 = vector.broadcast %broadcast_in_dim3A_115 : vector<1x128xf32> to vector<256x128xf32>
      %add3A_118 = arith.addf %add3A_116, %add3A_117 : vector<256x128xf32>
      %dot_general3A_119 = arith.constant dense<0.000000e+00> : vector<256x128xf32>
      %dot_general3A_120 = tpu.matmul %get3A_1, %get3A_111, %dot_general3A_119 {dimension_numbers = #tpu.dot_dimension_numbers<[1], [0], [0], [1], [0, 0, 1, 1], [], []>, transpose_lhs_hint = false} : vector<256x8xf32>, vector<8x128xf32>, vector<256x128xf32> -> vector<256x128xf32>
      %mul3A_121 = arith.constant 2.000000e+00 : f32
      %mul3A_122 = vector.broadcast %mul3A_121 : f32 to vector<256x128xf32>
      %mul3A_123 = arith.mulf %mul3A_122, %dot_general3A_120 : vector<256x128xf32>
      %sub3A_124 = arith.subf %add3A_118, %mul3A_123 : vector<256x128xf32>
      %swap3A_125 = arith.index_cast %add3A_106 : i32 to index
      %swap3A_126 = arith.constant 0 : index
      %swap3A_127 = arith.constant 0 : index
      %swap3A_128 = vector.load %arg4[%swap3A_125, %swap3A_126, %swap3A_127] : memref<64x256x128xf32, #tpu.memory_space<vmem>>, vector<1x256x128xf32>
      %swap3A_129 = vector.shape_cast %swap3A_128 : vector<1x256x128xf32> to vector<256x128xf32>
      %swap3A_130 = vector.shape_cast %sub3A_124 : vector<256x128xf32> to vector<1x256x128xf32>
      tpu.vector_store %arg4[%swap3A_125, %swap3A_126, %swap3A_127], %swap3A_130 {strides = array<i32>} : memref<64x256x128xf32, #tpu.memory_space<vmem>>, vector<1x256x128xf32>,
      %lt3A_131 = arith.cmpf olt, %sub3A_124, %select_n3A_100 : vector<256x128xf32>
      %select_n3A_132 = arith.select %lt3A_131, %sub3A_124, %select_n3A_100 : vector<256x128xi1>, vector<256x128xf32>
      %broadcast_in_dim3A_133 = vector.broadcast %add3A_106 : i32 to vector<256x128xi32>
      %select_n3A_134 = arith.select %lt3A_131, %broadcast_in_dim3A_133, %select_n3A_102 : vector<256x128xi1>, vector<256x128xi32>
      %mul3A_135 = arith.constant 8 : i32
      %mul3A_136 = arith.muli %scan3A_39, %mul3A_135 : i32
      %add3A_137 = arith.constant 3 : i32
      %add3A_138 = arith.addi %mul3A_136, %add3A_137 : i32
      %get3A_139 = arith.index_cast %add3A_138 : i32 to index
      %get3A_140 = arith.constant 0 : index
      %get3A_141 = arith.constant 0 : index
      %get3A_142 = vector.load %arg2[%get3A_139, %get3A_140, %get3A_141] : memref<64x8x128xf32, #tpu.memory_space<vmem>>, vector<1x8x128xf32>
      %get3A_143 = vector.shape_cast %get3A_142 : vector<1x8x128xf32> to vector<8x128xf32>
      %mul3A_144 = arith.mulf %get3A_143, %get3A_143 : vector<8x128xf32>
      %reduce_sum3A_145 = arith.constant dense<0.000000e+00> : vector<128xf32>
      %reduce_sum3A_146 = vector.multi_reduction <add>, %mul3A_144, %reduce_sum3A_145 [0] : vector<8x128xf32> to vector<128xf32>
      %broadcast_in_dim3A_147 = vector.shape_cast %reduce_sum3A_146 : vector<128xf32> to vector<1x128xf32>
      %add3A_148 = vector.broadcast %broadcast_in_dim3A : vector<256x1xf32> to vector<256x128xf32>
      %add3A_149 = vector.broadcast %broadcast_in_dim3A_147 : vector<1x128xf32> to vector<256x128xf32>
      %add3A_150 = arith.addf %add3A_148, %add3A_149 : vector<256x128xf32>
      %dot_general3A_151 = arith.constant dense<0.000000e+00> : vector<256x128xf32>
      %dot_general3A_152 = tpu.matmul %get3A_1, %get3A_143, %dot_general3A_151 {dimension_numbers = #tpu.dot_dimension_numbers<[1], [0], [0], [1], [0, 0, 1, 1], [], []>, transpose_lhs_hint = false} : vector<256x8xf32>, vector<8x128xf32>, vector<256x128xf32> -> vector<256x128xf32>
      %mul3A_153 = arith.constant 2.000000e+00 : f32
      %mul3A_154 = vector.broadcast %mul3A_153 : f32 to vector<256x128xf32>
      %mul3A_155 = arith.mulf %mul3A_154, %dot_general3A_152 : vector<256x128xf32>
      %sub3A_156 = arith.subf %add3A_150, %mul3A_155 : vector<256x128xf32>
      %swap3A_157 = arith.index_cast %add3A_138 : i32 to index
      %swap3A_158 = arith.constant 0 : index
      %swap3A_159 = arith.constant 0 : index
      %swap3A_160 = vector.load %arg4[%swap3A_157, %swap3A_158, %swap3A_159] : memref<64x256x128xf32, #tpu.memory_space<vmem>>, vector<1x256x128xf32>
      %swap3A_161 = vector.shape_cast %swap3A_160 : vector<1x256x128xf32> to vector<256x128xf32>
      %swap3A_162 = vector.shape_cast %sub3A_156 : vector<256x128xf32> to vector<1x256x128xf32>
      tpu.vector_store %arg4[%swap3A_157, %swap3A_158, %swap3A_159], %swap3A_162 {strides = array<i32>} : memref<64x256x128xf32, #tpu.memory_space<vmem>>, vector<1x256x128xf32>,
      %lt3A_163 = arith.cmpf olt, %sub3A_156, %select_n3A_132 : vector<256x128xf32>
      %select_n3A_164 = arith.select %lt3A_163, %sub3A_156, %select_n3A_132 : vector<256x128xi1>, vector<256x128xf32>
      %broadcast_in_dim3A_165 = vector.broadcast %add3A_138 : i32 to vector<256x128xi32>
      %select_n3A_166 = arith.select %lt3A_163, %broadcast_in_dim3A_165, %select_n3A_134 : vector<256x128xi1>, vector<256x128xi32>
      %mul3A_167 = arith.constant 8 : i32
      %mul3A_168 = arith.muli %scan3A_39, %mul3A_167 : i32
      %add3A_169 = arith.constant 4 : i32
      %add3A_170 = arith.addi %mul3A_168, %add3A_169 : i32
      %get3A_171 = arith.index_cast %add3A_170 : i32 to index
      %get3A_172 = arith.constant 0 : index
      %get3A_173 = arith.constant 0 : index
      %get3A_174 = vector.load %arg2[%get3A_171, %get3A_172, %get3A_173] : memref<64x8x128xf32, #tpu.memory_space<vmem>>, vector<1x8x128xf32>
      %get3A_175 = vector.shape_cast %get3A_174 : vector<1x8x128xf32> to vector<8x128xf32>
      %mul3A_176 = arith.mulf %get3A_175, %get3A_175 : vector<8x128xf32>
      %reduce_sum3A_177 = arith.constant dense<0.000000e+00> : vector<128xf32>
      %reduce_sum3A_178 = vector.multi_reduction <add>, %mul3A_176, %reduce_sum3A_177 [0] : vector<8x128xf32> to vector<128xf32>
      %broadcast_in_dim3A_179 = vector.shape_cast %reduce_sum3A_178 : vector<128xf32> to vector<1x128xf32>
      %add3A_180 = vector.broadcast %broadcast_in_dim3A : vector<256x1xf32> to vector<256x128xf32>
      %add3A_181 = vector.broadcast %broadcast_in_dim3A_179 : vector<1x128xf32> to vector<256x128xf32>
      %add3A_182 = arith.addf %add3A_180, %add3A_181 : vector<256x128xf32>
      %dot_general3A_183 = arith.constant dense<0.000000e+00> : vector<256x128xf32>
      %dot_general3A_184 = tpu.matmul %get3A_1, %get3A_175, %dot_general3A_183 {dimension_numbers = #tpu.dot_dimension_numbers<[1], [0], [0], [1], [0, 0, 1, 1], [], []>, transpose_lhs_hint = false} : vector<256x8xf32>, vector<8x128xf32>, vector<256x128xf32> -> vector<256x128xf32>
      %mul3A_185 = arith.constant 2.000000e+00 : f32
      %mul3A_186 = vector.broadcast %mul3A_185 : f32 to vector<256x128xf32>
      %mul3A_187 = arith.mulf %mul3A_186, %dot_general3A_184 : vector<256x128xf32>
      %sub3A_188 = arith.subf %add3A_182, %mul3A_187 : vector<256x128xf32>
      %swap3A_189 = arith.index_cast %add3A_170 : i32 to index
      %swap3A_190 = arith.constant 0 : index
      %swap3A_191 = arith.constant 0 : index
      %swap3A_192 = vector.load %arg4[%swap3A_189, %swap3A_190, %swap3A_191] : memref<64x256x128xf32, #tpu.memory_space<vmem>>, vector<1x256x128xf32>
      %swap3A_193 = vector.shape_cast %swap3A_192 : vector<1x256x128xf32> to vector<256x128xf32>
      %swap3A_194 = vector.shape_cast %sub3A_188 : vector<256x128xf32> to vector<1x256x128xf32>
      tpu.vector_store %arg4[%swap3A_189, %swap3A_190, %swap3A_191], %swap3A_194 {strides = array<i32>} : memref<64x256x128xf32, #tpu.memory_space<vmem>>, vector<1x256x128xf32>,
      %lt3A_195 = arith.cmpf olt, %sub3A_188, %select_n3A_164 : vector<256x128xf32>
      %select_n3A_196 = arith.select %lt3A_195, %sub3A_188, %select_n3A_164 : vector<256x128xi1>, vector<256x128xf32>
      %broadcast_in_dim3A_197 = vector.broadcast %add3A_170 : i32 to vector<256x128xi32>
      %select_n3A_198 = arith.select %lt3A_195, %broadcast_in_dim3A_197, %select_n3A_166 : vector<256x128xi1>, vector<256x128xi32>
      %mul3A_199 = arith.constant 8 : i32
      %mul3A_200 = arith.muli %scan3A_39, %mul3A_199 : i32
      %add3A_201 = arith.constant 5 : i32
      %add3A_202 = arith.addi %mul3A_200, %add3A_201 : i32
      %get3A_203 = arith.index_cast %add3A_202 : i32 to index
      %get3A_204 = arith.constant 0 : index
      %get3A_205 = arith.constant 0 : index
      %get3A_206 = vector.load %arg2[%get3A_203, %get3A_204, %get3A_205] : memref<64x8x128xf32, #tpu.memory_space<vmem>>, vector<1x8x128xf32>
      %get3A_207 = vector.shape_cast %get3A_206 : vector<1x8x128xf32> to vector<8x128xf32>
      %mul3A_208 = arith.mulf %get3A_207, %get3A_207 : vector<8x128xf32>
      %reduce_sum3A_209 = arith.constant dense<0.000000e+00> : vector<128xf32>
      %reduce_sum3A_210 = vector.multi_reduction <add>, %mul3A_208, %reduce_sum3A_209 [0] : vector<8x128xf32> to vector<128xf32>
      %broadcast_in_dim3A_211 = vector.shape_cast %reduce_sum3A_210 : vector<128xf32> to vector<1x128xf32>
      %add3A_212 = vector.broadcast %broadcast_in_dim3A : vector<256x1xf32> to vector<256x128xf32>
      %add3A_213 = vector.broadcast %broadcast_in_dim3A_211 : vector<1x128xf32> to vector<256x128xf32>
      %add3A_214 = arith.addf %add3A_212, %add3A_213 : vector<256x128xf32>
      %dot_general3A_215 = arith.constant dense<0.000000e+00> : vector<256x128xf32>
      %dot_general3A_216 = tpu.matmul %get3A_1, %get3A_207, %dot_general3A_215 {dimension_numbers = #tpu.dot_dimension_numbers<[1], [0], [0], [1], [0, 0, 1, 1], [], []>, transpose_lhs_hint = false} : vector<256x8xf32>, vector<8x128xf32>, vector<256x128xf32> -> vector<256x128xf32>
      %mul3A_217 = arith.constant 2.000000e+00 : f32
      %mul3A_218 = vector.broadcast %mul3A_217 : f32 to vector<256x128xf32>
      %mul3A_219 = arith.mulf %mul3A_218, %dot_general3A_216 : vector<256x128xf32>
      %sub3A_220 = arith.subf %add3A_214, %mul3A_219 : vector<256x128xf32>
      %swap3A_221 = arith.index_cast %add3A_202 : i32 to index
      %swap3A_222 = arith.constant 0 : index
      %swap3A_223 = arith.constant 0 : index
      %swap3A_224 = vector.load %arg4[%swap3A_221, %swap3A_222, %swap3A_223] : memref<64x256x128xf32, #tpu.memory_space<vmem>>, vector<1x256x128xf32>
      %swap3A_225 = vector.shape_cast %swap3A_224 : vector<1x256x128xf32> to vector<256x128xf32>
      %swap3A_226 = vector.shape_cast %sub3A_220 : vector<256x128xf32> to vector<1x256x128xf32>
      tpu.vector_store %arg4[%swap3A_221, %swap3A_222, %swap3A_223], %swap3A_226 {strides = array<i32>} : memref<64x256x128xf32, #tpu.memory_space<vmem>>, vector<1x256x128xf32>,
      %lt3A_227 = arith.cmpf olt, %sub3A_220, %select_n3A_196 : vector<256x128xf32>
      %select_n3A_228 = arith.select %lt3A_227, %sub3A_220, %select_n3A_196 : vector<256x128xi1>, vector<256x128xf32>
      %broadcast_in_dim3A_229 = vector.broadcast %add3A_202 : i32 to vector<256x128xi32>
      %select_n3A_230 = arith.select %lt3A_227, %broadcast_in_dim3A_229, %select_n3A_198 : vector<256x128xi1>, vector<256x128xi32>
      %mul3A_231 = arith.constant 8 : i32
      %mul3A_232 = arith.muli %scan3A_39, %mul3A_231 : i32
      %add3A_233 = arith.constant 6 : i32
      %add3A_234 = arith.addi %mul3A_232, %add3A_233 : i32
      %get3A_235 = arith.index_cast %add3A_234 : i32 to index
      %get3A_236 = arith.constant 0 : index
      %get3A_237 = arith.constant 0 : index
      %get3A_238 = vector.load %arg2[%get3A_235, %get3A_236, %get3A_237] : memref<64x8x128xf32, #tpu.memory_space<vmem>>, vector<1x8x128xf32>
      %get3A_239 = vector.shape_cast %get3A_238 : vector<1x8x128xf32> to vector<8x128xf32>
      %mul3A_240 = arith.mulf %get3A_239, %get3A_239 : vector<8x128xf32>
      %reduce_sum3A_241 = arith.constant dense<0.000000e+00> : vector<128xf32>
      %reduce_sum3A_242 = vector.multi_reduction <add>, %mul3A_240, %reduce_sum3A_241 [0] : vector<8x128xf32> to vector<128xf32>
      %broadcast_in_dim3A_243 = vector.shape_cast %reduce_sum3A_242 : vector<128xf32> to vector<1x128xf32>
      %add3A_244 = vector.broadcast %broadcast_in_dim3A : vector<256x1xf32> to vector<256x128xf32>
      %add3A_245 = vector.broadcast %broadcast_in_dim3A_243 : vector<1x128xf32> to vector<256x128xf32>
      %add3A_246 = arith.addf %add3A_244, %add3A_245 : vector<256x128xf32>
      %dot_general3A_247 = arith.constant dense<0.000000e+00> : vector<256x128xf32>
      %dot_general3A_248 = tpu.matmul %get3A_1, %get3A_239, %dot_general3A_247 {dimension_numbers = #tpu.dot_dimension_numbers<[1], [0], [0], [1], [0, 0, 1, 1], [], []>, transpose_lhs_hint = false} : vector<256x8xf32>, vector<8x128xf32>, vector<256x128xf32> -> vector<256x128xf32>
      %mul3A_249 = arith.constant 2.000000e+00 : f32
      %mul3A_250 = vector.broadcast %mul3A_249 : f32 to vector<256x128xf32>
      %mul3A_251 = arith.mulf %mul3A_250, %dot_general3A_248 : vector<256x128xf32>
      %sub3A_252 = arith.subf %add3A_246, %mul3A_251 : vector<256x128xf32>
      %swap3A_253 = arith.index_cast %add3A_234 : i32 to index
      %swap3A_254 = arith.constant 0 : index
      %swap3A_255 = arith.constant 0 : index
      %swap3A_256 = vector.load %arg4[%swap3A_253, %swap3A_254, %swap3A_255] : memref<64x256x128xf32, #tpu.memory_space<vmem>>, vector<1x256x128xf32>
      %swap3A_257 = vector.shape_cast %swap3A_256 : vector<1x256x128xf32> to vector<256x128xf32>
      %swap3A_258 = vector.shape_cast %sub3A_252 : vector<256x128xf32> to vector<1x256x128xf32>
      tpu.vector_store %arg4[%swap3A_253, %swap3A_254, %swap3A_255], %swap3A_258 {strides = array<i32>} : memref<64x256x128xf32, #tpu.memory_space<vmem>>, vector<1x256x128xf32>,
      %lt3A_259 = arith.cmpf olt, %sub3A_252, %select_n3A_228 : vector<256x128xf32>
      %select_n3A_260 = arith.select %lt3A_259, %sub3A_252, %select_n3A_228 : vector<256x128xi1>, vector<256x128xf32>
      %broadcast_in_dim3A_261 = vector.broadcast %add3A_234 : i32 to vector<256x128xi32>
      %select_n3A_262 = arith.select %lt3A_259, %broadcast_in_dim3A_261, %select_n3A_230 : vector<256x128xi1>, vector<256x128xi32>
      %mul3A_263 = arith.constant 8 : i32
      %mul3A_264 = arith.muli %scan3A_39, %mul3A_263 : i32
      %add3A_265 = arith.constant 7 : i32
      %add3A_266 = arith.addi %mul3A_264, %add3A_265 : i32
      %get3A_267 = arith.index_cast %add3A_266 : i32 to index
      %get3A_268 = arith.constant 0 : index
      %get3A_269 = arith.constant 0 : index
      %get3A_270 = vector.load %arg2[%get3A_267, %get3A_268, %get3A_269] : memref<64x8x128xf32, #tpu.memory_space<vmem>>, vector<1x8x128xf32>
      %get3A_271 = vector.shape_cast %get3A_270 : vector<1x8x128xf32> to vector<8x128xf32>
      %mul3A_272 = arith.mulf %get3A_271, %get3A_271 : vector<8x128xf32>
      %reduce_sum3A_273 = arith.constant dense<0.000000e+00> : vector<128xf32>
      %reduce_sum3A_274 = vector.multi_reduction <add>, %mul3A_272, %reduce_sum3A_273 [0] : vector<8x128xf32> to vector<128xf32>
      %broadcast_in_dim3A_275 = vector.shape_cast %reduce_sum3A_274 : vector<128xf32> to vector<1x128xf32>
      %add3A_276 = vector.broadcast %broadcast_in_dim3A : vector<256x1xf32> to vector<256x128xf32>
      %add3A_277 = vector.broadcast %broadcast_in_dim3A_275 : vector<1x128xf32> to vector<256x128xf32>
      %add3A_278 = arith.addf %add3A_276, %add3A_277 : vector<256x128xf32>
      %dot_general3A_279 = arith.constant dense<0.000000e+00> : vector<256x128xf32>
      %dot_general3A_280 = tpu.matmul %get3A_1, %get3A_271, %dot_general3A_279 {dimension_numbers = #tpu.dot_dimension_numbers<[1], [0], [0], [1], [0, 0, 1, 1], [], []>, transpose_lhs_hint = false} : vector<256x8xf32>, vector<8x128xf32>, vector<256x128xf32> -> vector<256x128xf32>
      %mul3A_281 = arith.constant 2.000000e+00 : f32
      %mul3A_282 = vector.broadcast %mul3A_281 : f32 to vector<256x128xf32>
      %mul3A_283 = arith.mulf %mul3A_282, %dot_general3A_280 : vector<256x128xf32>
      %sub3A_284 = arith.subf %add3A_278, %mul3A_283 : vector<256x128xf32>
      %swap3A_285 = arith.index_cast %add3A_266 : i32 to index
      %swap3A_286 = arith.constant 0 : index
      %swap3A_287 = arith.constant 0 : index
      %swap3A_288 = vector.load %arg4[%swap3A_285, %swap3A_286, %swap3A_287] : memref<64x256x128xf32, #tpu.memory_space<vmem>>, vector<1x256x128xf32>
      %swap3A_289 = vector.shape_cast %swap3A_288 : vector<1x256x128xf32> to vector<256x128xf32>
      %swap3A_290 = vector.shape_cast %sub3A_284 : vector<256x128xf32> to vector<1x256x128xf32>
      tpu.vector_store %arg4[%swap3A_285, %swap3A_286, %swap3A_287], %swap3A_290 {strides = array<i32>} : memref<64x256x128xf32, #tpu.memory_space<vmem>>, vector<1x256x128xf32>,
      %lt3A_291 = arith.cmpf olt, %sub3A_284, %select_n3A_260 : vector<256x128xf32>
      %select_n3A_292 = arith.select %lt3A_291, %sub3A_284, %select_n3A_260 : vector<256x128xi1>, vector<256x128xf32>
      %broadcast_in_dim3A_293 = vector.broadcast %add3A_266 : i32 to vector<256x128xi32>
      %select_n3A_294 = arith.select %lt3A_291, %broadcast_in_dim3A_293, %select_n3A_262 : vector<256x128xi1>, vector<256x128xi32>
      scf.yield %select_n3A_292, %select_n3A_294 : vector<256x128xf32>, vector<256x128xi32>
    }
    %scan3A_12 = arith.constant 8 : i32
    %reduce_min3A = arith.constant dense<0x7F800000> : vector<256xf32>
    %reduce_min3A_13 = vector.multi_reduction <minimumf>, %scan3A_11#0, %reduce_min3A [1] : vector<256x128xf32> to vector<256xf32>
    %broadcast_in_dim3A_14 = vector.shape_cast %reduce_min3A_13 : vector<256xf32> to vector<256x1xf32>
    %mul3A_15 = arith.constant 128 : i32
    %mul3A_16 = vector.broadcast %mul3A_15 : i32 to vector<256x128xi32>
    %mul3A_17 = arith.muli %scan3A_11#1, %mul3A_16 : vector<256x128xi32>
    %add3A = arith.addi %mul3A_17, %iota3A : vector<256x128xi32>
    %le3A = vector.broadcast %broadcast_in_dim3A_14 : vector<256x1xf32> to vector<256x128xf32>
    %le3A_18 = arith.cmpf ole, %scan3A_11#0, %le3A : vector<256x128xf32>
    %jit3A = arith.constant 1073741824 : i32
    %broadcast_in_dim3A_19 = vector.broadcast %jit3A : i32 to vector<256x128xi32>
    %select_n3A = arith.select %le3A_18, %add3A, %broadcast_in_dim3A_19 : vector<256x128xi1>, vector<256x128xi32>
    %reduce_min3A_20 = arith.constant dense<2147483647> : vector<256xi32>
    %reduce_min3A_21 = vector.multi_reduction <minsi>, %select_n3A, %reduce_min3A_20 [1] : vector<256x128xi32> to vector<256xi32>
    %eq3A = arith.constant 0 : i32
    %eq3A_22 = vector.broadcast %eq3A : i32 to vector<256x16xi32>
    %eq3A_23 = arith.cmpi eq, %iota3A_3, %eq3A_22 : vector<256x16xi32>
    %broadcast_in_dim3A_24 = vector.shape_cast %reduce_min3A_21 : vector<256xi32> to vector<256x1xi32>
    %jit3A_25 = arith.constant 0 : i32
    %broadcast_in_dim3A_26 = vector.shape_cast %broadcast_in_dim3A_24 : vector<256x1xi32> to vector<256x1xi32>
    %broadcast_in_dim3A_27 = vector.broadcast %broadcast_in_dim3A_26 : vector<256x1xi32> to vector<256x16xi32>
    %broadcast_in_dim3A_28 = vector.broadcast %jit3A_25 : i32 to vector<256x16xi32>
    %select_n3A_29 = arith.select %eq3A_23, %broadcast_in_dim3A_27, %broadcast_in_dim3A_28 : vector<256x16xi1>, vector<256x16xi32>
    %scan3A_30 = arith.constant 1073741824 : i32
    %scan3A_31 = arith.constant 1 : i32
    %scan3A_32 = arith.constant 15 : i32
    %scan3A_33 = arith.addi %scan3A_31, %scan3A_32 : i32
    %scan3A_34 = arith.constant 1 : i32
    %scan3A_35:2 = scf.for %scan3A_39 = %scan3A_31 to %scan3A_33 step %scan3A_34 iter_args(%scan3A_40 = %reduce_min3A_21, %scan3A_41 = %select_n3A_29) -> (vector<256xi32>, vector<256x16xi32>)  : i32 {
      %broadcast_in_dim3A_42 = vector.shape_cast %scan3A_40 : vector<256xi32> to vector<256x1xi32>
      %scan3A_43 = arith.constant 0 : i32
      %scan3A_44 = arith.constant 8 : i32
      %scan3A_45 = arith.addi %scan3A_43, %scan3A_44 : i32
      %scan3A_46 = arith.constant 1 : i32
      %scan3A_47:3 = scf.for %scan3A_68 = %scan3A_43 to %scan3A_45 step %scan3A_46 iter_args(%scan3A_69 = %broadcast_in_dim3A_5, %scan3A_70 = %broadcast_in_dim3A_7, %scan3A_71 = %broadcast_in_dim3A_42) -> (vector<256x128xf32>, vector<256x128xi32>, vector<256x1xi32>)  : i32 {
        %mul3A_72 = arith.constant 8 : i32
        %mul3A_73 = arith.muli %scan3A_68, %mul3A_72 : i32
        %add3A_74 = arith.constant 0 : i32
        %add3A_75 = arith.addi %mul3A_73, %add3A_74 : i32
        %get3A_76 = arith.index_cast %add3A_75 : i32 to index
        %get3A_77 = arith.constant 0 : index
        %get3A_78 = arith.constant 0 : index
        %get3A_79 = vector.load %arg4[%get3A_76, %get3A_77, %get3A_78] : memref<64x256x128xf32, #tpu.memory_space<vmem>>, vector<1x256x128xf32>
        %get3A_80 = vector.shape_cast %get3A_79 : vector<1x256x128xf32> to vector<256x128xf32>
        %eq3A_81 = vector.broadcast %scan3A_71 : vector<256x1xi32> to vector<256x128xi32>
        %eq3A_82 = arith.cmpi eq, %iota3A, %eq3A_81 : vector<256x128xi32>
        %jit3A_83 = arith.constant 3.000000e+38 : f32
        %broadcast_in_dim3A_84 = vector.broadcast %jit3A_83 : f32 to vector<256x128xf32>
        %select_n3A_85 = arith.select %eq3A_82, %broadcast_in_dim3A_84, %get3A_80 : vector<256x128xi1>, vector<256x128xf32>
        %swap3A_86 = arith.index_cast %add3A_75 : i32 to index
        %swap3A_87 = arith.constant 0 : index
        %swap3A_88 = arith.constant 0 : index
        %swap3A_89 = vector.load %arg4[%swap3A_86, %swap3A_87, %swap3A_88] : memref<64x256x128xf32, #tpu.memory_space<vmem>>, vector<1x256x128xf32>
        %swap3A_90 = vector.shape_cast %swap3A_89 : vector<1x256x128xf32> to vector<256x128xf32>
        %swap3A_91 = vector.shape_cast %select_n3A_85 : vector<256x128xf32> to vector<1x256x128xf32>
        tpu.vector_store %arg4[%swap3A_86, %swap3A_87, %swap3A_88], %swap3A_91 {strides = array<i32>} : memref<64x256x128xf32, #tpu.memory_space<vmem>>, vector<1x256x128xf32>,
        %lt3A = arith.cmpf olt, %select_n3A_85, %scan3A_69 : vector<256x128xf32>
        %select_n3A_92 = arith.select %lt3A, %select_n3A_85, %scan3A_69 : vector<256x128xi1>, vector<256x128xf32>
        %broadcast_in_dim3A_93 = vector.broadcast %add3A_75 : i32 to vector<256x128xi32>
        %select_n3A_94 = arith.select %lt3A, %broadcast_in_dim3A_93, %scan3A_70 : vector<256x128xi1>, vector<256x128xi32>
        %sub3A = arith.constant 128 : i32
        %sub3A_95 = vector.broadcast %sub3A : i32 to vector<256x1xi32>
        %sub3A_96 = arith.subi %scan3A_71, %sub3A_95 : vector<256x1xi32>
        %mul3A_97 = arith.constant 8 : i32
        %mul3A_98 = arith.muli %scan3A_68, %mul3A_97 : i32
        %add3A_99 = arith.constant 1 : i32
        %add3A_100 = arith.addi %mul3A_98, %add3A_99 : i32
        %get3A_101 = arith.index_cast %add3A_100 : i32 to index
        %get3A_102 = arith.constant 0 : index
        %get3A_103 = arith.constant 0 : index
        %get3A_104 = vector.load %arg4[%get3A_101, %get3A_102, %get3A_103] : memref<64x256x128xf32, #tpu.memory_space<vmem>>, vector<1x256x128xf32>
        %get3A_105 = vector.shape_cast %get3A_104 : vector<1x256x128xf32> to vector<256x128xf32>
        %eq3A_106 = vector.broadcast %sub3A_96 : vector<256x1xi32> to vector<256x128xi32>
        %eq3A_107 = arith.cmpi eq, %iota3A, %eq3A_106 : vector<256x128xi32>
        %jit3A_108 = arith.constant 3.000000e+38 : f32
        %broadcast_in_dim3A_109 = vector.broadcast %jit3A_108 : f32 to vector<256x128xf32>
        %select_n3A_110 = arith.select %eq3A_107, %broadcast_in_dim3A_109, %get3A_105 : vector<256x128xi1>, vector<256x128xf32>
        %swap3A_111 = arith.index_cast %add3A_100 : i32 to index
        %swap3A_112 = arith.constant 0 : index
        %swap3A_113 = arith.constant 0 : index
        %swap3A_114 = vector.load %arg4[%swap3A_111, %swap3A_112, %swap3A_113] : memref<64x256x128xf32, #tpu.memory_space<vmem>>, vector<1x256x128xf32>
        %swap3A_115 = vector.shape_cast %swap3A_114 : vector<1x256x128xf32> to vector<256x128xf32>
        %swap3A_116 = vector.shape_cast %select_n3A_110 : vector<256x128xf32> to vector<1x256x128xf32>
        tpu.vector_store %arg4[%swap3A_111, %swap3A_112, %swap3A_113], %swap3A_116 {strides = array<i32>} : memref<64x256x128xf32, #tpu.memory_space<vmem>>, vector<1x256x128xf32>,
        %lt3A_117 = arith.cmpf olt, %select_n3A_110, %select_n3A_92 : vector<256x128xf32>
        %select_n3A_118 = arith.select %lt3A_117, %select_n3A_110, %select_n3A_92 : vector<256x128xi1>, vector<256x128xf32>
        %broadcast_in_dim3A_119 = vector.broadcast %add3A_100 : i32 to vector<256x128xi32>
        %select_n3A_120 = arith.select %lt3A_117, %broadcast_in_dim3A_119, %select_n3A_94 : vector<256x128xi1>, vector<256x128xi32>
        %sub3A_121 = arith.constant 128 : i32
        %sub3A_122 = vector.broadcast %sub3A_121 : i32 to vector<256x1xi32>
        %sub3A_123 = arith.subi %sub3A_96, %sub3A_122 : vector<256x1xi32>
        %mul3A_124 = arith.constant 8 : i32
        %mul3A_125 = arith.muli %scan3A_68, %mul3A_124 : i32
        %add3A_126 = arith.constant 2 : i32
        %add3A_127 = arith.addi %mul3A_125, %add3A_126 : i32
        %get3A_128 = arith.index_cast %add3A_127 : i32 to index
        %get3A_129 = arith.constant 0 : index
        %get3A_130 = arith.constant 0 : index
        %get3A_131 = vector.load %arg4[%get3A_128, %get3A_129, %get3A_130] : memref<64x256x128xf32, #tpu.memory_space<vmem>>, vector<1x256x128xf32>
        %get3A_132 = vector.shape_cast %get3A_131 : vector<1x256x128xf32> to vector<256x128xf32>
        %eq3A_133 = vector.broadcast %sub3A_123 : vector<256x1xi32> to vector<256x128xi32>
        %eq3A_134 = arith.cmpi eq, %iota3A, %eq3A_133 : vector<256x128xi32>
        %jit3A_135 = arith.constant 3.000000e+38 : f32
        %broadcast_in_dim3A_136 = vector.broadcast %jit3A_135 : f32 to vector<256x128xf32>
        %select_n3A_137 = arith.select %eq3A_134, %broadcast_in_dim3A_136, %get3A_132 : vector<256x128xi1>, vector<256x128xf32>
        %swap3A_138 = arith.index_cast %add3A_127 : i32 to index
        %swap3A_139 = arith.constant 0 : index
        %swap3A_140 = arith.constant 0 : index
        %swap3A_141 = vector.load %arg4[%swap3A_138, %swap3A_139, %swap3A_140] : memref<64x256x128xf32, #tpu.memory_space<vmem>>, vector<1x256x128xf32>
        %swap3A_142 = vector.shape_cast %swap3A_141 : vector<1x256x128xf32> to vector<256x128xf32>
        %swap3A_143 = vector.shape_cast %select_n3A_137 : vector<256x128xf32> to vector<1x256x128xf32>
        tpu.vector_store %arg4[%swap3A_138, %swap3A_139, %swap3A_140], %swap3A_143 {strides = array<i32>} : memref<64x256x128xf32, #tpu.memory_space<vmem>>, vector<1x256x128xf32>,
        %lt3A_144 = arith.cmpf olt, %select_n3A_137, %select_n3A_118 : vector<256x128xf32>
        %select_n3A_145 = arith.select %lt3A_144, %select_n3A_137, %select_n3A_118 : vector<256x128xi1>, vector<256x128xf32>
        %broadcast_in_dim3A_146 = vector.broadcast %add3A_127 : i32 to vector<256x128xi32>
        %select_n3A_147 = arith.select %lt3A_144, %broadcast_in_dim3A_146, %select_n3A_120 : vector<256x128xi1>, vector<256x128xi32>
        %sub3A_148 = arith.constant 128 : i32
        %sub3A_149 = vector.broadcast %sub3A_148 : i32 to vector<256x1xi32>
        %sub3A_150 = arith.subi %sub3A_123, %sub3A_149 : vector<256x1xi32>
        %mul3A_151 = arith.constant 8 : i32
        %mul3A_152 = arith.muli %scan3A_68, %mul3A_151 : i32
        %add3A_153 = arith.constant 3 : i32
        %add3A_154 = arith.addi %mul3A_152, %add3A_153 : i32
        %get3A_155 = arith.index_cast %add3A_154 : i32 to index
        %get3A_156 = arith.constant 0 : index
        %get3A_157 = arith.constant 0 : index
        %get3A_158 = vector.load %arg4[%get3A_155, %get3A_156, %get3A_157] : memref<64x256x128xf32, #tpu.memory_space<vmem>>, vector<1x256x128xf32>
        %get3A_159 = vector.shape_cast %get3A_158 : vector<1x256x128xf32> to vector<256x128xf32>
        %eq3A_160 = vector.broadcast %sub3A_150 : vector<256x1xi32> to vector<256x128xi32>
        %eq3A_161 = arith.cmpi eq, %iota3A, %eq3A_160 : vector<256x128xi32>
        %jit3A_162 = arith.constant 3.000000e+38 : f32
        %broadcast_in_dim3A_163 = vector.broadcast %jit3A_162 : f32 to vector<256x128xf32>
        %select_n3A_164 = arith.select %eq3A_161, %broadcast_in_dim3A_163, %get3A_159 : vector<256x128xi1>, vector<256x128xf32>
        %swap3A_165 = arith.index_cast %add3A_154 : i32 to index
        %swap3A_166 = arith.constant 0 : index
        %swap3A_167 = arith.constant 0 : index
        %swap3A_168 = vector.load %arg4[%swap3A_165, %swap3A_166, %swap3A_167] : memref<64x256x128xf32, #tpu.memory_space<vmem>>, vector<1x256x128xf32>
        %swap3A_169 = vector.shape_cast %swap3A_168 : vector<1x256x128xf32> to vector<256x128xf32>
        %swap3A_170 = vector.shape_cast %select_n3A_164 : vector<256x128xf32> to vector<1x256x128xf32>
        tpu.vector_store %arg4[%swap3A_165, %swap3A_166, %swap3A_167], %swap3A_170 {strides = array<i32>} : memref<64x256x128xf32, #tpu.memory_space<vmem>>, vector<1x256x128xf32>,
        %lt3A_171 = arith.cmpf olt, %select_n3A_164, %select_n3A_145 : vector<256x128xf32>
        %select_n3A_172 = arith.select %lt3A_171, %select_n3A_164, %select_n3A_145 : vector<256x128xi1>, vector<256x128xf32>
        %broadcast_in_dim3A_173 = vector.broadcast %add3A_154 : i32 to vector<256x128xi32>
        %select_n3A_174 = arith.select %lt3A_171, %broadcast_in_dim3A_173, %select_n3A_147 : vector<256x128xi1>, vector<256x128xi32>
        %sub3A_175 = arith.constant 128 : i32
        %sub3A_176 = vector.broadcast %sub3A_175 : i32 to vector<256x1xi32>
        %sub3A_177 = arith.subi %sub3A_150, %sub3A_176 : vector<256x1xi32>
        %mul3A_178 = arith.constant 8 : i32
        %mul3A_179 = arith.muli %scan3A_68, %mul3A_178 : i32
        %add3A_180 = arith.constant 4 : i32
        %add3A_181 = arith.addi %mul3A_179, %add3A_180 : i32
        %get3A_182 = arith.index_cast %add3A_181 : i32 to index
        %get3A_183 = arith.constant 0 : index
        %get3A_184 = arith.constant 0 : index
        %get3A_185 = vector.load %arg4[%get3A_182, %get3A_183, %get3A_184] : memref<64x256x128xf32, #tpu.memory_space<vmem>>, vector<1x256x128xf32>
        %get3A_186 = vector.shape_cast %get3A_185 : vector<1x256x128xf32> to vector<256x128xf32>
        %eq3A_187 = vector.broadcast %sub3A_177 : vector<256x1xi32> to vector<256x128xi32>
        %eq3A_188 = arith.cmpi eq, %iota3A, %eq3A_187 : vector<256x128xi32>
        %jit3A_189 = arith.constant 3.000000e+38 : f32
        %broadcast_in_dim3A_190 = vector.broadcast %jit3A_189 : f32 to vector<256x128xf32>
        %select_n3A_191 = arith.select %eq3A_188, %broadcast_in_dim3A_190, %get3A_186 : vector<256x128xi1>, vector<256x128xf32>
        %swap3A_192 = arith.index_cast %add3A_181 : i32 to index
        %swap3A_193 = arith.constant 0 : index
        %swap3A_194 = arith.constant 0 : index
        %swap3A_195 = vector.load %arg4[%swap3A_192, %swap3A_193, %swap3A_194] : memref<64x256x128xf32, #tpu.memory_space<vmem>>, vector<1x256x128xf32>
        %swap3A_196 = vector.shape_cast %swap3A_195 : vector<1x256x128xf32> to vector<256x128xf32>
        %swap3A_197 = vector.shape_cast %select_n3A_191 : vector<256x128xf32> to vector<1x256x128xf32>
        tpu.vector_store %arg4[%swap3A_192, %swap3A_193, %swap3A_194], %swap3A_197 {strides = array<i32>} : memref<64x256x128xf32, #tpu.memory_space<vmem>>, vector<1x256x128xf32>,
        %lt3A_198 = arith.cmpf olt, %select_n3A_191, %select_n3A_172 : vector<256x128xf32>
        %select_n3A_199 = arith.select %lt3A_198, %select_n3A_191, %select_n3A_172 : vector<256x128xi1>, vector<256x128xf32>
        %broadcast_in_dim3A_200 = vector.broadcast %add3A_181 : i32 to vector<256x128xi32>
        %select_n3A_201 = arith.select %lt3A_198, %broadcast_in_dim3A_200, %select_n3A_174 : vector<256x128xi1>, vector<256x128xi32>
        %sub3A_202 = arith.constant 128 : i32
        %sub3A_203 = vector.broadcast %sub3A_202 : i32 to vector<256x1xi32>
        %sub3A_204 = arith.subi %sub3A_177, %sub3A_203 : vector<256x1xi32>
        %mul3A_205 = arith.constant 8 : i32
        %mul3A_206 = arith.muli %scan3A_68, %mul3A_205 : i32
        %add3A_207 = arith.constant 5 : i32
        %add3A_208 = arith.addi %mul3A_206, %add3A_207 : i32
        %get3A_209 = arith.index_cast %add3A_208 : i32 to index
        %get3A_210 = arith.constant 0 : index
        %get3A_211 = arith.constant 0 : index
        %get3A_212 = vector.load %arg4[%get3A_209, %get3A_210, %get3A_211] : memref<64x256x128xf32, #tpu.memory_space<vmem>>, vector<1x256x128xf32>
        %get3A_213 = vector.shape_cast %get3A_212 : vector<1x256x128xf32> to vector<256x128xf32>
        %eq3A_214 = vector.broadcast %sub3A_204 : vector<256x1xi32> to vector<256x128xi32>
        %eq3A_215 = arith.cmpi eq, %iota3A, %eq3A_214 : vector<256x128xi32>
        %jit3A_216 = arith.constant 3.000000e+38 : f32
        %broadcast_in_dim3A_217 = vector.broadcast %jit3A_216 : f32 to vector<256x128xf32>
        %select_n3A_218 = arith.select %eq3A_215, %broadcast_in_dim3A_217, %get3A_213 : vector<256x128xi1>, vector<256x128xf32>
        %swap3A_219 = arith.index_cast %add3A_208 : i32 to index
        %swap3A_220 = arith.constant 0 : index
        %swap3A_221 = arith.constant 0 : index
        %swap3A_222 = vector.load %arg4[%swap3A_219, %swap3A_220, %swap3A_221] : memref<64x256x128xf32, #tpu.memory_space<vmem>>, vector<1x256x128xf32>
        %swap3A_223 = vector.shape_cast %swap3A_222 : vector<1x256x128xf32> to vector<256x128xf32>
        %swap3A_224 = vector.shape_cast %select_n3A_218 : vector<256x128xf32> to vector<1x256x128xf32>
        tpu.vector_store %arg4[%swap3A_219, %swap3A_220, %swap3A_221], %swap3A_224 {strides = array<i32>} : memref<64x256x128xf32, #tpu.memory_space<vmem>>, vector<1x256x128xf32>,
        %lt3A_225 = arith.cmpf olt, %select_n3A_218, %select_n3A_199 : vector<256x128xf32>
        %select_n3A_226 = arith.select %lt3A_225, %select_n3A_218, %select_n3A_199 : vector<256x128xi1>, vector<256x128xf32>
        %broadcast_in_dim3A_227 = vector.broadcast %add3A_208 : i32 to vector<256x128xi32>
        %select_n3A_228 = arith.select %lt3A_225, %broadcast_in_dim3A_227, %select_n3A_201 : vector<256x128xi1>, vector<256x128xi32>
        %sub3A_229 = arith.constant 128 : i32
        %sub3A_230 = vector.broadcast %sub3A_229 : i32 to vector<256x1xi32>
        %sub3A_231 = arith.subi %sub3A_204, %sub3A_230 : vector<256x1xi32>
        %mul3A_232 = arith.constant 8 : i32
        %mul3A_233 = arith.muli %scan3A_68, %mul3A_232 : i32
        %add3A_234 = arith.constant 6 : i32
        %add3A_235 = arith.addi %mul3A_233, %add3A_234 : i32
        %get3A_236 = arith.index_cast %add3A_235 : i32 to index
        %get3A_237 = arith.constant 0 : index
        %get3A_238 = arith.constant 0 : index
        %get3A_239 = vector.load %arg4[%get3A_236, %get3A_237, %get3A_238] : memref<64x256x128xf32, #tpu.memory_space<vmem>>, vector<1x256x128xf32>
        %get3A_240 = vector.shape_cast %get3A_239 : vector<1x256x128xf32> to vector<256x128xf32>
        %eq3A_241 = vector.broadcast %sub3A_231 : vector<256x1xi32> to vector<256x128xi32>
        %eq3A_242 = arith.cmpi eq, %iota3A, %eq3A_241 : vector<256x128xi32>
        %jit3A_243 = arith.constant 3.000000e+38 : f32
        %broadcast_in_dim3A_244 = vector.broadcast %jit3A_243 : f32 to vector<256x128xf32>
        %select_n3A_245 = arith.select %eq3A_242, %broadcast_in_dim3A_244, %get3A_240 : vector<256x128xi1>, vector<256x128xf32>
        %swap3A_246 = arith.index_cast %add3A_235 : i32 to index
        %swap3A_247 = arith.constant 0 : index
        %swap3A_248 = arith.constant 0 : index
        %swap3A_249 = vector.load %arg4[%swap3A_246, %swap3A_247, %swap3A_248] : memref<64x256x128xf32, #tpu.memory_space<vmem>>, vector<1x256x128xf32>
        %swap3A_250 = vector.shape_cast %swap3A_249 : vector<1x256x128xf32> to vector<256x128xf32>
        %swap3A_251 = vector.shape_cast %select_n3A_245 : vector<256x128xf32> to vector<1x256x128xf32>
        tpu.vector_store %arg4[%swap3A_246, %swap3A_247, %swap3A_248], %swap3A_251 {strides = array<i32>} : memref<64x256x128xf32, #tpu.memory_space<vmem>>, vector<1x256x128xf32>,
        %lt3A_252 = arith.cmpf olt, %select_n3A_245, %select_n3A_226 : vector<256x128xf32>
        %select_n3A_253 = arith.select %lt3A_252, %select_n3A_245, %select_n3A_226 : vector<256x128xi1>, vector<256x128xf32>
        %broadcast_in_dim3A_254 = vector.broadcast %add3A_235 : i32 to vector<256x128xi32>
        %select_n3A_255 = arith.select %lt3A_252, %broadcast_in_dim3A_254, %select_n3A_228 : vector<256x128xi1>, vector<256x128xi32>
        %sub3A_256 = arith.constant 128 : i32
        %sub3A_257 = vector.broadcast %sub3A_256 : i32 to vector<256x1xi32>
        %sub3A_258 = arith.subi %sub3A_231, %sub3A_257 : vector<256x1xi32>
        %mul3A_259 = arith.constant 8 : i32
        %mul3A_260 = arith.muli %scan3A_68, %mul3A_259 : i32
        %add3A_261 = arith.constant 7 : i32
        %add3A_262 = arith.addi %mul3A_260, %add3A_261 : i32
        %get3A_263 = arith.index_cast %add3A_262 : i32 to index
        %get3A_264 = arith.constant 0 : index
        %get3A_265 = arith.constant 0 : index
        %get3A_266 = vector.load %arg4[%get3A_263, %get3A_264, %get3A_265] : memref<64x256x128xf32, #tpu.memory_space<vmem>>, vector<1x256x128xf32>
        %get3A_267 = vector.shape_cast %get3A_266 : vector<1x256x128xf32> to vector<256x128xf32>
        %eq3A_268 = vector.broadcast %sub3A_258 : vector<256x1xi32> to vector<256x128xi32>
        %eq3A_269 = arith.cmpi eq, %iota3A, %eq3A_268 : vector<256x128xi32>
        %jit3A_270 = arith.constant 3.000000e+38 : f32
        %broadcast_in_dim3A_271 = vector.broadcast %jit3A_270 : f32 to vector<256x128xf32>
        %select_n3A_272 = arith.select %eq3A_269, %broadcast_in_dim3A_271, %get3A_267 : vector<256x128xi1>, vector<256x128xf32>
        %swap3A_273 = arith.index_cast %add3A_262 : i32 to index
        %swap3A_274 = arith.constant 0 : index
        %swap3A_275 = arith.constant 0 : index
        %swap3A_276 = vector.load %arg4[%swap3A_273, %swap3A_274, %swap3A_275] : memref<64x256x128xf32, #tpu.memory_space<vmem>>, vector<1x256x128xf32>
        %swap3A_277 = vector.shape_cast %swap3A_276 : vector<1x256x128xf32> to vector<256x128xf32>
        %swap3A_278 = vector.shape_cast %select_n3A_272 : vector<256x128xf32> to vector<1x256x128xf32>
        tpu.vector_store %arg4[%swap3A_273, %swap3A_274, %swap3A_275], %swap3A_278 {strides = array<i32>} : memref<64x256x128xf32, #tpu.memory_space<vmem>>, vector<1x256x128xf32>,
        %lt3A_279 = arith.cmpf olt, %select_n3A_272, %select_n3A_253 : vector<256x128xf32>
        %select_n3A_280 = arith.select %lt3A_279, %select_n3A_272, %select_n3A_253 : vector<256x128xi1>, vector<256x128xf32>
        %broadcast_in_dim3A_281 = vector.broadcast %add3A_262 : i32 to vector<256x128xi32>
        %select_n3A_282 = arith.select %lt3A_279, %broadcast_in_dim3A_281, %select_n3A_255 : vector<256x128xi1>, vector<256x128xi32>
        %sub3A_283 = arith.constant 128 : i32
        %sub3A_284 = vector.broadcast %sub3A_283 : i32 to vector<256x1xi32>
        %sub3A_285 = arith.subi %sub3A_258, %sub3A_284 : vector<256x1xi32>
        scf.yield %select_n3A_280, %select_n3A_282, %sub3A_285 : vector<256x128xf32>, vector<256x128xi32>, vector<256x1xi32>
      }
      %scan3A_48 = arith.constant 8 : i32
      %reduce_min3A_49 = arith.constant dense<0x7F800000> : vector<256xf32>
      %reduce_min3A_50 = vector.multi_reduction <minimumf>, %scan3A_47#0, %reduce_min3A_49 [1] : vector<256x128xf32> to vector<256xf32>
      %broadcast_in_dim3A_51 = vector.shape_cast %reduce_min3A_50 : vector<256xf32> to vector<256x1xf32>
      %mul3A_52 = arith.constant 128 : i32
      %mul3A_53 = vector.broadcast %mul3A_52 : i32 to vector<256x128xi32>
      %mul3A_54 = arith.muli %scan3A_47#1, %mul3A_53 : vector<256x128xi32>
      %add3A_55 = arith.addi %mul3A_54, %iota3A : vector<256x128xi32>
      %le3A_56 = vector.broadcast %broadcast_in_dim3A_51 : vector<256x1xf32> to vector<256x128xf32>
      %le3A_57 = arith.cmpf ole, %scan3A_47#0, %le3A_56 : vector<256x128xf32>
      %broadcast_in_dim3A_58 = vector.broadcast %scan3A_30 : i32 to vector<256x128xi32>
      %select_n3A_59 = arith.select %le3A_57, %add3A_55, %broadcast_in_dim3A_58 : vector<256x128xi1>, vector<256x128xi32>
      %reduce_min3A_60 = arith.constant dense<2147483647> : vector<256xi32>
      %reduce_min3A_61 = vector.multi_reduction <minsi>, %select_n3A_59, %reduce_min3A_60 [1] : vector<256x128xi32> to vector<256xi32>
      %eq3A_62 = vector.broadcast %scan3A_39 : i32 to vector<256x16xi32>
      %eq3A_63 = arith.cmpi eq, %iota3A_3, %eq3A_62 : vector<256x16xi32>
      %broadcast_in_dim3A_64 = vector.shape_cast %reduce_min3A_61 : vector<256xi32> to vector<256x1xi32>
      %broadcast_in_dim3A_65 = vector.shape_cast %broadcast_in_dim3A_64 : vector<256x1xi32> to vector<256x1xi32>
      %broadcast_in_dim3A_66 = vector.broadcast %broadcast_in_dim3A_65 : vector<256x1xi32> to vector<256x16xi32>
      %select_n3A_67 = arith.select %eq3A_63, %broadcast_in_dim3A_66, %scan3A_41 : vector<256x16xi1>, vector<256x16xi32>
      scf.yield %reduce_min3A_61, %select_n3A_67 : vector<256xi32>, vector<256x16xi32>
    }
    %scan3A_36 = arith.constant 15 : i32
    %swap3A = arith.constant 0 : index
    %swap3A_37 = arith.constant 0 : index
    %swap3A_38 = vector.load %arg3[%swap3A, %swap3A_37] : memref<256x16xi32, #tpu.memory_space<vmem>>, vector<256x16xi32>
    tpu.vector_store %arg3[%swap3A, %swap3A_37], %scan3A_35#1 {strides = array<i32>} : memref<256x16xi32, #tpu.memory_space<vmem>>, vector<256x16xi32>,
    return
  }
  func.func @transform_0(%arg0: i32) -> (i32, i32) {
    %c0_i32 = arith.constant 0 : i32
    %c0_i32_0 = arith.constant 0 : i32
    return %arg0, %c0_i32 : i32, i32
  }
  func.func @transform_1(%arg0: i32) -> (i32, i32, i32) {
    %c0_i32 = arith.constant 0 : i32
    %c0_i32_0 = arith.constant 0 : i32
    %c0_i32_1 = arith.constant 0 : i32
    %c0_i32_2 = arith.constant 0 : i32
    return %c0_i32, %c0_i32_0, %c0_i32_1 : i32, i32, i32
  }
  func.func @transform_2(%arg0: i32) -> (i32, i32) {
    %c0_i32 = arith.constant 0 : i32
    %c0_i32_0 = arith.constant 0 : i32
    return %arg0, %c0_i32 : i32, i32
  }
}

module attributes {stable_mosaic.version = 14 : i64} {
  func.func @_pre_body(%arg0: memref<8192x8xf32, #tpu.memory_space<vmem>>, %arg1: memref<8192x8xf32, #tpu.memory_space<vmem>>, %arg2: memref<8x128xf32, #tpu.memory_space<vmem>>, %arg3: memref<8x128xf32, #tpu.memory_space<vmem>>, %arg4: memref<1x128xf32, #tpu.memory_space<vmem>>, %arg5: memref<8192x128xf32, #tpu.memory_space<vmem>>, %arg6: memref<8192x128xf32, #tpu.memory_space<vmem>>) attributes {dimension_semantics = [], scalar_prefetch = 0 : i64, scratch_operands = 0 : i64, tpu.core_type = #tpu.core_type<tc>} {
    %get3A = arith.constant 0 : index
    %get3A_0 = arith.constant 0 : index
    %get3A_1 = vector.load %arg1[%get3A, %get3A_0] : memref<8192x8xf32, #tpu.memory_space<vmem>>, vector<8192x8xf32>
    %get3A_2 = arith.constant 0 : index
    %get3A_3 = arith.constant 0 : index
    %get3A_4 = vector.load %arg3[%get3A_2, %get3A_3] : memref<8x128xf32, #tpu.memory_space<vmem>>, vector<8x128xf32>
    %dot_general3A = arith.constant dense<0.000000e+00> : vector<8192x128xf32>
    %dot_general3A_5 = tpu.matmul %get3A_1, %get3A_4, %dot_general3A {dimension_numbers = #tpu.dot_dimension_numbers<[1], [0], [0], [1], [0, 0, 1, 1], [], []>, transpose_lhs_hint = false} : vector<8192x8xf32>, vector<8x128xf32>, vector<8192x128xf32> -> vector<8192x128xf32>
    %get3A_6 = arith.constant 0 : index
    %get3A_7 = arith.constant 0 : index
    %get3A_8 = vector.load %arg0[%get3A_6, %get3A_7] : memref<8192x8xf32, #tpu.memory_space<vmem>>, vector<8192x8xf32>
    %get3A_9 = arith.constant 0 : index
    %get3A_10 = arith.constant 0 : index
    %get3A_11 = vector.load %arg2[%get3A_9, %get3A_10] : memref<8x128xf32, #tpu.memory_space<vmem>>, vector<8x128xf32>
    %dot_general3A_12 = arith.constant dense<0.000000e+00> : vector<8192x128xf32>
    %dot_general3A_13 = tpu.matmul %get3A_8, %get3A_11, %dot_general3A_12 {dimension_numbers = #tpu.dot_dimension_numbers<[1], [0], [0], [1], [0, 0, 1, 1], [], []>, transpose_lhs_hint = false} : vector<8192x8xf32>, vector<8x128xf32>, vector<8192x128xf32> -> vector<8192x128xf32>
    %add3A = arith.addf %dot_general3A_13, %dot_general3A_5 : vector<8192x128xf32>
    %swap3A = arith.constant 0 : index
    %swap3A_14 = arith.constant 0 : index
    %swap3A_15 = vector.load %arg5[%swap3A, %swap3A_14] : memref<8192x128xf32, #tpu.memory_space<vmem>>, vector<8192x128xf32>
    tpu.vector_store %arg5[%swap3A, %swap3A_14], %add3A {strides = array<i32>} : memref<8192x128xf32, #tpu.memory_space<vmem>>, vector<8192x128xf32>,
    %get3A_16 = arith.constant 0 : index
    %get3A_17 = arith.constant 0 : index
    %get3A_18 = vector.load %arg4[%get3A_16, %get3A_17] : memref<1x128xf32, #tpu.memory_space<vmem>>, vector<1x128xf32>
    %sub3A = vector.broadcast %get3A_18 : vector<1x128xf32> to vector<8192x128xf32>
    %sub3A_19 = arith.subf %sub3A, %dot_general3A_5 : vector<8192x128xf32>
    %swap3A_20 = arith.constant 0 : index
    %swap3A_21 = arith.constant 0 : index
    %swap3A_22 = vector.load %arg6[%swap3A_20, %swap3A_21] : memref<8192x128xf32, #tpu.memory_space<vmem>>, vector<8192x128xf32>
    tpu.vector_store %arg6[%swap3A_20, %swap3A_21], %sub3A_19 {strides = array<i32>} : memref<8192x128xf32, #tpu.memory_space<vmem>>, vector<8192x128xf32>,
    return
  }
}

module attributes {stable_mosaic.version = 14 : i64} {
  func.func @_post_body(%arg0: i32, %arg1: memref<8192x128xf32, #tpu.memory_space<vmem>>, %arg2: memref<512x128xf32, #tpu.memory_space<vmem>>, %arg3: memref<128x64xf32, #tpu.memory_space<vmem>>, %arg4: memref<1x64xf32, #tpu.memory_space<vmem>>, %arg5: memref<512x64xf32, #tpu.memory_space<vmem>>) attributes {dimension_semantics = [#tpu.dimension_semantics<arbitrary>], iteration_bounds = array<i64: 16>, scalar_prefetch = 0 : i64, scratch_operands = 0 : i64, tpu.core_type = #tpu.core_type<tc>, window_params = [{transform_indices = @transform_0, window_bounds = array<i64: 8192, 128>}, {transform_indices = @transform_1, window_bounds = array<i64: 512, 128>}, {pipeline_mode = #tpu.pipeline_mode<synchronous>, transform_indices = @transform_2, window_bounds = array<i64: 128, 64>}, {pipeline_mode = #tpu.pipeline_mode<synchronous>, transform_indices = @transform_3, window_bounds = array<i64: 1, 64>}, {transform_indices = @transform_4, window_bounds = array<i64: 512, 64>}]} {
    %get3A = arith.constant 0 : index
    %get3A_0 = arith.constant 0 : index
    %get3A_1 = vector.load %arg1[%get3A, %get3A_0] : memref<8192x128xf32, #tpu.memory_space<vmem>>, vector<8192x128xf32>
    %get3A_2 = arith.constant 0 : index
    %get3A_3 = arith.constant 0 : index
    %get3A_4 = vector.load %arg2[%get3A_2, %get3A_3] : memref<512x128xf32, #tpu.memory_space<vmem>>, vector<512x128xf32>
    %reshape3A = vector.shape_cast %get3A_1 : vector<8192x128xf32> to vector<512x16x128xf32>
    %broadcast_in_dim3A = vector.shape_cast %get3A_4 : vector<512x128xf32> to vector<512x1x128xf32>
    %add3A = vector.broadcast %broadcast_in_dim3A : vector<512x1x128xf32> to vector<512x16x128xf32>
    %add3A_5 = arith.addf %reshape3A, %add3A : vector<512x16x128xf32>
    %max3A = arith.constant 0.000000e+00 : f32
    %max3A_6 = vector.broadcast %max3A : f32 to vector<512x16x128xf32>
    %max3A_7 = arith.maximumf %add3A_5, %max3A_6 : vector<512x16x128xf32>
    %reshape3A_8 = vector.shape_cast %max3A_7 : vector<512x16x128xf32> to vector<8192x128xf32>
    %get3A_9 = arith.constant 0 : index
    %get3A_10 = arith.constant 0 : index
    %get3A_11 = vector.load %arg3[%get3A_9, %get3A_10] : memref<128x64xf32, #tpu.memory_space<vmem>>, vector<128x64xf32>
    %dot_general3A = arith.constant dense<0.000000e+00> : vector<8192x64xf32>
    %dot_general3A_12 = tpu.matmul %reshape3A_8, %get3A_11, %dot_general3A {dimension_numbers = #tpu.dot_dimension_numbers<[1], [0], [0], [1], [0, 0, 1, 1], [], []>, transpose_lhs_hint = false} : vector<8192x128xf32>, vector<128x64xf32>, vector<8192x64xf32> -> vector<8192x64xf32>
    %get3A_13 = arith.constant 0 : index
    %get3A_14 = arith.constant 0 : index
    %get3A_15 = vector.load %arg4[%get3A_13, %get3A_14] : memref<1x64xf32, #tpu.memory_space<vmem>>, vector<1x64xf32>
    %add3A_16 = vector.broadcast %get3A_15 : vector<1x64xf32> to vector<8192x64xf32>
    %add3A_17 = arith.addf %dot_general3A_12, %add3A_16 : vector<8192x64xf32>
    %reshape3A_18 = vector.shape_cast %add3A_17 : vector<8192x64xf32> to vector<512x16x64xf32>
    %reduce_max3A = arith.constant dense<0xFF800000> : vector<512x64xf32>
    %reduce_max3A_19 = vector.multi_reduction <maximumf>, %reshape3A_18, %reduce_max3A [1] : vector<512x16x64xf32> to vector<512x64xf32>
    %max3A_20 = arith.constant 0.000000e+00 : f32
    %max3A_21 = vector.broadcast %max3A_20 : f32 to vector<512x64xf32>
    %max3A_22 = arith.maximumf %reduce_max3A_19, %max3A_21 : vector<512x64xf32>
    %swap3A = arith.constant 0 : index
    %swap3A_23 = arith.constant 0 : index
    %swap3A_24 = vector.load %arg5[%swap3A, %swap3A_23] : memref<512x64xf32, #tpu.memory_space<vmem>>, vector<512x64xf32>
    tpu.vector_store %arg5[%swap3A, %swap3A_23], %max3A_22 {strides = array<i32>} : memref<512x64xf32, #tpu.memory_space<vmem>>, vector<512x64xf32>,
    return
  }
  func.func @transform_0(%arg0: i32) -> (i32, i32) {
    %c0_i32 = arith.constant 0 : i32
    %c0_i32_0 = arith.constant 0 : i32
    return %arg0, %c0_i32 : i32, i32
  }
  func.func @transform_1(%arg0: i32) -> (i32, i32) {
    %c0_i32 = arith.constant 0 : i32
    %c0_i32_0 = arith.constant 0 : i32
    return %arg0, %c0_i32 : i32, i32
  }
  func.func @transform_2(%arg0: i32) -> (i32, i32) {
    %c0_i32 = arith.constant 0 : i32
    %c0_i32_0 = arith.constant 0 : i32
    %c0_i32_1 = arith.constant 0 : i32
    return %c0_i32, %c0_i32_0 : i32, i32
  }
  func.func @transform_3(%arg0: i32) -> (i32, i32) {
    %c0_i32 = arith.constant 0 : i32
    %c0_i32_0 = arith.constant 0 : i32
    %c0_i32_1 = arith.constant 0 : i32
    return %c0_i32, %c0_i32_0 : i32, i32
  }
  func.func @transform_4(%arg0: i32) -> (i32, i32) {
    %c0_i32 = arith.constant 0 : i32
    %c0_i32_0 = arith.constant 0 : i32
    return %arg0, %c0_i32 : i32, i32
  }
}

module attributes {stable_mosaic.version = 14 : i64} {
  func.func @_pre_body(%arg0: memref<8192x64xf32, #tpu.memory_space<vmem>>, %arg1: memref<8192x8xf32, #tpu.memory_space<vmem>>, %arg2: memref<64x128xf32, #tpu.memory_space<vmem>>, %arg3: memref<8x128xf32, #tpu.memory_space<vmem>>, %arg4: memref<1x128xf32, #tpu.memory_space<vmem>>, %arg5: memref<8192x128xf32, #tpu.memory_space<vmem>>, %arg6: memref<8192x128xf32, #tpu.memory_space<vmem>>) attributes {dimension_semantics = [], scalar_prefetch = 0 : i64, scratch_operands = 0 : i64, tpu.core_type = #tpu.core_type<tc>} {
    %get3A = arith.constant 0 : index
    %get3A_0 = arith.constant 0 : index
    %get3A_1 = vector.load %arg1[%get3A, %get3A_0] : memref<8192x8xf32, #tpu.memory_space<vmem>>, vector<8192x8xf32>
    %get3A_2 = arith.constant 0 : index
    %get3A_3 = arith.constant 0 : index
    %get3A_4 = vector.load %arg3[%get3A_2, %get3A_3] : memref<8x128xf32, #tpu.memory_space<vmem>>, vector<8x128xf32>
    %dot_general3A = arith.constant dense<0.000000e+00> : vector<8192x128xf32>
    %dot_general3A_5 = tpu.matmul %get3A_1, %get3A_4, %dot_general3A {dimension_numbers = #tpu.dot_dimension_numbers<[1], [0], [0], [1], [0, 0, 1, 1], [], []>, transpose_lhs_hint = false} : vector<8192x8xf32>, vector<8x128xf32>, vector<8192x128xf32> -> vector<8192x128xf32>
    %get3A_6 = arith.constant 0 : index
    %get3A_7 = arith.constant 0 : index
    %get3A_8 = vector.load %arg0[%get3A_6, %get3A_7] : memref<8192x64xf32, #tpu.memory_space<vmem>>, vector<8192x64xf32>
    %get3A_9 = arith.constant 0 : index
    %get3A_10 = arith.constant 0 : index
    %get3A_11 = vector.load %arg2[%get3A_9, %get3A_10] : memref<64x128xf32, #tpu.memory_space<vmem>>, vector<64x128xf32>
    %dot_general3A_12 = arith.constant dense<0.000000e+00> : vector<8192x128xf32>
    %dot_general3A_13 = tpu.matmul %get3A_8, %get3A_11, %dot_general3A_12 {dimension_numbers = #tpu.dot_dimension_numbers<[1], [0], [0], [1], [0, 0, 1, 1], [], []>, transpose_lhs_hint = false} : vector<8192x64xf32>, vector<64x128xf32>, vector<8192x128xf32> -> vector<8192x128xf32>
    %add3A = arith.addf %dot_general3A_13, %dot_general3A_5 : vector<8192x128xf32>
    %swap3A = arith.constant 0 : index
    %swap3A_14 = arith.constant 0 : index
    %swap3A_15 = vector.load %arg5[%swap3A, %swap3A_14] : memref<8192x128xf32, #tpu.memory_space<vmem>>, vector<8192x128xf32>
    tpu.vector_store %arg5[%swap3A, %swap3A_14], %add3A {strides = array<i32>} : memref<8192x128xf32, #tpu.memory_space<vmem>>, vector<8192x128xf32>,
    %get3A_16 = arith.constant 0 : index
    %get3A_17 = arith.constant 0 : index
    %get3A_18 = vector.load %arg4[%get3A_16, %get3A_17] : memref<1x128xf32, #tpu.memory_space<vmem>>, vector<1x128xf32>
    %sub3A = vector.broadcast %get3A_18 : vector<1x128xf32> to vector<8192x128xf32>
    %sub3A_19 = arith.subf %sub3A, %dot_general3A_5 : vector<8192x128xf32>
    %swap3A_20 = arith.constant 0 : index
    %swap3A_21 = arith.constant 0 : index
    %swap3A_22 = vector.load %arg6[%swap3A_20, %swap3A_21] : memref<8192x128xf32, #tpu.memory_space<vmem>>, vector<8192x128xf32>
    tpu.vector_store %arg6[%swap3A_20, %swap3A_21], %sub3A_19 {strides = array<i32>} : memref<8192x128xf32, #tpu.memory_space<vmem>>, vector<8192x128xf32>,
    return
  }
}

module attributes {stable_mosaic.version = 14 : i64} {
  func.func @_post_body(%arg0: i32, %arg1: memref<8192x128xf32, #tpu.memory_space<vmem>>, %arg2: memref<512x128xf32, #tpu.memory_space<vmem>>, %arg3: memref<128x128xf32, #tpu.memory_space<vmem>>, %arg4: memref<1x128xf32, #tpu.memory_space<vmem>>, %arg5: memref<512x128xf32, #tpu.memory_space<vmem>>) attributes {dimension_semantics = [#tpu.dimension_semantics<arbitrary>], iteration_bounds = array<i64: 16>, scalar_prefetch = 0 : i64, scratch_operands = 0 : i64, tpu.core_type = #tpu.core_type<tc>, window_params = [{transform_indices = @transform_0, window_bounds = array<i64: 8192, 128>}, {transform_indices = @transform_1, window_bounds = array<i64: 512, 128>}, {pipeline_mode = #tpu.pipeline_mode<synchronous>, transform_indices = @transform_2, window_bounds = array<i64: 128, 128>}, {pipeline_mode = #tpu.pipeline_mode<synchronous>, transform_indices = @transform_3, window_bounds = array<i64: 1, 128>}, {transform_indices = @transform_4, window_bounds = array<i64: 512, 128>}]} {
    %get3A = arith.constant 0 : index
    %get3A_0 = arith.constant 0 : index
    %get3A_1 = vector.load %arg1[%get3A, %get3A_0] : memref<8192x128xf32, #tpu.memory_space<vmem>>, vector<8192x128xf32>
    %get3A_2 = arith.constant 0 : index
    %get3A_3 = arith.constant 0 : index
    %get3A_4 = vector.load %arg2[%get3A_2, %get3A_3] : memref<512x128xf32, #tpu.memory_space<vmem>>, vector<512x128xf32>
    %reshape3A = vector.shape_cast %get3A_1 : vector<8192x128xf32> to vector<512x16x128xf32>
    %broadcast_in_dim3A = vector.shape_cast %get3A_4 : vector<512x128xf32> to vector<512x1x128xf32>
    %add3A = vector.broadcast %broadcast_in_dim3A : vector<512x1x128xf32> to vector<512x16x128xf32>
    %add3A_5 = arith.addf %reshape3A, %add3A : vector<512x16x128xf32>
    %max3A = arith.constant 0.000000e+00 : f32
    %max3A_6 = vector.broadcast %max3A : f32 to vector<512x16x128xf32>
    %max3A_7 = arith.maximumf %add3A_5, %max3A_6 : vector<512x16x128xf32>
    %reshape3A_8 = vector.shape_cast %max3A_7 : vector<512x16x128xf32> to vector<8192x128xf32>
    %get3A_9 = arith.constant 0 : index
    %get3A_10 = arith.constant 0 : index
    %get3A_11 = vector.load %arg3[%get3A_9, %get3A_10] : memref<128x128xf32, #tpu.memory_space<vmem>>, vector<128x128xf32>
    %dot_general3A = arith.constant dense<0.000000e+00> : vector<8192x128xf32>
    %dot_general3A_12 = tpu.matmul %reshape3A_8, %get3A_11, %dot_general3A {dimension_numbers = #tpu.dot_dimension_numbers<[1], [0], [0], [1], [0, 0, 1, 1], [], []>, transpose_lhs_hint = false} : vector<8192x128xf32>, vector<128x128xf32>, vector<8192x128xf32> -> vector<8192x128xf32>
    %get3A_13 = arith.constant 0 : index
    %get3A_14 = arith.constant 0 : index
    %get3A_15 = vector.load %arg4[%get3A_13, %get3A_14] : memref<1x128xf32, #tpu.memory_space<vmem>>, vector<1x128xf32>
    %add3A_16 = vector.broadcast %get3A_15 : vector<1x128xf32> to vector<8192x128xf32>
    %add3A_17 = arith.addf %dot_general3A_12, %add3A_16 : vector<8192x128xf32>
    %reshape3A_18 = vector.shape_cast %add3A_17 : vector<8192x128xf32> to vector<512x16x128xf32>
    %reduce_max3A = arith.constant dense<0xFF800000> : vector<512x128xf32>
    %reduce_max3A_19 = vector.multi_reduction <maximumf>, %reshape3A_18, %reduce_max3A [1] : vector<512x16x128xf32> to vector<512x128xf32>
    %max3A_20 = arith.constant 0.000000e+00 : f32
    %max3A_21 = vector.broadcast %max3A_20 : f32 to vector<512x128xf32>
    %max3A_22 = arith.maximumf %reduce_max3A_19, %max3A_21 : vector<512x128xf32>
    %swap3A = arith.constant 0 : index
    %swap3A_23 = arith.constant 0 : index
    %swap3A_24 = vector.load %arg5[%swap3A, %swap3A_23] : memref<512x128xf32, #tpu.memory_space<vmem>>, vector<512x128xf32>
    tpu.vector_store %arg5[%swap3A, %swap3A_23], %max3A_22 {strides = array<i32>} : memref<512x128xf32, #tpu.memory_space<vmem>>, vector<512x128xf32>,
    return
  }
  func.func @transform_0(%arg0: i32) -> (i32, i32) {
    %c0_i32 = arith.constant 0 : i32
    %c0_i32_0 = arith.constant 0 : i32
    return %arg0, %c0_i32 : i32, i32
  }
  func.func @transform_1(%arg0: i32) -> (i32, i32) {
    %c0_i32 = arith.constant 0 : i32
    %c0_i32_0 = arith.constant 0 : i32
    return %arg0, %c0_i32 : i32, i32
  }
  func.func @transform_2(%arg0: i32) -> (i32, i32) {
    %c0_i32 = arith.constant 0 : i32
    %c0_i32_0 = arith.constant 0 : i32
    %c0_i32_1 = arith.constant 0 : i32
    return %c0_i32, %c0_i32_0 : i32, i32
  }
  func.func @transform_3(%arg0: i32) -> (i32, i32) {
    %c0_i32 = arith.constant 0 : i32
    %c0_i32_0 = arith.constant 0 : i32
    %c0_i32_1 = arith.constant 0 : i32
    return %c0_i32, %c0_i32_0 : i32, i32
  }
  func.func @transform_4(%arg0: i32) -> (i32, i32) {
    %c0_i32 = arith.constant 0 : i32
    %c0_i32_0 = arith.constant 0 : i32
    return %arg0, %c0_i32 : i32, i32
  }
}

</mosaic_0001>

<sc_bundles>
// kernel: kernel.12.cloned.1.call-start
scs
__scs_entry_jumppad:
0x0: {  	(pc) =	sbr.rel $0x88, $3  }
0x1: {  	(tag) =	ssettag $0x0;
	lr =	simm.s32 $0x1  }
0x2: {  	[smem:$0x3F93] =	sst lr;
	_ =	strace $0xD0000000  }
0x3: {  	_ = 	snop  }
0x4: {  	_ = 	snop  }
0x5: {  	_ = 	snop  }
0x6: {  	_ = 	snop  }
0x7: {  	_ = 	snop  }
__scs_overlays_trampoline_lowered:
0x8: {  	[smem:$0x3FA2] =	sst s0  }
0x9: {  	[smem:$0x3FA3] =	sst s1  }
0xa: {  	[smem:$0x3FA4] =	sst s2  }
0xb: {  	[smem:$0x3FA5] =	sst s3  }
0xc: {  	[smem:$0x3FA6] =	sst s4  }
0xd: {  	[smem:$0x3FA7] =	sst s5  }
0xe: {  	[smem:$0x3FA8] =	sst s6  }
0xf: {  	[smem:$0x3FA9] =	sst s7  }
0x10: {  	[smem:$0x3FAA] =	sst s8  }
0x11: {  	[smem:$0x3FAB] =	sst s9;
	s0 =	simm.s32 @!p0 $0x0  }
0x12: {  	s1 =	sld [smem:$0x3F91];
	s0 =	simm.s32 @p0 $0x1  }
0x13: {  	[smem:$0x3FAC] =	sst s0;
	s0 =	simm.s32 @!p1 $0x0  }
0x14: {  	s2 =	sld [smem:$0x3F90];
	s0 =	simm.s32 @p1 $0x1  }
0x15: {  	[smem:$0x3FAD] =	sst s0;
	s0 =	simm.s32 @!p2 $0x0  }
0x16: {  	s3 =	sld [smem:$0x3FDB];
	s0 =	simm.s32 @p2 $0x1  }
0x17: {  	s4 =	simm.s32 $0x1BF5;
	[smem:$0x3FAF] =	sst s0  }
0x18: {  	s0 =	sld [smem:$0x3F92];
	_ =	swait.ge [sflag:s4], $0x0  }
0x19: {  	s7 =	sld [smem:$0x3F93]  }
0x1a: {  	s8 =	sadd.s32 $0xFFFFE003, lr  }
0x1b: {  	s9 =	sadd.s32 $0xFFFFFEF7, lr;
	s5 =	simm.s32 $0xFFFFFFFF;
	p2 =	slt.u32 s8, $0xFFFFF086  }
0x1c: {  	p1 =	slt.u32 s9, $0xF7A;
	s5 =	simm.s32 @!p2 $0x0  }
0x1d: {  	s5 =	simm.s32 @p1 $0x1;
	p0 =	seq.s32 s7, s2  }
0x1e: {  	s7 =	smul.u32 @!p0 $0xF7A, s2;
	p2 =	seq.s32 @!p0 s5, $0x0  }
0x1f: {  	s9 =	smul.u32 $0xF7A, s1;
	s8 =	simm.s32 @!p0 $0x1BF5;
	p2 =	por !p2, p0  }
0x20: {  	[sflag:s8] =	ssyncset.s32 @!p0 $0xFFFFF086;
	s6 =	sadd.s32 @!p0 s3, s7;
	s7 =	simm.s32 @!p0 $0x108  }
0x21: {  	s3 =	sadd.s32 s3, s9;
	s6 =	sadd.s32 @!p0 $0x88, s6;
	s7 =	simm.s32 @p2 $0x1082  }
0x22: {  	[simem:s7], [sflag:s8] =	dma.local @!p0 [hbm:s6], $0xF7A  }
0x23: {  	s9 =	sor.u32 $0xD0000000, s2;
	s6 =	simm.s32 $0x108;
	_ =	swait.ge @!p0 [sflag:s8], $0x0  }
0x24: {  	s3 =	sadd.s32 $0x88, s3;
	s6 =	simm.s32 @!p1 $0x1082;
	[sflag:s4] =	ssyncset.s32 $0xFFFFF086  }
0x25: {  	[simem:s6], [sflag:s4] =	dma.local [hbm:s3], $0xF7A  }
0x26: {  	[smem:$0x3F93] =	sst s1;
	(tag) =	ssettag s2;
	_ =	strace s9  }
0x27: {  	s1 =	sld [smem:$0x3FA3]  }
0x28: {  	s2 =	sld [smem:$0x3FA4]  }
0x29: {  	s4 =	sld [smem:$0x3FA6]  }
0x2a: {  	p0 =	seq.s32 s5, $0x0;
	s5 =	sld [smem:$0x3FA7]  }
0x2b: {  	s6 =	sld [smem:$0x3FA8]  }
0x2c: {  	s7 =	sld [smem:$0x3FA9]  }
0x2d: {  	s3 =	simm.s32 $0x108;
	s8 =	sld [smem:$0x3FAA]  }
0x2e: {  	s3 =	simm.s32 @!p0 $0x1082;
	s9 =	sld [smem:$0x3FAB]  }
0x2f: {  	lr =	sadd.s32 s0, s3;
	s0 =	sld [smem:$0x3FA2]  }
0x30: {  	s3 =	sld [smem:$0x3FA5]  }
0x31: {  	[smem:$0x3FAE] =	sst s10  }
0x32: {  	s10 =	sld [smem:$0x3FAC];
	_ =	sdelay $0x3  }
0x33: {  	p0 =	seq.s32 s10, $0x1;
	s10 =	sld [smem:$0x3FAE];
	_ =	sdelay $0x3  }
0x34: {  	[smem:$0x3FAE] =	sst s10  }
0x35: {  	s10 =	sld [smem:$0x3FAD];
	_ =	sdelay $0x3  }
0x36: {  	p1 =	seq.s32 s10, $0x1;
	s10 =	sld [smem:$0x3FAE];
	_ =	sdelay $0x3  }
0x37: {  	[smem:$0x3FAE] =	sst s10  }
0x38: {  	s10 =	sld [smem:$0x3FAF]  }
0x39: {  	_ = 	snop;
	(pc) =	sbr.ind lr, $3  }
0x3a: {  	_ = 	snop  }
0x3b: {  	_ = 	snop  }
0x3c: {  	p2 =	seq.s32 s10, $0x1;
	s10 =	sld [smem:$0x3FAE]  }
0x3d: {  	_ =	shalt  }
0x3e: {  	_ =	shalt  }
0x3f: {  	_ =	shalt  }
0x40: {  	_ =	shalt  }
0x41: {  	_ =	shalt  }
0x42: {  	_ =	shalt  }
0x43: {  	_ =	shalt  }
0x44: {  	_ =	shalt  }
0x45: {  	_ =	shalt  }
0x46: {  	_ =	shalt  }
0x47: {  	_ =	shalt  }
0x48: {  	_ =	shalt  }
0x49: {  	_ =	shalt  }
0x4a: {  	_ =	shalt  }
0x4b: {  	_ =	shalt  }
0x4c: {  	_ =	shalt  }
0x4d: {  	_ =	shalt  }
0x4e: {  	_ =	shalt  }
0x4f: {  	_ =	shalt  }
0x50: {  	_ =	shalt  }
0x51: {  	_ =	shalt  }
0x52: {  	_ =	shalt  }
0x53: {  	_ =	shalt  }
0x54: {  	_ =	shalt  }
0x55: {  	_ =	shalt  }
0x56: {  	_ =	shalt  }
0x57: {  	_ =	shalt  }
0x58: {  	_ =	shalt  }
0x59: {  	_ =	shalt  }
0x5a: {  	_ =	shalt  }
0x5b: {  	_ =	shalt  }
0x5c: {  	_ =	shalt  }
0x5d: {  	_ =	shalt  }
0x5e: {  	_ =	shalt  }
0x5f: {  	_ =	shalt  }
0x60: {  	_ =	shalt  }
0x61: {  	_ =	shalt  }
0x62: {  	_ =	shalt  }
0x63: {  	_ =	shalt  }
0x64: {  	_ =	shalt  }
0x65: {  	_ =	shalt  }
0x66: {  	_ =	shalt  }
0x67: {  	_ =	shalt  }
0x68: {  	_ =	shalt  }
0x69: {  	_ =	shalt  }
0x6a: {  	_ =	shalt  }
0x6b: {  	_ =	shalt  }
0x6c: {  	_ =	shalt  }
0x6d: {  	_ =	shalt  }
0x6e: {  	_ =	shalt  }
0x6f: {  	_ =	shalt  }
0x70: {  	_ =	shalt  }
0x71: {  	_ =	shalt  }
0x72: {  	_ =	shalt  }
0x73: {  	_ =	shalt  }
0x74: {  	_ =	shalt  }
0x75: {  	_ =	shalt  }
0x76: {  	_ =	shalt  }
0x77: {  	_ =	shalt  }
0x78: {  	_ =	shalt  }
0x79: {  	_ =	shalt  }
0x7a: {  	_ =	shalt  }
0x7b: {  	_ =	shalt  }
0x7c: {  	_ =	shalt  }
0x7d: {  	_ =	shalt  }
0x7e: {  	_ =	shalt  }
0x7f: {  	_ =	shalt  }
0x80: {  	_ =	shalt  }
0x81: {  	_ =	shalt  }
0x82: {  	_ =	shalt  }
0x83: {  	_ =	shalt  }
0x84: {  	_ =	shalt  }
0x85: {  	_ =	shalt  }
0x86: {  	_ =	shalt  }
0x87: {  	_ =	shalt  }
.Lfunc_end0:
.L_simem_size_0:
called_computation_lowered:
.L_overlay_start_0:
0x88: {  	s2 =	sld [smem:$0x3FD9]  }
0x89: {  	s3 =	sld [smem:$0x3FFE];
	_ =	sdelay $0x1  }
0x8a: {  	s1 =	srdreg.scid  }
0x8b: {  	s0 =	sand.u32 $0x1, s1  }
0x8c: {  	s14 =	sshll.u32 s0, $0xA;
	s2 =	sadd.s32 s3, s2  }
0x8d: {  	s2 =	sadd.s32 s2, s14  }
0x8e: {  	[smem:$0x3FBA] =	sst s2  }
0x8f: {  	_ = 	snop  }
0x90: {  	s2 =	sld [smem:$0x3FD0];
	_ =	sdelay $0x2  }
0x91: {  	s15 =	simm.s32 $0xA;
	s4 =	simm.s32 $0x10  }
0x92: {  	[smem:s4], [sflag:s15] =	dma.local [hbm:s2], $0x1  }
0x93: {  	_ =	swait.eq [sflag:s15], $0x1  }
0x94: {  	[sflag:s15] =	ssyncset.done $0x0  }
0x95: {  	[sflag:s15] =	ssyncadd.s32 $0xFFFFFFFF  }
0x96: {  	s16 =	sld [smem:$0x12];
	(tm) =	ssettm $0x1  }
0x97: {  	s17 =	sld [smem:$0x3FFB];
	_ =	sdelay $0x3  }
0x98: {  	_ =	strace s17  }
0x99: {  	s3 =	sld [smem:$0x3FFC];
	_ =	sdelay $0x3  }
0x9a: {  	_ =	strace s3  }
0x9b: {  	s3 =	sld [smem:$0x3FFD];
	_ =	sdelay $0x3  }
0x9c: {  	_ =	strace s3  }
0x9d: {  	_ =	strace $0x8FFFFFFF  }
0x9e: {  	s18 =	sld [smem:$0x3FDB];
	_ =	sdelay $0x1  }
0x9f: {  	s19 =	simm.s32 $_scs_section_size  }
0xa0: {  	s5 =	simm.s32 $_size__tile_overlayer_lowered;
	s6 =	simm.s32 $_tile_overlayer_lowered  }
0xa1: {  	s22 =	simm.s32 $0x1BFF;
	s21 =	sshll.u32 s6, $0x1;
	s3 =	sadd.s32 s19, s18  }
0xa2: {  	s7 =	simm.s32 $0x0;
	s20 =	sshll.u32 s5, $0x1;
	s5 =	sadd.s32 s21, s3  }
0xa3: {  	[timem:s7], [sflag:s22] =	dma.local [hbm:s5], s20  }
0xa4: {  	_ =	swait.ge [sflag:s22], s20  }
0xa5: {  	s4 =	ssub.s32 $0x0, s20;
	[sflag:s22] =	ssyncset.done $0x0  }
0xa6: {  	[sflag:s22] =	ssyncadd.s32 s4;
	_ =	sdelay $0x1  }
0xa7: {  	s23 =	simm.s32 $0x1B8B  }
0xa8: {  	_ =	swait.ge [sflag:s23], $0x1  }
0xa9: {  	[sflag:s23] =	ssyncset.done $0x0  }
0xaa: {  	s25 =	simm.s32 $0x1B8E;
	s24 =	sld [smem:$0x3FFE];
	[sflag:s23] =	ssyncadd.s32 $0xFFFFFFFF  }
0xab: {  	s26 =	simm.s32 $execute0_lowered;
	[smem:$0x3FD2] =	sst s25  }
0xac: {  	s5 =	sshll.u32 s26, $0x1;
	_ =	strace $0x80000046;
	[dreg:$0x1] =	wrdreg $0xFFFFFFFF  }
0xad: {  	s28 =	simm.s32 $_size_execute0_lowered;
	s3 =	sadd.s32 s3, s5;
	[dreg:$0x0] =	wrdreg $0x0  }
0xae: {  	s5 =	sshll.u32 s28, $0x1;
	[dreg:$0x2] =	wrdreg s3  }
0xaf: {  	[dreg:$0x3] =	wrdreg s5  }
0xb0: {  	[dreg:$0x4] =	wrdreg $0xC0  }
0xb1: {  	_ =	task [dreg:s7], $0x5FFFF  }
0xb2: {  	[dreg:$0x1] =	wrdreg $0xFFFFFFFF  }
0xb3: {  	[dreg:$0x0] =	wrdreg $0x60  }
0xb4: {  	[dreg:$0x2] =	wrdreg s16  }
0xb5: {  	[dreg:$0x3] =	wrdreg s24  }
0xb6: {  	[dreg:$0x4] =	wrdreg $0x9  }
0xb7: {  	_ =	task.clear_ibuf [dreg:s7], $0x5FFFF;
	_ =	strace $0x90000046  }
0xb8: {  	s29 =	simm.s32 $0x9;
	_ =	strace $0x80000048  }
0xb9: {  	_ =	swait.ge [sflag:s29], $0x1  }
0xba: {  	[sflag:s29] =	ssyncadd.s32 $0xFFFFFFFF  }
0xbb: {  	_ =	strace $0x90000048  }
0xbc: {  	_ =	sfence  }
0xbd: {  	s30 =	sld [smem:$0x0];
	_ =	sdelay $0x2  }
0xbe: {  	s31 =	sshll.u32 s1, $0xD;
	s1 =	sshrl.u32 s1, $0x2  }
0xbf: {  	s3 =	sand.u32 $0x4000, s31;
	s1 =	sadd.s32 s1, s30  }
0xc0: {  	s0 =	sor.u32 s3, s0;
	s1 =	sshll.u32 s1, $0x11  }
0xc1: {  	s0 =	sor.u32 s1, s0  }
0xc2: {  	s0 =	sadd.s32 $0x8F2B, s0  }
0xc3: {  	[sflag:s0] =	ssyncadd.remote.s32 $0x1  }
0xc4: {  	_ =	sfence.sel $0xFFFF  }
0xc5: {  	[dreg:$0x0] =	wrdreg $0xFFFFFFFF;
	(pc) =	sbr.abs _section_cstart, $3  }
0xc6: {  	[dreg:$0x1] =	wrdreg $0xFFFFFFFF  }
0xc7: {  	_ =	task.clear_ibuf [dreg:s7], $0x2FFFF;
	_ =	strace $0x9FFFFFFF  }
0xc8: {  	(tm) =	ssettm $0x7FFFFFFF  }
0xc9: {  	_ =	shalt  }
tec
execute0_lowered:
.L_overlay_start_1:
0x0: {  	(tag) =	ssettag $0x1  }
0x1: {  	s1 =	rddreg [dreg:$0x0]  }
0x2: {  	s4 =	rddreg [dreg:$0x1]  }
0x3: {  	s0 =	rddreg [dreg:$0x2];
	s5 =	srdreg.scid  }
0x4: {  	s3 =	simm.s32 $0x0;
	s2 =	stileid.u32;
	s10 =	simm.s32 $0x5000  }
0x5: {  	s11 =	simm.s32 $0x9000;
	s12 =	simm.s32 $0xD000;
	s13 =	simm.s32 $0x1  }
0x6: {  	s14 =	simm.s32 $0x2;
	s15 =	simm.s32 $0x3;
	s16 =	simm.s32 $0x4  }
0x7: {  	s17 =	simm.s32 $0x0;
	s5 =	sand.u32 $0x1, s5;
	[smem:$0x7FF] =	sst s3  }
0x8: {  	s6 =	sshll.u32 s2, $0xA;
	s8 =	sshll.u32 s2, $0x11;
	s7 =	sshll.u32 s5, $0x9  }
0x9: {  	_ =	strace $0x80000047;
	s29 =	ssub.s32 $0x2, s5;
	s8 =	sadd.s32 s8, s4  }
0xa: {  	s30 =	sshll.u32 s5, $0x10;
	s6 =	sor.u32 s7, s6;
	s9 =	sshrl.u32 s29, $0x1  }
0xb: {  	s31 =	sadd.s32 s30, s8;
	s8 =	simm.s32 $0x80;
	s6 =	sadd.s32 s6, s4  }
0xc: {  	s7 =	ssub.s32 s29, s9;
	s9 =	simm.s32 $0x1000;
	s4 =	sadd.s32 $0x3600, s6  }
0xd: {  	s5 =	smax.u32 s7, $0x1;
	s6 =	sadd.s32 $0x8E00, s31;
	s7 =	simm.s32 $0x5  }
.LBB2_1:
0xe: {  	[tilespmem:s3], [sflag:$0x5] =	stream.linear.gather [hbm4b:s4+s3], $0x1000, $0x38;
	[tilespmem:$0x11000] =	vst v63  }
0xf: {  	_ =	swait.ge [sflag:s7], $0x1000  }
0x10: {  	[sflag:s7] =	ssyncset.done $0x0  }
0x11: {  	s18 =	simm.s32 $0x0;
	[sflag:s7] =	ssyncadd.s32 $0xFFFFF000  }
0x12: {  	[tilespmem:s9], [sflag:$0x1] =	stream.indirect.gather [hbm4b:s1+s8], $0x80, s18, s8, $0xb8;
	[tilespmem:$0x11000] =	vst v63  }
0x13: {  	s25 =	simm.s32 $0x80  }
0x14: {  	[tilespmem:s10], [sflag:$0x2] =	stream.indirect.gather [hbm4b:s1+s8], $0x80, s25, s8, $0xb8;
	[tilespmem:$0x11000] =	vst v63  }
0x15: {  	s26 =	simm.s32 $0x100  }
0x16: {  	[tilespmem:s11], [sflag:$0x3] =	stream.indirect.gather [hbm4b:s1+s8], $0x80, s26, s8, $0xb8;
	[tilespmem:$0x11000] =	vst v63  }
0x17: {  	s28 =	simm.s32 $0x180  }
0x18: {  	[tilespmem:s12], [sflag:$0x4] =	stream.indirect.gather [hbm4b:s1+s8], $0x80, s28, s8, $0xb8;
	[tilespmem:$0x11000] =	vst v63  }
0x19: {  	_ =	swait.ge [sflag:s13], $0x4000  }
0x1a: {  	[sflag:s13] =	ssyncset.done $0x0  }
0x1b: {  	s29 =	sadd.s32 $0xFFFFE800, s6;
	[sflag:s13] =	ssyncadd.s32 $0xFFFFC000  }
0x1c: {  	[hbm4b:s29+s3] =	stream.linear.scatter [tilespmem:s9], [sflag:$0x5], $0x4000, $0x38;
	[tilespmem:$0x11000] =	vst v63  }
0x1d: {  	_ =	swait.ge [sflag:s7], $0x4000  }
0x1e: {  	[sflag:s7] =	ssyncset.done $0x0  }
0x1f: {  	[sflag:s7] =	ssyncadd.s32 $0xFFFFC000  }
0x20: {  	_ =	swait.ge [sflag:s14], $0x4000  }
0x21: {  	[sflag:s14] =	ssyncset.done $0x0  }
0x22: {  	s30 =	sadd.s32 $0xFFFFF000, s6;
	[sflag:s14] =	ssyncadd.s32 $0xFFFFC000  }
0x23: {  	[hbm4b:s30+s3] =	stream.linear.scatter [tilespmem:s10], [sflag:$0x5], $0x4000, $0x38;
	[tilespmem:$0x11000] =	vst v63  }
0x24: {  	_ =	swait.ge [sflag:s7], $0x4000  }
0x25: {  	[sflag:s7] =	ssyncset.done $0x0  }
0x26: {  	[sflag:s7] =	ssyncadd.s32 $0xFFFFC000  }
0x27: {  	_ =	swait.ge [sflag:s15], $0x4000  }
0x28: {  	[sflag:s15] =	ssyncset.done $0x0  }
0x29: {  	s31 =	sadd.s32 $0xFFFFF800, s6;
	[sflag:s15] =	ssyncadd.s32 $0xFFFFC000  }
0x2a: {  	[hbm4b:s31+s3] =	stream.linear.scatter [tilespmem:s11], [sflag:$0x5], $0x4000, $0x38;
	[tilespmem:$0x11000] =	vst v63  }
0x2b: {  	_ =	swait.ge [sflag:s7], $0x4000  }
0x2c: {  	[sflag:s7] =	ssyncset.done $0x0  }
0x2d: {  	[sflag:s7] =	ssyncadd.s32 $0xFFFFC000  }
0x2e: {  	_ =	swait.ge [sflag:s16], $0x4000  }
0x2f: {  	[sflag:s16] =	ssyncset.done $0x0  }
0x30: {  	[sflag:s16] =	ssyncadd.s32 $0xFFFFC000  }
0x31: {  	[hbm4b:s6+s3] =	stream.linear.scatter [tilespmem:s12], [sflag:$0x5], $0x4000, $0x38;
	[tilespmem:$0x11000] =	vst v63  }
0x32: {  	s19 =	simm.s32 $0x800;
	_ =	swait.ge [sflag:s7], $0x4000  }
0x33: {  	s21 =	simm.s32 $0x1000;
	s18 =	sadd.s32 $0x2000, s6;
	[sflag:s7] =	ssyncset.done $0x0  }
.LBB2_2:
0x34: {  	s22 =	sshra.s32 s19, $0x2  }
0x35: {  	[sflag:s7] =	ssyncadd.s32 $0xFFFFC000;
	s19 =	smov.u32 s21;
	s20 =	sadd.s32 $0x800, s21  }
0x36: {  	[tilespmem:s9], [sflag:$0x1] =	stream.indirect.gather [hbm4b:s1+s8], $0x80, s22, s8, $0xb8;
	[tilespmem:$0x11000] =	vst v63  }
0x37: {  	p0 =	sne.s32 s21, $0x3800;
	s21 =	sadd.s32 $0x80, s22  }
0x38: {  	[tilespmem:s10], [sflag:$0x2] =	stream.indirect.gather [hbm4b:s1+s8], $0x80, s21, s8, $0xb8;
	[tilespmem:$0x11000] =	vst v63  }
0x39: {  	s21 =	sadd.s32 $0x100, s22  }
0x3a: {  	[tilespmem:s11], [sflag:$0x3] =	stream.indirect.gather [hbm4b:s1+s8], $0x80, s21, s8, $0xb8;
	[tilespmem:$0x11000] =	vst v63  }
0x3b: {  	s21 =	sadd.s32 $0x180, s22  }
0x3c: {  	[tilespmem:s12], [sflag:$0x4] =	stream.indirect.gather [hbm4b:s1+s8], $0x80, s21, s8, $0xb8;
	[tilespmem:$0x11000] =	vst v63  }
0x3d: {  	_ =	swait.ge [sflag:s13], $0x4000  }
0x3e: {  	[sflag:s13] =	ssyncset.done $0x0  }
0x3f: {  	s21 =	sadd.s32 $0xFFFFE800, s18;
	[sflag:s13] =	ssyncadd.s32 $0xFFFFC000  }
0x40: {  	[hbm4b:s21+s3] =	stream.linear.scatter [tilespmem:s9], [sflag:$0x5], $0x4000, $0x38;
	[tilespmem:$0x11000] =	vst v63  }
0x41: {  	_ =	swait.ge [sflag:s7], $0x4000  }
0x42: {  	[sflag:s7] =	ssyncset.done $0x0  }
0x43: {  	[sflag:s7] =	ssyncadd.s32 $0xFFFFC000  }
0x44: {  	_ =	swait.ge [sflag:s14], $0x4000  }
0x45: {  	[sflag:s14] =	ssyncset.done $0x0  }
0x46: {  	s21 =	sadd.s32 $0xFFFFF000, s18;
	[sflag:s14] =	ssyncadd.s32 $0xFFFFC000  }
0x47: {  	[hbm4b:s21+s3] =	stream.linear.scatter [tilespmem:s10], [sflag:$0x5], $0x4000, $0x38;
	[tilespmem:$0x11000] =	vst v63  }
0x48: {  	_ =	swait.ge [sflag:s7], $0x4000  }
0x49: {  	[sflag:s7] =	ssyncset.done $0x0  }
0x4a: {  	[sflag:s7] =	ssyncadd.s32 $0xFFFFC000  }
0x4b: {  	_ =	swait.ge [sflag:s15], $0x4000  }
0x4c: {  	[sflag:s15] =	ssyncset.done $0x0  }
0x4d: {  	s21 =	sadd.s32 $0xFFFFF800, s18;
	[sflag:s15] =	ssyncadd.s32 $0xFFFFC000  }
0x4e: {  	[hbm4b:s21+s3] =	stream.linear.scatter [tilespmem:s11], [sflag:$0x5], $0x4000, $0x38;
	[tilespmem:$0x11000] =	vst v63  }
0x4f: {  	_ =	swait.ge [sflag:s7], $0x4000  }
0x50: {  	[sflag:s7] =	ssyncset.done $0x0  }
0x51: {  	[sflag:s7] =	ssyncadd.s32 $0xFFFFC000  }
0x52: {  	_ =	swait.ge [sflag:s16], $0x4000  }
.Ltmp0:
0x53: {  	[sflag:s16] =	ssyncset.done $0x0;
	(pc) =	sbr.rel @p0 .LBB2_2-.Ltmp0, $4  }
0x54: {  	[sflag:s16] =	ssyncadd.s32 $0xFFFFC000  }
0x55: {  	[hbm4b:s18+s3] =	stream.linear.scatter [tilespmem:s12], [sflag:$0x5], $0x4000, $0x38;
	[tilespmem:$0x11000] =	vst v63  }
0x56: {  	_ =	swait.ge [sflag:s7], $0x4000  }
0x57: {  	s21 =	smov.u32 s20;
	s18 =	sadd.s32 $0x2000, s18;
	[sflag:s7] =	ssyncset.done $0x0  }
0x58: {  	s19 =	sshra.s32 s19, $0x2;
	[sflag:s7] =	ssyncadd.s32 $0xFFFFC000  }
0x59: {  	[tilespmem:s9], [sflag:$0x1] =	stream.indirect.gather [hbm4b:s1+s8], $0x80, s19, s8, $0xb8;
	[tilespmem:$0x11000] =	vst v63  }
0x5a: {  	s20 =	sadd.s32 $0x80, s19  }
0x5b: {  	[tilespmem:s10], [sflag:$0x2] =	stream.indirect.gather [hbm4b:s1+s8], $0x80, s20, s8, $0xb8;
	[tilespmem:$0x11000] =	vst v63  }
0x5c: {  	s28 =	sadd.s32 $0x100, s19  }
0x5d: {  	[tilespmem:s11], [sflag:$0x3] =	stream.indirect.gather [hbm4b:s1+s8], $0x80, s28, s8, $0xb8;
	[tilespmem:$0x11000] =	vst v63  }
0x5e: {  	s19 =	sadd.s32 $0x180, s19  }
0x5f: {  	[tilespmem:s12], [sflag:$0x4] =	stream.indirect.gather [hbm4b:s1+s8], $0x80, s19, s8, $0xb8;
	[tilespmem:$0x11000] =	vst v63  }
0x60: {  	_ =	swait.ge [sflag:s13], $0x4000  }
0x61: {  	[sflag:s13] =	ssyncset.done $0x0  }
0x62: {  	s29 =	sadd.s32 $0xFFFFE800, s18;
	[sflag:s13] =	ssyncadd.s32 $0xFFFFC000  }
0x63: {  	[hbm4b:s29+s3] =	stream.linear.scatter [tilespmem:s9], [sflag:$0x5], $0x4000, $0x38;
	[tilespmem:$0x11000] =	vst v63  }
0x64: {  	_ =	swait.ge [sflag:s7], $0x4000  }
0x65: {  	[sflag:s7] =	ssyncset.done $0x0  }
0x66: {  	[sflag:s7] =	ssyncadd.s32 $0xFFFFC000  }
0x67: {  	_ =	swait.ge [sflag:s14], $0x4000  }
0x68: {  	[sflag:s14] =	ssyncset.done $0x0  }
0x69: {  	s30 =	sadd.s32 $0xFFFFF000, s18;
	[sflag:s14] =	ssyncadd.s32 $0xFFFFC000  }
0x6a: {  	[hbm4b:s30+s3] =	stream.linear.scatter [tilespmem:s10], [sflag:$0x5], $0x4000, $0x38;
	[tilespmem:$0x11000] =	vst v63  }
0x6b: {  	_ =	swait.ge [sflag:s7], $0x4000  }
0x6c: {  	[sflag:s7] =	ssyncset.done $0x0  }
0x6d: {  	[sflag:s7] =	ssyncadd.s32 $0xFFFFC000  }
0x6e: {  	_ =	swait.ge [sflag:s15], $0x4000  }
0x6f: {  	[sflag:s15] =	ssyncset.done $0x0  }
0x70: {  	s31 =	sadd.s32 $0xFFFFF800, s18;
	[sflag:s15] =	ssyncadd.s32 $0xFFFFC000  }
0x71: {  	[hbm4b:s31+s3] =	stream.linear.scatter [tilespmem:s11], [sflag:$0x5], $0x4000, $0x38;
	[tilespmem:$0x11000] =	vst v63  }
0x72: {  	_ =	swait.ge [sflag:s7], $0x4000  }
0x73: {  	[sflag:s7] =	ssyncset.done $0x0  }
0x74: {  	[sflag:s7] =	ssyncadd.s32 $0xFFFFC000  }
0x75: {  	s17 =	sadd.s32 $0x1, s17;
	_ =	swait.ge [sflag:s16], $0x4000  }
0x76: {  	p0 =	sne.s32 s17, s5;
	[sflag:s16] =	ssyncset.done $0x0  }
.Ltmp1:
0x77: {  	[sflag:s16] =	ssyncadd.s32 $0xFFFFC000;
	(pc) =	sbr.rel @p0 .LBB2_1-.Ltmp1, $4  }
0x78: {  	[hbm4b:s18+s3] =	stream.linear.scatter [tilespmem:s12], [sflag:$0x5], $0x4000, $0x38;
	[tilespmem:$0x11000] =	vst v63  }
0x79: {  	_ =	swait.ge [sflag:s7], $0x4000  }
0x7a: {  	[sflag:s7] =	ssyncset.done $0x0  }
0x7b: {  	[sflag:s7] =	ssyncadd.s32 $0xFFFFC000  }
0x7c: {  	_ =	sfence.sel $0x180000  }
0x7d: {  	[bflag:$0x0] =	sbarrier.arrive $0xFFFF  }
0x7e: {  	p0 =	sne.s32 s2, $0x0;
	_ =	strace $0x90000047  }
0x7f: {  	s0 =	sadd.s32 @!p0 $0x100000, s0;
	[bflag:$0x2] =	sbarrier.arrive $0xFFFF  }
0x80: {  	[sflag:s0] =	ssyncadd.tile.s32 @!p0 $0x1;
	_ =	shalt  }
.Lfunc_end2:
_tile_overlayer_lowered:
.L_overlay_start_2:
0x81: {  	(tag) =	ssettag $0x2  }
0x82: {  	s0 =	rddreg [dreg:$0x0];
	s2 =	stileid.u32  }
0x83: {  	s1 =	rddreg [dreg:$0x1];
	p0 =	sne.s32 s2, $0x0  }
0x84: {  	s3 =	rddreg [dreg:$0x2];
	[bflag:$0x3] =	sbarrier.arrive $0xFFFF;
	s2 =	simm.s32 @!p0 $0x1C05  }
0x85: {  	[timem:s3], [sflag:s2] =	dma.local @!p0 [hbm:s0], s1  }
0x86: {  	s0 =	simm.s32 @!p0 $0x5  }
0x87: {  	_ =	swait.ge @!p0 [sflag:s0], s1  }
0x88: {  	s1 =	ssub.s32 @!p0 $0x0, s1;
	[sflag:s0] =	ssyncset.done @!p0 $0x0  }
0x89: {  	[sflag:s0] =	ssyncadd.s32 @!p0 s1  }
0x8a: {  	[bflag:$0x3] =	sbarrier.arrive $0xFFFF  }
0x8b: {  	_ =	shalt  }

// kernel: kernel.15.cloned.1.call-start
scs
__scs_entry_jumppad:
0x0: {  	(pc) =	sbr.rel $0x88, $3  }
0x1: {  	(tag) =	ssettag $0x0;
	lr =	simm.s32 $0x1  }
0x2: {  	[smem:$0x3F93] =	sst lr;
	_ =	strace $0xD0000000  }
0x3: {  	_ = 	snop  }
0x4: {  	_ = 	snop  }
0x5: {  	_ = 	snop  }
0x6: {  	_ = 	snop  }
0x7: {  	_ = 	snop  }
__scs_overlays_trampoline_lowered:
0x8: {  	[smem:$0x3FA2] =	sst s0  }
0x9: {  	[smem:$0x3FA3] =	sst s1  }
0xa: {  	[smem:$0x3FA4] =	sst s2  }
0xb: {  	[smem:$0x3FA5] =	sst s3  }
0xc: {  	[smem:$0x3FA6] =	sst s4  }
0xd: {  	[smem:$0x3FA7] =	sst s5  }
0xe: {  	[smem:$0x3FA8] =	sst s6  }
0xf: {  	[smem:$0x3FA9] =	sst s7  }
0x10: {  	[smem:$0x3FAA] =	sst s8  }
0x11: {  	[smem:$0x3FAB] =	sst s9;
	s0 =	simm.s32 @!p0 $0x0  }
0x12: {  	s1 =	sld [smem:$0x3F91];
	s0 =	simm.s32 @p0 $0x1  }
0x13: {  	[smem:$0x3FAC] =	sst s0;
	s0 =	simm.s32 @!p1 $0x0  }
0x14: {  	s2 =	sld [smem:$0x3F90];
	s0 =	simm.s32 @p1 $0x1  }
0x15: {  	[smem:$0x3FAD] =	sst s0;
	s0 =	simm.s32 @!p2 $0x0  }
0x16: {  	s3 =	sld [smem:$0x3FDB];
	s0 =	simm.s32 @p2 $0x1  }
0x17: {  	s4 =	simm.s32 $0x1BF5;
	[smem:$0x3FAF] =	sst s0  }
0x18: {  	s0 =	sld [smem:$0x3F92];
	_ =	swait.ge [sflag:s4], $0x0  }
0x19: {  	s7 =	sld [smem:$0x3F93]  }
0x1a: {  	s8 =	sadd.s32 $0xFFFFE003, lr  }
0x1b: {  	s9 =	sadd.s32 $0xFFFFFEF7, lr;
	s5 =	simm.s32 $0xFFFFFFFF;
	p2 =	slt.u32 s8, $0xFFFFF086  }
0x1c: {  	p1 =	slt.u32 s9, $0xF7A;
	s5 =	simm.s32 @!p2 $0x0  }
0x1d: {  	s5 =	simm.s32 @p1 $0x1;
	p0 =	seq.s32 s7, s2  }
0x1e: {  	s7 =	smul.u32 @!p0 $0xF7A, s2;
	p2 =	seq.s32 @!p0 s5, $0x0  }
0x1f: {  	s9 =	smul.u32 $0xF7A, s1;
	s8 =	simm.s32 @!p0 $0x1BF5;
	p2 =	por !p2, p0  }
0x20: {  	[sflag:s8] =	ssyncset.s32 @!p0 $0xFFFFF086;
	s6 =	sadd.s32 @!p0 s3, s7;
	s7 =	simm.s32 @!p0 $0x108  }
0x21: {  	s3 =	sadd.s32 s3, s9;
	s6 =	sadd.s32 @!p0 $0x88, s6;
	s7 =	simm.s32 @p2 $0x1082  }
0x22: {  	[simem:s7], [sflag:s8] =	dma.local @!p0 [hbm:s6], $0xF7A  }
0x23: {  	s9 =	sor.u32 $0xD0000000, s2;
	s6 =	simm.s32 $0x108;
	_ =	swait.ge @!p0 [sflag:s8], $0x0  }
0x24: {  	s3 =	sadd.s32 $0x88, s3;
	s6 =	simm.s32 @!p1 $0x1082;
	[sflag:s4] =	ssyncset.s32 $0xFFFFF086  }
0x25: {  	[simem:s6], [sflag:s4] =	dma.local [hbm:s3], $0xF7A  }
0x26: {  	[smem:$0x3F93] =	sst s1;
	(tag) =	ssettag s2;
	_ =	strace s9  }
0x27: {  	s1 =	sld [smem:$0x3FA3]  }
0x28: {  	s2 =	sld [smem:$0x3FA4]  }
0x29: {  	s4 =	sld [smem:$0x3FA6]  }
0x2a: {  	p0 =	seq.s32 s5, $0x0;
	s5 =	sld [smem:$0x3FA7]  }
0x2b: {  	s6 =	sld [smem:$0x3FA8]  }
0x2c: {  	s7 =	sld [smem:$0x3FA9]  }
0x2d: {  	s3 =	simm.s32 $0x108;
	s8 =	sld [smem:$0x3FAA]  }
0x2e: {  	s3 =	simm.s32 @!p0 $0x1082;
	s9 =	sld [smem:$0x3FAB]  }
0x2f: {  	lr =	sadd.s32 s0, s3;
	s0 =	sld [smem:$0x3FA2]  }
0x30: {  	s3 =	sld [smem:$0x3FA5]  }
0x31: {  	[smem:$0x3FAE] =	sst s10  }
0x32: {  	s10 =	sld [smem:$0x3FAC];
	_ =	sdelay $0x3  }
0x33: {  	p0 =	seq.s32 s10, $0x1;
	s10 =	sld [smem:$0x3FAE];
	_ =	sdelay $0x3  }
0x34: {  	[smem:$0x3FAE] =	sst s10  }
0x35: {  	s10 =	sld [smem:$0x3FAD];
	_ =	sdelay $0x3  }
0x36: {  	p1 =	seq.s32 s10, $0x1;
	s10 =	sld [smem:$0x3FAE];
	_ =	sdelay $0x3  }
0x37: {  	[smem:$0x3FAE] =	sst s10  }
0x38: {  	s10 =	sld [smem:$0x3FAF]  }
0x39: {  	_ = 	snop;
	(pc) =	sbr.ind lr, $3  }
0x3a: {  	_ = 	snop  }
0x3b: {  	_ = 	snop  }
0x3c: {  	p2 =	seq.s32 s10, $0x1;
	s10 =	sld [smem:$0x3FAE]  }
0x3d: {  	_ =	shalt  }
0x3e: {  	_ =	shalt  }
0x3f: {  	_ =	shalt  }
0x40: {  	_ =	shalt  }
0x41: {  	_ =	shalt  }
0x42: {  	_ =	shalt  }
0x43: {  	_ =	shalt  }
0x44: {  	_ =	shalt  }
0x45: {  	_ =	shalt  }
0x46: {  	_ =	shalt  }
0x47: {  	_ =	shalt  }
0x48: {  	_ =	shalt  }
0x49: {  	_ =	shalt  }
0x4a: {  	_ =	shalt  }
0x4b: {  	_ =	shalt  }
0x4c: {  	_ =	shalt  }
0x4d: {  	_ =	shalt  }
0x4e: {  	_ =	shalt  }
0x4f: {  	_ =	shalt  }
0x50: {  	_ =	shalt  }
0x51: {  	_ =	shalt  }
0x52: {  	_ =	shalt  }
0x53: {  	_ =	shalt  }
0x54: {  	_ =	shalt  }
0x55: {  	_ =	shalt  }
0x56: {  	_ =	shalt  }
0x57: {  	_ =	shalt  }
0x58: {  	_ =	shalt  }
0x59: {  	_ =	shalt  }
0x5a: {  	_ =	shalt  }
0x5b: {  	_ =	shalt  }
0x5c: {  	_ =	shalt  }
0x5d: {  	_ =	shalt  }
0x5e: {  	_ =	shalt  }
0x5f: {  	_ =	shalt  }
0x60: {  	_ =	shalt  }
0x61: {  	_ =	shalt  }
0x62: {  	_ =	shalt  }
0x63: {  	_ =	shalt  }
0x64: {  	_ =	shalt  }
0x65: {  	_ =	shalt  }
0x66: {  	_ =	shalt  }
0x67: {  	_ =	shalt  }
0x68: {  	_ =	shalt  }
0x69: {  	_ =	shalt  }
0x6a: {  	_ =	shalt  }
0x6b: {  	_ =	shalt  }
0x6c: {  	_ =	shalt  }
0x6d: {  	_ =	shalt  }
0x6e: {  	_ =	shalt  }
0x6f: {  	_ =	shalt  }
0x70: {  	_ =	shalt  }
0x71: {  	_ =	shalt  }
0x72: {  	_ =	shalt  }
0x73: {  	_ =	shalt  }
0x74: {  	_ =	shalt  }
0x75: {  	_ =	shalt  }
0x76: {  	_ =	shalt  }
0x77: {  	_ =	shalt  }
0x78: {  	_ =	shalt  }
0x79: {  	_ =	shalt  }
0x7a: {  	_ =	shalt  }
0x7b: {  	_ =	shalt  }
0x7c: {  	_ =	shalt  }
0x7d: {  	_ =	shalt  }
0x7e: {  	_ =	shalt  }
0x7f: {  	_ =	shalt  }
0x80: {  	_ =	shalt  }
0x81: {  	_ =	shalt  }
0x82: {  	_ =	shalt  }
0x83: {  	_ =	shalt  }
0x84: {  	_ =	shalt  }
0x85: {  	_ =	shalt  }
0x86: {  	_ =	shalt  }
0x87: {  	_ =	shalt  }
.Lfunc_end0:
.L_simem_size_0:
called_computation.1_lowered:
.L_overlay_start_0:
0x88: {  	s2 =	sld [smem:$0x3FD9]  }
0x89: {  	s3 =	sld [smem:$0x3FFE];
	_ =	sdelay $0x1  }
0x8a: {  	s1 =	srdreg.scid  }
0x8b: {  	s0 =	sand.u32 $0x1, s1  }
0x8c: {  	s16 =	sshll.u32 s0, $0xA;
	s2 =	sadd.s32 s3, s2  }
0x8d: {  	s2 =	sadd.s32 s2, s16  }
0x8e: {  	[smem:$0x3FBA] =	sst s2  }
0x8f: {  	_ = 	snop  }
0x90: {  	(tm) =	ssettm $0x1  }
0x91: {  	s17 =	sld [smem:$0x3FFB];
	_ =	sdelay $0x3  }
0x92: {  	_ =	strace s17  }
0x93: {  	s2 =	sld [smem:$0x3FFC];
	_ =	sdelay $0x3  }
0x94: {  	_ =	strace s2  }
0x95: {  	s2 =	sld [smem:$0x3FFD];
	_ =	sdelay $0x3  }
0x96: {  	_ =	strace s2  }
0x97: {  	_ =	strace $0x8FFFFFFF  }
0x98: {  	s18 =	sld [smem:$0x3FDB];
	_ =	sdelay $0x1  }
0x99: {  	s19 =	simm.s32 $_scs_section_size  }
0x9a: {  	s4 =	simm.s32 $_size__tile_overlayer_lowered;
	s5 =	simm.s32 $_tile_overlayer_lowered  }
0x9b: {  	s22 =	simm.s32 $0x1BFF;
	s21 =	sshll.u32 s5, $0x1;
	s2 =	sadd.s32 s19, s18  }
0x9c: {  	s6 =	simm.s32 $0x0;
	s20 =	sshll.u32 s4, $0x1;
	s4 =	sadd.s32 s21, s2  }
0x9d: {  	[timem:s6], [sflag:s22] =	dma.local [hbm:s4], s20  }
0x9e: {  	_ =	swait.ge [sflag:s22], s20  }
0x9f: {  	s3 =	ssub.s32 $0x0, s20;
	[sflag:s22] =	ssyncset.done $0x0  }
0xa0: {  	[sflag:s22] =	ssyncadd.s32 s3;
	_ =	sdelay $0x1  }
0xa1: {  	s23 =	simm.s32 $0x1B8B  }
0xa2: {  	_ =	swait.ge [sflag:s23], $0x1  }
0xa3: {  	[sflag:s23] =	ssyncset.done $0x0  }
0xa4: {  	s25 =	simm.s32 $0x1B8E;
	s24 =	sld [smem:$0x3FFE];
	[sflag:s23] =	ssyncadd.s32 $0xFFFFFFFF  }
0xa5: {  	s26 =	simm.s32 $execute0_lowered;
	[smem:$0x3FD2] =	sst s25  }
0xa6: {  	s4 =	sshll.u32 s26, $0x1;
	_ =	strace $0x80000049;
	[dreg:$0x1] =	wrdreg $0xFFFFFFFF  }
0xa7: {  	s28 =	simm.s32 $_size_execute0_lowered;
	s2 =	sadd.s32 s2, s4;
	[dreg:$0x0] =	wrdreg $0x0  }
0xa8: {  	s4 =	sshll.u32 s28, $0x1;
	[dreg:$0x2] =	wrdreg s2  }
0xa9: {  	[dreg:$0x3] =	wrdreg s4  }
0xaa: {  	[dreg:$0x4] =	wrdreg $0xC0  }
0xab: {  	_ =	task [dreg:s6], $0x5FFFF  }
0xac: {  	[dreg:$0x1] =	wrdreg $0xFFFFFFFF  }
0xad: {  	[dreg:$0x0] =	wrdreg $0x60  }
0xae: {  	[dreg:$0x2] =	wrdreg s24  }
0xaf: {  	[dreg:$0x3] =	wrdreg $0x9  }
0xb0: {  	_ =	task.clear_ibuf [dreg:s6], $0x4FFFF;
	_ =	strace $0x90000049  }
0xb1: {  	s29 =	simm.s32 $0x9;
	_ =	strace $0x8000004B  }
0xb2: {  	_ =	swait.ge [sflag:s29], $0x1  }
0xb3: {  	[sflag:s29] =	ssyncadd.s32 $0xFFFFFFFF  }
0xb4: {  	_ =	strace $0x9000004B  }
0xb5: {  	_ =	sfence  }
0xb6: {  	s30 =	sld [smem:$0x0];
	_ =	sdelay $0x2  }
0xb7: {  	s31 =	sshll.u32 s1, $0xD;
	s1 =	sshrl.u32 s1, $0x2  }
0xb8: {  	s3 =	sand.u32 $0x4000, s31;
	s1 =	sadd.s32 s1, s30  }
0xb9: {  	s0 =	sor.u32 s3, s0;
	s1 =	sshll.u32 s1, $0x11  }
0xba: {  	s0 =	sor.u32 s1, s0  }
0xbb: {  	s0 =	sadd.s32 $0x8F2B, s0  }
0xbc: {  	[sflag:s0] =	ssyncadd.remote.s32 $0x1  }
0xbd: {  	_ =	sfence.sel $0xFFFF  }
0xbe: {  	[dreg:$0x0] =	wrdreg $0xFFFFFFFF;
	(pc) =	sbr.abs _section_cstart, $3  }
0xbf: {  	[dreg:$0x1] =	wrdreg $0xFFFFFFFF  }
0xc0: {  	_ =	task.clear_ibuf [dreg:s6], $0x2FFFF;
	_ =	strace $0x9FFFFFFF  }
0xc1: {  	(tm) =	ssettm $0x7FFFFFFF  }
tec
execute0_lowered:
.L_overlay_start_1:
0x0: {  	(tag) =	ssettag $0x1  }
0x1: {  	s4 =	rddreg [dreg:$0x0]  }
0x2: {  	s0 =	rddreg [dreg:$0x1];
	s2 =	simm.s32 $0x0;
	s3 =	srdreg.scid  }
0x3: {  	s1 =	stileid.u32;
	s10 =	simm.s32 $0x5000;
	s11 =	simm.s32 $0x9000  }
0x4: {  	s12 =	simm.s32 $0xD000;
	s13 =	simm.s32 $0x1;
	s14 =	simm.s32 $0x2  }
0x5: {  	s15 =	simm.s32 $0x3;
	s16 =	simm.s32 $0x4;
	s17 =	simm.s32 $0x0  }
0x6: {  	[smem:$0x7FF] =	sst s2;
	s5 =	sand.u32 $0x1, s3;
	s6 =	sshll.u32 s1, $0xA  }
0x7: {  	s3 =	sadd.s32 $0x7600, s4;
	s8 =	sshll.u32 s1, $0x11;
	_ =	strace $0x8000004A  }
0x8: {  	s7 =	sshll.u32 s5, $0x9;
	s29 =	ssub.s32 $0x2, s5;
	s8 =	sadd.s32 s8, s4  }
0x9: {  	s30 =	sshll.u32 s5, $0x10;
	s6 =	sor.u32 s7, s6;
	s9 =	sshrl.u32 s29, $0x1  }
0xa: {  	s31 =	sadd.s32 s30, s8;
	s8 =	simm.s32 $0x80;
	s6 =	sadd.s32 s6, s4  }
0xb: {  	s7 =	ssub.s32 s29, s9;
	s9 =	simm.s32 $0x1000;
	s4 =	sadd.s32 $0x3600, s6  }
0xc: {  	s5 =	smax.u32 s7, $0x1;
	s6 =	sadd.s32 $0x28E00, s31;
	s7 =	simm.s32 $0x5  }
.LBB2_1:
0xd: {  	[tilespmem:s2], [sflag:$0x5] =	stream.linear.gather [hbm4b:s4+s2], $0x1000, $0x38;
	[tilespmem:$0x11000] =	vst v63  }
0xe: {  	_ =	swait.ge [sflag:s7], $0x1000  }
0xf: {  	[sflag:s7] =	ssyncset.done $0x0  }
0x10: {  	s18 =	simm.s32 $0x0;
	[sflag:s7] =	ssyncadd.s32 $0xFFFFF000  }
0x11: {  	[tilespmem:s9], [sflag:$0x1] =	stream.indirect.gather [hbm4b:s3+s8], $0x80, s18, s8, $0xb8;
	[tilespmem:$0x11000] =	vst v63  }
0x12: {  	s25 =	simm.s32 $0x80  }
0x13: {  	[tilespmem:s10], [sflag:$0x2] =	stream.indirect.gather [hbm4b:s3+s8], $0x80, s25, s8, $0xb8;
	[tilespmem:$0x11000] =	vst v63  }
0x14: {  	s26 =	simm.s32 $0x100  }
0x15: {  	[tilespmem:s11], [sflag:$0x3] =	stream.indirect.gather [hbm4b:s3+s8], $0x80, s26, s8, $0xb8;
	[tilespmem:$0x11000] =	vst v63  }
0x16: {  	s28 =	simm.s32 $0x180  }
0x17: {  	[tilespmem:s12], [sflag:$0x4] =	stream.indirect.gather [hbm4b:s3+s8], $0x80, s28, s8, $0xb8;
	[tilespmem:$0x11000] =	vst v63  }
0x18: {  	_ =	swait.ge [sflag:s13], $0x4000  }
0x19: {  	[sflag:s13] =	ssyncset.done $0x0  }
0x1a: {  	s29 =	sadd.s32 $0xFFFFE800, s6;
	[sflag:s13] =	ssyncadd.s32 $0xFFFFC000  }
0x1b: {  	[hbm4b:s29+s2] =	stream.linear.scatter [tilespmem:s9], [sflag:$0x5], $0x4000, $0x38;
	[tilespmem:$0x11000] =	vst v63  }
0x1c: {  	_ =	swait.ge [sflag:s7], $0x4000  }
0x1d: {  	[sflag:s7] =	ssyncset.done $0x0  }
0x1e: {  	[sflag:s7] =	ssyncadd.s32 $0xFFFFC000  }
0x1f: {  	_ =	swait.ge [sflag:s14], $0x4000  }
0x20: {  	[sflag:s14] =	ssyncset.done $0x0  }
0x21: {  	s30 =	sadd.s32 $0xFFFFF000, s6;
	[sflag:s14] =	ssyncadd.s32 $0xFFFFC000  }
0x22: {  	[hbm4b:s30+s2] =	stream.linear.scatter [tilespmem:s10], [sflag:$0x5], $0x4000, $0x38;
	[tilespmem:$0x11000] =	vst v63  }
0x23: {  	_ =	swait.ge [sflag:s7], $0x4000  }
0x24: {  	[sflag:s7] =	ssyncset.done $0x0  }
0x25: {  	[sflag:s7] =	ssyncadd.s32 $0xFFFFC000  }
0x26: {  	_ =	swait.ge [sflag:s15], $0x4000  }
0x27: {  	[sflag:s15] =	ssyncset.done $0x0  }
0x28: {  	s31 =	sadd.s32 $0xFFFFF800, s6;
	[sflag:s15] =	ssyncadd.s32 $0xFFFFC000  }
0x29: {  	[hbm4b:s31+s2] =	stream.linear.scatter [tilespmem:s11], [sflag:$0x5], $0x4000, $0x38;
	[tilespmem:$0x11000] =	vst v63  }
0x2a: {  	_ =	swait.ge [sflag:s7], $0x4000  }
0x2b: {  	[sflag:s7] =	ssyncset.done $0x0  }
0x2c: {  	[sflag:s7] =	ssyncadd.s32 $0xFFFFC000  }
0x2d: {  	_ =	swait.ge [sflag:s16], $0x4000  }
0x2e: {  	[sflag:s16] =	ssyncset.done $0x0  }
0x2f: {  	[sflag:s16] =	ssyncadd.s32 $0xFFFFC000  }
0x30: {  	[hbm4b:s6+s2] =	stream.linear.scatter [tilespmem:s12], [sflag:$0x5], $0x4000, $0x38;
	[tilespmem:$0x11000] =	vst v63  }
0x31: {  	s19 =	simm.s32 $0x800;
	_ =	swait.ge [sflag:s7], $0x4000  }
0x32: {  	s21 =	simm.s32 $0x1000;
	s18 =	sadd.s32 $0x2000, s6;
	[sflag:s7] =	ssyncset.done $0x0  }
.LBB2_2:
0x33: {  	s22 =	sshra.s32 s19, $0x2  }
0x34: {  	[sflag:s7] =	ssyncadd.s32 $0xFFFFC000;
	s19 =	smov.u32 s21;
	s20 =	sadd.s32 $0x800, s21  }
0x35: {  	[tilespmem:s9], [sflag:$0x1] =	stream.indirect.gather [hbm4b:s3+s8], $0x80, s22, s8, $0xb8;
	[tilespmem:$0x11000] =	vst v63  }
0x36: {  	p0 =	sne.s32 s21, $0x3800;
	s21 =	sadd.s32 $0x80, s22  }
0x37: {  	[tilespmem:s10], [sflag:$0x2] =	stream.indirect.gather [hbm4b:s3+s8], $0x80, s21, s8, $0xb8;
	[tilespmem:$0x11000] =	vst v63  }
0x38: {  	s21 =	sadd.s32 $0x100, s22  }
0x39: {  	[tilespmem:s11], [sflag:$0x3] =	stream.indirect.gather [hbm4b:s3+s8], $0x80, s21, s8, $0xb8;
	[tilespmem:$0x11000] =	vst v63  }
0x3a: {  	s21 =	sadd.s32 $0x180, s22  }
0x3b: {  	[tilespmem:s12], [sflag:$0x4] =	stream.indirect.gather [hbm4b:s3+s8], $0x80, s21, s8, $0xb8;
	[tilespmem:$0x11000] =	vst v63  }
0x3c: {  	_ =	swait.ge [sflag:s13], $0x4000  }
0x3d: {  	[sflag:s13] =	ssyncset.done $0x0  }
0x3e: {  	s21 =	sadd.s32 $0xFFFFE800, s18;
	[sflag:s13] =	ssyncadd.s32 $0xFFFFC000  }
0x3f: {  	[hbm4b:s21+s2] =	stream.linear.scatter [tilespmem:s9], [sflag:$0x5], $0x4000, $0x38;
	[tilespmem:$0x11000] =	vst v63  }
0x40: {  	_ =	swait.ge [sflag:s7], $0x4000  }
0x41: {  	[sflag:s7] =	ssyncset.done $0x0  }
0x42: {  	[sflag:s7] =	ssyncadd.s32 $0xFFFFC000  }
0x43: {  	_ =	swait.ge [sflag:s14], $0x4000  }
0x44: {  	[sflag:s14] =	ssyncset.done $0x0  }
0x45: {  	s21 =	sadd.s32 $0xFFFFF000, s18;
	[sflag:s14] =	ssyncadd.s32 $0xFFFFC000  }
0x46: {  	[hbm4b:s21+s2] =	stream.linear.scatter [tilespmem:s10], [sflag:$0x5], $0x4000, $0x38;
	[tilespmem:$0x11000] =	vst v63  }
0x47: {  	_ =	swait.ge [sflag:s7], $0x4000  }
0x48: {  	[sflag:s7] =	ssyncset.done $0x0  }
0x49: {  	[sflag:s7] =	ssyncadd.s32 $0xFFFFC000  }
0x4a: {  	_ =	swait.ge [sflag:s15], $0x4000  }
0x4b: {  	[sflag:s15] =	ssyncset.done $0x0  }
0x4c: {  	s21 =	sadd.s32 $0xFFFFF800, s18;
	[sflag:s15] =	ssyncadd.s32 $0xFFFFC000  }
0x4d: {  	[hbm4b:s21+s2] =	stream.linear.scatter [tilespmem:s11], [sflag:$0x5], $0x4000, $0x38;
	[tilespmem:$0x11000] =	vst v63  }
0x4e: {  	_ =	swait.ge [sflag:s7], $0x4000  }
0x4f: {  	[sflag:s7] =	ssyncset.done $0x0  }
0x50: {  	[sflag:s7] =	ssyncadd.s32 $0xFFFFC000  }
0x51: {  	_ =	swait.ge [sflag:s16], $0x4000  }
.Ltmp0:
0x52: {  	[sflag:s16] =	ssyncset.done $0x0;
	(pc) =	sbr.rel @p0 .LBB2_2-.Ltmp0, $4  }
0x53: {  	[sflag:s16] =	ssyncadd.s32 $0xFFFFC000  }
0x54: {  	[hbm4b:s18+s2] =	stream.linear.scatter [tilespmem:s12], [sflag:$0x5], $0x4000, $0x38;
	[tilespmem:$0x11000] =	vst v63  }
0x55: {  	_ =	swait.ge [sflag:s7], $0x4000  }
0x56: {  	s21 =	smov.u32 s20;
	s18 =	sadd.s32 $0x2000, s18;
	[sflag:s7] =	ssyncset.done $0x0  }
0x57: {  	s19 =	sshra.s32 s19, $0x2;
	[sflag:s7] =	ssyncadd.s32 $0xFFFFC000  }
0x58: {  	[tilespmem:s9], [sflag:$0x1] =	stream.indirect.gather [hbm4b:s3+s8], $0x80, s19, s8, $0xb8;
	[tilespmem:$0x11000] =	vst v63  }
0x59: {  	s20 =	sadd.s32 $0x80, s19  }
0x5a: {  	[tilespmem:s10], [sflag:$0x2] =	stream.indirect.gather [hbm4b:s3+s8], $0x80, s20, s8, $0xb8;
	[tilespmem:$0x11000] =	vst v63  }
0x5b: {  	s28 =	sadd.s32 $0x100, s19  }
0x5c: {  	[tilespmem:s11], [sflag:$0x3] =	stream.indirect.gather [hbm4b:s3+s8], $0x80, s28, s8, $0xb8;
	[tilespmem:$0x11000] =	vst v63  }
0x5d: {  	s19 =	sadd.s32 $0x180, s19  }
0x5e: {  	[tilespmem:s12], [sflag:$0x4] =	stream.indirect.gather [hbm4b:s3+s8], $0x80, s19, s8, $0xb8;
	[tilespmem:$0x11000] =	vst v63  }
0x5f: {  	_ =	swait.ge [sflag:s13], $0x4000  }
0x60: {  	[sflag:s13] =	ssyncset.done $0x0  }
0x61: {  	s29 =	sadd.s32 $0xFFFFE800, s18;
	[sflag:s13] =	ssyncadd.s32 $0xFFFFC000  }
0x62: {  	[hbm4b:s29+s2] =	stream.linear.scatter [tilespmem:s9], [sflag:$0x5], $0x4000, $0x38;
	[tilespmem:$0x11000] =	vst v63  }
0x63: {  	_ =	swait.ge [sflag:s7], $0x4000  }
0x64: {  	[sflag:s7] =	ssyncset.done $0x0  }
0x65: {  	[sflag:s7] =	ssyncadd.s32 $0xFFFFC000  }
0x66: {  	_ =	swait.ge [sflag:s14], $0x4000  }
0x67: {  	[sflag:s14] =	ssyncset.done $0x0  }
0x68: {  	s30 =	sadd.s32 $0xFFFFF000, s18;
	[sflag:s14] =	ssyncadd.s32 $0xFFFFC000  }
0x69: {  	[hbm4b:s30+s2] =	stream.linear.scatter [tilespmem:s10], [sflag:$0x5], $0x4000, $0x38;
	[tilespmem:$0x11000] =	vst v63  }
0x6a: {  	_ =	swait.ge [sflag:s7], $0x4000  }
0x6b: {  	[sflag:s7] =	ssyncset.done $0x0  }
0x6c: {  	[sflag:s7] =	ssyncadd.s32 $0xFFFFC000  }
0x6d: {  	_ =	swait.ge [sflag:s15], $0x4000  }
0x6e: {  	[sflag:s15] =	ssyncset.done $0x0  }
0x6f: {  	s31 =	sadd.s32 $0xFFFFF800, s18;
	[sflag:s15] =	ssyncadd.s32 $0xFFFFC000  }
0x70: {  	[hbm4b:s31+s2] =	stream.linear.scatter [tilespmem:s11], [sflag:$0x5], $0x4000, $0x38;
	[tilespmem:$0x11000] =	vst v63  }
0x71: {  	_ =	swait.ge [sflag:s7], $0x4000  }
0x72: {  	[sflag:s7] =	ssyncset.done $0x0  }
0x73: {  	[sflag:s7] =	ssyncadd.s32 $0xFFFFC000  }
0x74: {  	s17 =	sadd.s32 $0x1, s17;
	_ =	swait.ge [sflag:s16], $0x4000  }
0x75: {  	p0 =	sne.s32 s17, s5;
	[sflag:s16] =	ssyncset.done $0x0  }
.Ltmp1:
0x76: {  	[sflag:s16] =	ssyncadd.s32 $0xFFFFC000;
	(pc) =	sbr.rel @p0 .LBB2_1-.Ltmp1, $4  }
0x77: {  	[hbm4b:s18+s2] =	stream.linear.scatter [tilespmem:s12], [sflag:$0x5], $0x4000, $0x38;
	[tilespmem:$0x11000] =	vst v63  }
0x78: {  	_ =	swait.ge [sflag:s7], $0x4000  }
0x79: {  	[sflag:s7] =	ssyncset.done $0x0  }
0x7a: {  	[sflag:s7] =	ssyncadd.s32 $0xFFFFC000  }
0x7b: {  	_ =	sfence.sel $0x180000  }
0x7c: {  	[bflag:$0x0] =	sbarrier.arrive $0xFFFF  }
0x7d: {  	p0 =	sne.s32 s1, $0x0;
	_ =	strace $0x9000004A  }
0x7e: {  	s0 =	sadd.s32 @!p0 $0x100000, s0;
	[bflag:$0x2] =	sbarrier.arrive $0xFFFF  }
0x7f: {  	[sflag:s0] =	ssyncadd.tile.s32 @!p0 $0x1;
	_ =	shalt  }
.Lfunc_end2:
_tile_overlayer_lowered:
.L_overlay_start_2:
0x80: {  	(tag) =	ssettag $0x2  }
0x81: {  	s0 =	rddreg [dreg:$0x0];
	s2 =	stileid.u32  }
0x82: {  	s1 =	rddreg [dreg:$0x1];
	p0 =	sne.s32 s2, $0x0  }
0x83: {  	s3 =	rddreg [dreg:$0x2];
	[bflag:$0x3] =	sbarrier.arrive $0xFFFF;
	s2 =	simm.s32 @!p0 $0x1C05  }
0x84: {  	[timem:s3], [sflag:s2] =	dma.local @!p0 [hbm:s0], s1  }
0x85: {  	s0 =	simm.s32 @!p0 $0x5  }
0x86: {  	_ =	swait.ge @!p0 [sflag:s0], s1  }
0x87: {  	s1 =	ssub.s32 @!p0 $0x0, s1;
	[sflag:s0] =	ssyncset.done @!p0 $0x0  }
0x88: {  	[sflag:s0] =	ssyncadd.s32 @!p0 s1  }
0x89: {  	[bflag:$0x3] =	sbarrier.arrive $0xFFFF  }
0x8a: {  	_ =	shalt  }

// kernel: kernel.18.cloned.1.call-start
scs
__scs_entry_jumppad:
0x0: {  	(pc) =	sbr.rel $0x88, $3  }
0x1: {  	(tag) =	ssettag $0x0;
	lr =	simm.s32 $0x1  }
0x2: {  	[smem:$0x3F93] =	sst lr;
	_ =	strace $0xD0000000  }
0x3: {  	_ = 	snop  }
0x4: {  	_ = 	snop  }
0x5: {  	_ = 	snop  }
0x6: {  	_ = 	snop  }
0x7: {  	_ = 	snop  }
__scs_overlays_trampoline_lowered:
0x8: {  	[smem:$0x3FA2] =	sst s0  }
0x9: {  	[smem:$0x3FA3] =	sst s1  }
0xa: {  	[smem:$0x3FA4] =	sst s2  }
0xb: {  	[smem:$0x3FA5] =	sst s3  }
0xc: {  	[smem:$0x3FA6] =	sst s4  }
0xd: {  	[smem:$0x3FA7] =	sst s5  }
0xe: {  	[smem:$0x3FA8] =	sst s6  }
0xf: {  	[smem:$0x3FA9] =	sst s7  }
0x10: {  	[smem:$0x3FAA] =	sst s8  }
0x11: {  	[smem:$0x3FAB] =	sst s9;
	s0 =	simm.s32 @!p0 $0x0  }
0x12: {  	s1 =	sld [smem:$0x3F91];
	s0 =	simm.s32 @p0 $0x1  }
0x13: {  	[smem:$0x3FAC] =	sst s0;
	s0 =	simm.s32 @!p1 $0x0  }
0x14: {  	s2 =	sld [smem:$0x3F90];
	s0 =	simm.s32 @p1 $0x1  }
0x15: {  	[smem:$0x3FAD] =	sst s0;
	s0 =	simm.s32 @!p2 $0x0  }
0x16: {  	s3 =	sld [smem:$0x3FDB];
	s0 =	simm.s32 @p2 $0x1  }
0x17: {  	s4 =	simm.s32 $0x1BF5;
	[smem:$0x3FAF] =	sst s0  }
0x18: {  	s0 =	sld [smem:$0x3F92];
	_ =	swait.ge [sflag:s4], $0x0  }
0x19: {  	s7 =	sld [smem:$0x3F93]  }
0x1a: {  	s8 =	sadd.s32 $0xFFFFE003, lr  }
0x1b: {  	s9 =	sadd.s32 $0xFFFFFEF7, lr;
	s5 =	simm.s32 $0xFFFFFFFF;
	p2 =	slt.u32 s8, $0xFFFFF086  }
0x1c: {  	p1 =	slt.u32 s9, $0xF7A;
	s5 =	simm.s32 @!p2 $0x0  }
0x1d: {  	s5 =	simm.s32 @p1 $0x1;
	p0 =	seq.s32 s7, s2  }
0x1e: {  	s7 =	smul.u32 @!p0 $0xF7A, s2;
	p2 =	seq.s32 @!p0 s5, $0x0  }
0x1f: {  	s9 =	smul.u32 $0xF7A, s1;
	s8 =	simm.s32 @!p0 $0x1BF5;
	p2 =	por !p2, p0  }
0x20: {  	[sflag:s8] =	ssyncset.s32 @!p0 $0xFFFFF086;
	s6 =	sadd.s32 @!p0 s3, s7;
	s7 =	simm.s32 @!p0 $0x108  }
0x21: {  	s3 =	sadd.s32 s3, s9;
	s6 =	sadd.s32 @!p0 $0x88, s6;
	s7 =	simm.s32 @p2 $0x1082  }
0x22: {  	[simem:s7], [sflag:s8] =	dma.local @!p0 [hbm:s6], $0xF7A  }
0x23: {  	s9 =	sor.u32 $0xD0000000, s2;
	s6 =	simm.s32 $0x108;
	_ =	swait.ge @!p0 [sflag:s8], $0x0  }
0x24: {  	s3 =	sadd.s32 $0x88, s3;
	s6 =	simm.s32 @!p1 $0x1082;
	[sflag:s4] =	ssyncset.s32 $0xFFFFF086  }
0x25: {  	[simem:s6], [sflag:s4] =	dma.local [hbm:s3], $0xF7A  }
0x26: {  	[smem:$0x3F93] =	sst s1;
	(tag) =	ssettag s2;
	_ =	strace s9  }
0x27: {  	s1 =	sld [smem:$0x3FA3]  }
0x28: {  	s2 =	sld [smem:$0x3FA4]  }
0x29: {  	s4 =	sld [smem:$0x3FA6]  }
0x2a: {  	p0 =	seq.s32 s5, $0x0;
	s5 =	sld [smem:$0x3FA7]  }
0x2b: {  	s6 =	sld [smem:$0x3FA8]  }
0x2c: {  	s7 =	sld [smem:$0x3FA9]  }
0x2d: {  	s3 =	simm.s32 $0x108;
	s8 =	sld [smem:$0x3FAA]  }
0x2e: {  	s3 =	simm.s32 @!p0 $0x1082;
	s9 =	sld [smem:$0x3FAB]  }
0x2f: {  	lr =	sadd.s32 s0, s3;
	s0 =	sld [smem:$0x3FA2]  }
0x30: {  	s3 =	sld [smem:$0x3FA5]  }
0x31: {  	[smem:$0x3FAE] =	sst s10  }
0x32: {  	s10 =	sld [smem:$0x3FAC];
	_ =	sdelay $0x3  }
0x33: {  	p0 =	seq.s32 s10, $0x1;
	s10 =	sld [smem:$0x3FAE];
	_ =	sdelay $0x3  }
0x34: {  	[smem:$0x3FAE] =	sst s10  }
0x35: {  	s10 =	sld [smem:$0x3FAD];
	_ =	sdelay $0x3  }
0x36: {  	p1 =	seq.s32 s10, $0x1;
	s10 =	sld [smem:$0x3FAE];
	_ =	sdelay $0x3  }
0x37: {  	[smem:$0x3FAE] =	sst s10  }
0x38: {  	s10 =	sld [smem:$0x3FAF]  }
0x39: {  	_ = 	snop;
	(pc) =	sbr.ind lr, $3  }
0x3a: {  	_ = 	snop  }
0x3b: {  	_ = 	snop  }
0x3c: {  	p2 =	seq.s32 s10, $0x1;
	s10 =	sld [smem:$0x3FAE]  }
0x3d: {  	_ =	shalt  }
0x3e: {  	_ =	shalt  }
0x3f: {  	_ =	shalt  }
0x40: {  	_ =	shalt  }
0x41: {  	_ =	shalt  }
0x42: {  	_ =	shalt  }
0x43: {  	_ =	shalt  }
0x44: {  	_ =	shalt  }
0x45: {  	_ =	shalt  }
0x46: {  	_ =	shalt  }
0x47: {  	_ =	shalt  }
0x48: {  	_ =	shalt  }
0x49: {  	_ =	shalt  }
0x4a: {  	_ =	shalt  }
0x4b: {  	_ =	shalt  }
0x4c: {  	_ =	shalt  }
0x4d: {  	_ =	shalt  }
0x4e: {  	_ =	shalt  }
0x4f: {  	_ =	shalt  }
0x50: {  	_ =	shalt  }
0x51: {  	_ =	shalt  }
0x52: {  	_ =	shalt  }
0x53: {  	_ =	shalt  }
0x54: {  	_ =	shalt  }
0x55: {  	_ =	shalt  }
0x56: {  	_ =	shalt  }
0x57: {  	_ =	shalt  }
0x58: {  	_ =	shalt  }
0x59: {  	_ =	shalt  }
0x5a: {  	_ =	shalt  }
0x5b: {  	_ =	shalt  }
0x5c: {  	_ =	shalt  }
0x5d: {  	_ =	shalt  }
0x5e: {  	_ =	shalt  }
0x5f: {  	_ =	shalt  }
0x60: {  	_ =	shalt  }
0x61: {  	_ =	shalt  }
0x62: {  	_ =	shalt  }
0x63: {  	_ =	shalt  }
0x64: {  	_ =	shalt  }
0x65: {  	_ =	shalt  }
0x66: {  	_ =	shalt  }
0x67: {  	_ =	shalt  }
0x68: {  	_ =	shalt  }
0x69: {  	_ =	shalt  }
0x6a: {  	_ =	shalt  }
0x6b: {  	_ =	shalt  }
0x6c: {  	_ =	shalt  }
0x6d: {  	_ =	shalt  }
0x6e: {  	_ =	shalt  }
0x6f: {  	_ =	shalt  }
0x70: {  	_ =	shalt  }
0x71: {  	_ =	shalt  }
0x72: {  	_ =	shalt  }
0x73: {  	_ =	shalt  }
0x74: {  	_ =	shalt  }
0x75: {  	_ =	shalt  }
0x76: {  	_ =	shalt  }
0x77: {  	_ =	shalt  }
0x78: {  	_ =	shalt  }
0x79: {  	_ =	shalt  }
0x7a: {  	_ =	shalt  }
0x7b: {  	_ =	shalt  }
0x7c: {  	_ =	shalt  }
0x7d: {  	_ =	shalt  }
0x7e: {  	_ =	shalt  }
0x7f: {  	_ =	shalt  }
0x80: {  	_ =	shalt  }
0x81: {  	_ =	shalt  }
0x82: {  	_ =	shalt  }
0x83: {  	_ =	shalt  }
0x84: {  	_ =	shalt  }
0x85: {  	_ =	shalt  }
0x86: {  	_ =	shalt  }
0x87: {  	_ =	shalt  }
.Lfunc_end0:
.L_simem_size_0:
called_computation.2_lowered:
.L_overlay_start_0:
0x88: {  	s2 =	sld [smem:$0x3FD9]  }
0x89: {  	s3 =	sld [smem:$0x3FFE];
	_ =	sdelay $0x1  }
0x8a: {  	s1 =	srdreg.scid  }
0x8b: {  	s0 =	sand.u32 $0x1, s1  }
0x8c: {  	s16 =	sshll.u32 s0, $0xA;
	s2 =	sadd.s32 s3, s2  }
0x8d: {  	s2 =	sadd.s32 s2, s16  }
0x8e: {  	[smem:$0x3FBA] =	sst s2  }
0x8f: {  	_ = 	snop  }
0x90: {  	(tm) =	ssettm $0x1  }
0x91: {  	s17 =	sld [smem:$0x3FFB];
	_ =	sdelay $0x3  }
0x92: {  	_ =	strace s17  }
0x93: {  	s2 =	sld [smem:$0x3FFC];
	_ =	sdelay $0x3  }
0x94: {  	_ =	strace s2  }
0x95: {  	s2 =	sld [smem:$0x3FFD];
	_ =	sdelay $0x3  }
0x96: {  	_ =	strace s2  }
0x97: {  	_ =	strace $0x8FFFFFFF  }
0x98: {  	s18 =	sld [smem:$0x3FDB];
	_ =	sdelay $0x1  }
0x99: {  	s19 =	simm.s32 $_scs_section_size  }
0x9a: {  	s4 =	simm.s32 $_size__tile_overlayer_lowered;
	s5 =	simm.s32 $_tile_overlayer_lowered  }
0x9b: {  	s22 =	simm.s32 $0x1BFF;
	s21 =	sshll.u32 s5, $0x1;
	s2 =	sadd.s32 s19, s18  }
0x9c: {  	s6 =	simm.s32 $0x0;
	s20 =	sshll.u32 s4, $0x1;
	s4 =	sadd.s32 s21, s2  }
0x9d: {  	[timem:s6], [sflag:s22] =	dma.local [hbm:s4], s20  }
0x9e: {  	_ =	swait.ge [sflag:s22], s20  }
0x9f: {  	s3 =	ssub.s32 $0x0, s20;
	[sflag:s22] =	ssyncset.done $0x0  }
0xa0: {  	[sflag:s22] =	ssyncadd.s32 s3;
	_ =	sdelay $0x1  }
0xa1: {  	s23 =	simm.s32 $0x1B8B  }
0xa2: {  	_ =	swait.ge [sflag:s23], $0x1  }
0xa3: {  	[sflag:s23] =	ssyncset.done $0x0  }
0xa4: {  	s25 =	simm.s32 $0x1B8E;
	s24 =	sld [smem:$0x3FFE];
	[sflag:s23] =	ssyncadd.s32 $0xFFFFFFFF  }
0xa5: {  	s26 =	simm.s32 $execute0_lowered;
	[smem:$0x3FD2] =	sst s25  }
0xa6: {  	s4 =	sshll.u32 s26, $0x1;
	_ =	strace $0x8000004C;
	[dreg:$0x1] =	wrdreg $0xFFFFFFFF  }
0xa7: {  	s28 =	simm.s32 $_size_execute0_lowered;
	s2 =	sadd.s32 s2, s4;
	[dreg:$0x0] =	wrdreg $0x0  }
0xa8: {  	s4 =	sshll.u32 s28, $0x1;
	[dreg:$0x2] =	wrdreg s2  }
0xa9: {  	[dreg:$0x3] =	wrdreg s4  }
0xaa: {  	[dreg:$0x4] =	wrdreg $0xC0  }
0xab: {  	_ =	task [dreg:s6], $0x5FFFF  }
0xac: {  	[dreg:$0x1] =	wrdreg $0xFFFFFFFF  }
0xad: {  	[dreg:$0x0] =	wrdreg $0x60  }
0xae: {  	[dreg:$0x2] =	wrdreg s24  }
0xaf: {  	[dreg:$0x3] =	wrdreg $0x9  }
0xb0: {  	_ =	task.clear_ibuf [dreg:s6], $0x4FFFF;
	_ =	strace $0x9000004C  }
0xb1: {  	s29 =	simm.s32 $0x9;
	_ =	strace $0x8000004E  }
0xb2: {  	_ =	swait.ge [sflag:s29], $0x1  }
0xb3: {  	[sflag:s29] =	ssyncadd.s32 $0xFFFFFFFF  }
0xb4: {  	_ =	strace $0x9000004E  }
0xb5: {  	_ =	sfence  }
0xb6: {  	s30 =	sld [smem:$0x0];
	_ =	sdelay $0x2  }
0xb7: {  	s31 =	sshll.u32 s1, $0xD;
	s1 =	sshrl.u32 s1, $0x2  }
0xb8: {  	s3 =	sand.u32 $0x4000, s31;
	s1 =	sadd.s32 s1, s30  }
0xb9: {  	s0 =	sor.u32 s3, s0;
	s1 =	sshll.u32 s1, $0x11  }
0xba: {  	s0 =	sor.u32 s1, s0  }
0xbb: {  	s0 =	sadd.s32 $0x8F2B, s0  }
0xbc: {  	[sflag:s0] =	ssyncadd.remote.s32 $0x1  }
0xbd: {  	_ =	sfence.sel $0xFFFF  }
0xbe: {  	[dreg:$0x0] =	wrdreg $0xFFFFFFFF;
	(pc) =	sbr.abs _section_cstart, $3  }
0xbf: {  	[dreg:$0x1] =	wrdreg $0xFFFFFFFF  }
0xc0: {  	_ =	task.clear_ibuf [dreg:s6], $0x2FFFF;
	_ =	strace $0x9FFFFFFF  }
0xc1: {  	(tm) =	ssettm $0x7FFFFFFF  }
tec
execute0_lowered:
.L_overlay_start_1:
0x0: {  	(tag) =	ssettag $0x1  }
0x1: {  	s4 =	rddreg [dreg:$0x0]  }
0x2: {  	s0 =	rddreg [dreg:$0x1];
	s2 =	simm.s32 $0x0;
	s3 =	srdreg.scid  }
0x3: {  	s1 =	stileid.u32;
	s10 =	simm.s32 $0x5000;
	s11 =	simm.s32 $0x9000  }
0x4: {  	s12 =	simm.s32 $0xD000;
	s13 =	simm.s32 $0x1;
	s14 =	simm.s32 $0x2  }
0x5: {  	s15 =	simm.s32 $0x3;
	s16 =	simm.s32 $0x4;
	s17 =	simm.s32 $0x0  }
0x6: {  	[smem:$0x7FF] =	sst s2;
	s5 =	sand.u32 $0x1, s3;
	s6 =	sshll.u32 s1, $0xA  }
0x7: {  	s3 =	sadd.s32 $0x7600, s4;
	s8 =	sshll.u32 s1, $0x11;
	_ =	strace $0x8000004D  }
0x8: {  	s7 =	sshll.u32 s5, $0x9;
	s29 =	ssub.s32 $0x2, s5;
	s8 =	sadd.s32 s8, s4  }
0x9: {  	s30 =	sshll.u32 s5, $0x10;
	s6 =	sor.u32 s7, s6;
	s9 =	sshrl.u32 s29, $0x1  }
0xa: {  	s31 =	sadd.s32 s30, s8;
	s8 =	simm.s32 $0x80;
	s6 =	sadd.s32 s6, s4  }
0xb: {  	s7 =	ssub.s32 s29, s9;
	s9 =	simm.s32 $0x1000;
	s4 =	sadd.s32 $0x3600, s6  }
0xc: {  	s5 =	smax.u32 s7, $0x1;
	s6 =	sadd.s32 $0x28E00, s31;
	s7 =	simm.s32 $0x5  }
.LBB2_1:
0xd: {  	[tilespmem:s2], [sflag:$0x5] =	stream.linear.gather [hbm4b:s4+s2], $0x1000, $0x38;
	[tilespmem:$0x11000] =	vst v63  }
0xe: {  	_ =	swait.ge [sflag:s7], $0x1000  }
0xf: {  	[sflag:s7] =	ssyncset.done $0x0  }
0x10: {  	s18 =	simm.s32 $0x0;
	[sflag:s7] =	ssyncadd.s32 $0xFFFFF000  }
0x11: {  	[tilespmem:s9], [sflag:$0x1] =	stream.indirect.gather [hbm4b:s3+s8], $0x80, s18, s8, $0xb8;
	[tilespmem:$0x11000] =	vst v63  }
0x12: {  	s25 =	simm.s32 $0x80  }
0x13: {  	[tilespmem:s10], [sflag:$0x2] =	stream.indirect.gather [hbm4b:s3+s8], $0x80, s25, s8, $0xb8;
	[tilespmem:$0x11000] =	vst v63  }
0x14: {  	s26 =	simm.s32 $0x100  }
0x15: {  	[tilespmem:s11], [sflag:$0x3] =	stream.indirect.gather [hbm4b:s3+s8], $0x80, s26, s8, $0xb8;
	[tilespmem:$0x11000] =	vst v63  }
0x16: {  	s28 =	simm.s32 $0x180  }
0x17: {  	[tilespmem:s12], [sflag:$0x4] =	stream.indirect.gather [hbm4b:s3+s8], $0x80, s28, s8, $0xb8;
	[tilespmem:$0x11000] =	vst v63  }
0x18: {  	_ =	swait.ge [sflag:s13], $0x4000  }
0x19: {  	[sflag:s13] =	ssyncset.done $0x0  }
0x1a: {  	s29 =	sadd.s32 $0xFFFFE800, s6;
	[sflag:s13] =	ssyncadd.s32 $0xFFFFC000  }
0x1b: {  	[hbm4b:s29+s2] =	stream.linear.scatter [tilespmem:s9], [sflag:$0x5], $0x4000, $0x38;
	[tilespmem:$0x11000] =	vst v63  }
0x1c: {  	_ =	swait.ge [sflag:s7], $0x4000  }
0x1d: {  	[sflag:s7] =	ssyncset.done $0x0  }
0x1e: {  	[sflag:s7] =	ssyncadd.s32 $0xFFFFC000  }
0x1f: {  	_ =	swait.ge [sflag:s14], $0x4000  }
0x20: {  	[sflag:s14] =	ssyncset.done $0x0  }
0x21: {  	s30 =	sadd.s32 $0xFFFFF000, s6;
	[sflag:s14] =	ssyncadd.s32 $0xFFFFC000  }
0x22: {  	[hbm4b:s30+s2] =	stream.linear.scatter [tilespmem:s10], [sflag:$0x5], $0x4000, $0x38;
	[tilespmem:$0x11000] =	vst v63  }
0x23: {  	_ =	swait.ge [sflag:s7], $0x4000  }
0x24: {  	[sflag:s7] =	ssyncset.done $0x0  }
0x25: {  	[sflag:s7] =	ssyncadd.s32 $0xFFFFC000  }
0x26: {  	_ =	swait.ge [sflag:s15], $0x4000  }
0x27: {  	[sflag:s15] =	ssyncset.done $0x0  }
0x28: {  	s31 =	sadd.s32 $0xFFFFF800, s6;
	[sflag:s15] =	ssyncadd.s32 $0xFFFFC000  }
0x29: {  	[hbm4b:s31+s2] =	stream.linear.scatter [tilespmem:s11], [sflag:$0x5], $0x4000, $0x38;
	[tilespmem:$0x11000] =	vst v63  }
0x2a: {  	_ =	swait.ge [sflag:s7], $0x4000  }
0x2b: {  	[sflag:s7] =	ssyncset.done $0x0  }
0x2c: {  	[sflag:s7] =	ssyncadd.s32 $0xFFFFC000  }
0x2d: {  	_ =	swait.ge [sflag:s16], $0x4000  }
0x2e: {  	[sflag:s16] =	ssyncset.done $0x0  }
0x2f: {  	[sflag:s16] =	ssyncadd.s32 $0xFFFFC000  }
0x30: {  	[hbm4b:s6+s2] =	stream.linear.scatter [tilespmem:s12], [sflag:$0x5], $0x4000, $0x38;
	[tilespmem:$0x11000] =	vst v63  }
0x31: {  	s19 =	simm.s32 $0x800;
	_ =	swait.ge [sflag:s7], $0x4000  }
0x32: {  	s21 =	simm.s32 $0x1000;
	s18 =	sadd.s32 $0x2000, s6;
	[sflag:s7] =	ssyncset.done $0x0  }
.LBB2_2:
0x33: {  	s22 =	sshra.s32 s19, $0x2  }
0x34: {  	[sflag:s7] =	ssyncadd.s32 $0xFFFFC000;
	s19 =	smov.u32 s21;
	s20 =	sadd.s32 $0x800, s21  }
0x35: {  	[tilespmem:s9], [sflag:$0x1] =	stream.indirect.gather [hbm4b:s3+s8], $0x80, s22, s8, $0xb8;
	[tilespmem:$0x11000] =	vst v63  }
0x36: {  	p0 =	sne.s32 s21, $0x3800;
	s21 =	sadd.s32 $0x80, s22  }
0x37: {  	[tilespmem:s10], [sflag:$0x2] =	stream.indirect.gather [hbm4b:s3+s8], $0x80, s21, s8, $0xb8;
	[tilespmem:$0x11000] =	vst v63  }
0x38: {  	s21 =	sadd.s32 $0x100, s22  }
0x39: {  	[tilespmem:s11], [sflag:$0x3] =	stream.indirect.gather [hbm4b:s3+s8], $0x80, s21, s8, $0xb8;
	[tilespmem:$0x11000] =	vst v63  }
0x3a: {  	s21 =	sadd.s32 $0x180, s22  }
0x3b: {  	[tilespmem:s12], [sflag:$0x4] =	stream.indirect.gather [hbm4b:s3+s8], $0x80, s21, s8, $0xb8;
	[tilespmem:$0x11000] =	vst v63  }
0x3c: {  	_ =	swait.ge [sflag:s13], $0x4000  }
0x3d: {  	[sflag:s13] =	ssyncset.done $0x0  }
0x3e: {  	s21 =	sadd.s32 $0xFFFFE800, s18;
	[sflag:s13] =	ssyncadd.s32 $0xFFFFC000  }
0x3f: {  	[hbm4b:s21+s2] =	stream.linear.scatter [tilespmem:s9], [sflag:$0x5], $0x4000, $0x38;
	[tilespmem:$0x11000] =	vst v63  }
0x40: {  	_ =	swait.ge [sflag:s7], $0x4000  }
0x41: {  	[sflag:s7] =	ssyncset.done $0x0  }
0x42: {  	[sflag:s7] =	ssyncadd.s32 $0xFFFFC000  }
0x43: {  	_ =	swait.ge [sflag:s14], $0x4000  }
0x44: {  	[sflag:s14] =	ssyncset.done $0x0  }
0x45: {  	s21 =	sadd.s32 $0xFFFFF000, s18;
	[sflag:s14] =	ssyncadd.s32 $0xFFFFC000  }
0x46: {  	[hbm4b:s21+s2] =	stream.linear.scatter [tilespmem:s10], [sflag:$0x5], $0x4000, $0x38;
	[tilespmem:$0x11000] =	vst v63  }
0x47: {  	_ =	swait.ge [sflag:s7], $0x4000  }
0x48: {  	[sflag:s7] =	ssyncset.done $0x0  }
0x49: {  	[sflag:s7] =	ssyncadd.s32 $0xFFFFC000  }
0x4a: {  	_ =	swait.ge [sflag:s15], $0x4000  }
0x4b: {  	[sflag:s15] =	ssyncset.done $0x0  }
0x4c: {  	s21 =	sadd.s32 $0xFFFFF800, s18;
	[sflag:s15] =	ssyncadd.s32 $0xFFFFC000  }
0x4d: {  	[hbm4b:s21+s2] =	stream.linear.scatter [tilespmem:s11], [sflag:$0x5], $0x4000, $0x38;
	[tilespmem:$0x11000] =	vst v63  }
0x4e: {  	_ =	swait.ge [sflag:s7], $0x4000  }
0x4f: {  	[sflag:s7] =	ssyncset.done $0x0  }
0x50: {  	[sflag:s7] =	ssyncadd.s32 $0xFFFFC000  }
0x51: {  	_ =	swait.ge [sflag:s16], $0x4000  }
.Ltmp0:
0x52: {  	[sflag:s16] =	ssyncset.done $0x0;
	(pc) =	sbr.rel @p0 .LBB2_2-.Ltmp0, $4  }
0x53: {  	[sflag:s16] =	ssyncadd.s32 $0xFFFFC000  }
0x54: {  	[hbm4b:s18+s2] =	stream.linear.scatter [tilespmem:s12], [sflag:$0x5], $0x4000, $0x38;
	[tilespmem:$0x11000] =	vst v63  }
0x55: {  	_ =	swait.ge [sflag:s7], $0x4000  }
0x56: {  	s21 =	smov.u32 s20;
	s18 =	sadd.s32 $0x2000, s18;
	[sflag:s7] =	ssyncset.done $0x0  }
0x57: {  	s19 =	sshra.s32 s19, $0x2;
	[sflag:s7] =	ssyncadd.s32 $0xFFFFC000  }
0x58: {  	[tilespmem:s9], [sflag:$0x1] =	stream.indirect.gather [hbm4b:s3+s8], $0x80, s19, s8, $0xb8;
	[tilespmem:$0x11000] =	vst v63  }
0x59: {  	s20 =	sadd.s32 $0x80, s19  }
0x5a: {  	[tilespmem:s10], [sflag:$0x2] =	stream.indirect.gather [hbm4b:s3+s8], $0x80, s20, s8, $0xb8;
	[tilespmem:$0x11000] =	vst v63  }
0x5b: {  	s28 =	sadd.s32 $0x100, s19  }
0x5c: {  	[tilespmem:s11], [sflag:$0x3] =	stream.indirect.gather [hbm4b:s3+s8], $0x80, s28, s8, $0xb8;
	[tilespmem:$0x11000] =	vst v63  }
0x5d: {  	s19 =	sadd.s32 $0x180, s19  }
0x5e: {  	[tilespmem:s12], [sflag:$0x4] =	stream.indirect.gather [hbm4b:s3+s8], $0x80, s19, s8, $0xb8;
	[tilespmem:$0x11000] =	vst v63  }
0x5f: {  	_ =	swait.ge [sflag:s13], $0x4000  }
0x60: {  	[sflag:s13] =	ssyncset.done $0x0  }
0x61: {  	s29 =	sadd.s32 $0xFFFFE800, s18;
	[sflag:s13] =	ssyncadd.s32 $0xFFFFC000  }
0x62: {  	[hbm4b:s29+s2] =	stream.linear.scatter [tilespmem:s9], [sflag:$0x5], $0x4000, $0x38;
	[tilespmem:$0x11000] =	vst v63  }
0x63: {  	_ =	swait.ge [sflag:s7], $0x4000  }
0x64: {  	[sflag:s7] =	ssyncset.done $0x0  }
0x65: {  	[sflag:s7] =	ssyncadd.s32 $0xFFFFC000  }
0x66: {  	_ =	swait.ge [sflag:s14], $0x4000  }
0x67: {  	[sflag:s14] =	ssyncset.done $0x0  }
0x68: {  	s30 =	sadd.s32 $0xFFFFF000, s18;
	[sflag:s14] =	ssyncadd.s32 $0xFFFFC000  }
0x69: {  	[hbm4b:s30+s2] =	stream.linear.scatter [tilespmem:s10], [sflag:$0x5], $0x4000, $0x38;
	[tilespmem:$0x11000] =	vst v63  }
0x6a: {  	_ =	swait.ge [sflag:s7], $0x4000  }
0x6b: {  	[sflag:s7] =	ssyncset.done $0x0  }
0x6c: {  	[sflag:s7] =	ssyncadd.s32 $0xFFFFC000  }
0x6d: {  	_ =	swait.ge [sflag:s15], $0x4000  }
0x6e: {  	[sflag:s15] =	ssyncset.done $0x0  }
0x6f: {  	s31 =	sadd.s32 $0xFFFFF800, s18;
	[sflag:s15] =	ssyncadd.s32 $0xFFFFC000  }
0x70: {  	[hbm4b:s31+s2] =	stream.linear.scatter [tilespmem:s11], [sflag:$0x5], $0x4000, $0x38;
	[tilespmem:$0x11000] =	vst v63  }
0x71: {  	_ =	swait.ge [sflag:s7], $0x4000  }
0x72: {  	[sflag:s7] =	ssyncset.done $0x0  }
0x73: {  	[sflag:s7] =	ssyncadd.s32 $0xFFFFC000  }
0x74: {  	s17 =	sadd.s32 $0x1, s17;
	_ =	swait.ge [sflag:s16], $0x4000  }
0x75: {  	p0 =	sne.s32 s17, s5;
	[sflag:s16] =	ssyncset.done $0x0  }
.Ltmp1:
0x76: {  	[sflag:s16] =	ssyncadd.s32 $0xFFFFC000;
	(pc) =	sbr.rel @p0 .LBB2_1-.Ltmp1, $4  }
0x77: {  	[hbm4b:s18+s2] =	stream.linear.scatter [tilespmem:s12], [sflag:$0x5], $0x4000, $0x38;
	[tilespmem:$0x11000] =	vst v63  }
0x78: {  	_ =	swait.ge [sflag:s7], $0x4000  }
0x79: {  	[sflag:s7] =	ssyncset.done $0x0  }
0x7a: {  	[sflag:s7] =	ssyncadd.s32 $0xFFFFC000  }
0x7b: {  	_ =	sfence.sel $0x180000  }
0x7c: {  	[bflag:$0x0] =	sbarrier.arrive $0xFFFF  }
0x7d: {  	p0 =	sne.s32 s1, $0x0;
	_ =	strace $0x9000004D  }
0x7e: {  	s0 =	sadd.s32 @!p0 $0x100000, s0;
	[bflag:$0x2] =	sbarrier.arrive $0xFFFF  }
0x7f: {  	[sflag:s0] =	ssyncadd.tile.s32 @!p0 $0x1;
	_ =	shalt  }
.Lfunc_end2:
_tile_overlayer_lowered:
.L_overlay_start_2:
0x80: {  	(tag) =	ssettag $0x2  }
0x81: {  	s0 =	rddreg [dreg:$0x0];
	s2 =	stileid.u32  }
0x82: {  	s1 =	rddreg [dreg:$0x1];
	p0 =	sne.s32 s2, $0x0  }
0x83: {  	s3 =	rddreg [dreg:$0x2];
	[bflag:$0x3] =	sbarrier.arrive $0xFFFF;
	s2 =	simm.s32 @!p0 $0x1C05  }
0x84: {  	[timem:s3], [sflag:s2] =	dma.local @!p0 [hbm:s0], s1  }
0x85: {  	s0 =	simm.s32 @!p0 $0x5  }
0x86: {  	_ =	swait.ge @!p0 [sflag:s0], s1  }
0x87: {  	s1 =	ssub.s32 @!p0 $0x0, s1;
	[sflag:s0] =	ssyncset.done @!p0 $0x0  }
0x88: {  	[sflag:s0] =	ssyncadd.s32 @!p0 s1  }
0x89: {  	[bflag:$0x3] =	sbarrier.arrive $0xFFFF  }
0x8a: {  	_ =	shalt  }

</sc_bundles>
